<compile_context>
chip_gen: v7x
topology: tpu7x:2x2x1
jax: 0.10.2.dev20260603
libtpu: 0.0.44.dev20260713+nightly
codegen_flags: <defaults>
</compile_context>

<pallas_src>
import functools

import jax
import jax.numpy as jnp
from jax import lax
from jax.experimental import pallas as pl
from jax.experimental.pallas import tpu as pltpu
from jax.experimental.pallas import tpu_sc as plsc

N = 10000
D = 256
H = 256
C = 2
G = 64
E = 160000

NC = 2
NS = 16
HW = H // NC
K = 128
NBUF = 2
NPAIR = 40
EPT = 10240
EPAD = EPT * NS
NCHUNK = EPT // K
RPT = 632
NPAD = RPT * NS
DW = 16


_TC_PARAMS = pltpu.CompilerParams(vmem_limit_bytes=100 * 1024 * 1024)


def _sc_mesh():
    return plsc.VectorSubcoreMesh(core_axis_name="c", subcore_axis_name="s")


def _sc_agg(hlflat, srcs2, dst3):
    zin = jnp.zeros((NPAD, HW), jnp.float32)

    @functools.partial(
        pl.kernel,
        out_type=jax.ShapeDtypeStruct((NC * NPAD, HW), jnp.float32),
        mesh=_sc_mesh(),
        scratch_types=[
            pltpu.VMEM_SHARED((NPAD, HW), jnp.float32),
            pltpu.VMEM((NCHUNK, K), jnp.int32),
            [pltpu.VMEM((2 * K,), jnp.int32) for _ in range(2)],
            [pltpu.VMEM((K, HW), jnp.float32) for _ in range(NBUF)],
            [pltpu.SemaphoreType.DMA for _ in range(NBUF)],
            [pltpu.SemaphoreType.DMA for _ in range(NBUF)],
        ],
    )
    def k(hl_hbm, srcs_hbm, dst_hbm, zin_hbm, agg_hbm,
          agg_sh, didx, sidxp, rowss, gsems, ssems):
        c = lax.axis_index("c")
        s = lax.axis_index("s")
        r0 = s * RPT
        w = c * NS + s
        prow0 = w * NPAIR
        pltpu.sync_copy(zin_hbm.at[pl.ds(r0, RPT)], agg_sh.at[pl.ds(r0, RPT)])
        pltpu.sync_copy(dst_hbm.at[s], didx)
        plsc.subcore_barrier()

        pltpu.sync_copy(srcs_hbm.at[prow0], sidxp[0])
        pltpu.sync_copy(srcs_hbm.at[prow0 + 1], sidxp[1])
        for b in range(NBUF):
            pltpu.async_copy(
                hl_hbm.at[sidxp[0].at[pl.ds(b * K, K)]], rowss[b], gsems[b])

        def halfstep(j0, half, prefetch, reload):
            for b in range(NBUF):
                pltpu.make_async_copy(
                    hl_hbm.at[pl.ds(0, K)], rowss[b], gsems[b]).wait()
                pltpu.sync_copy(rowss[b], agg_sh.at[didx.at[j0 + b]], add=True)
                if prefetch:
                    pltpu.async_copy(
                        hl_hbm.at[sidxp[1 - half].at[pl.ds(b * K, K)]],
                        rowss[b], gsems[b])
            if reload:
                pltpu.sync_copy(srcs_hbm.at[prow0 + (j0 // 2) + 2], sidxp[half])

        def quad(q, carry):
            j0 = q * 4
            halfstep(j0, 0, True, True)
            halfstep(j0 + 2, 1, True, True)
            return carry

        lax.fori_loop(0, NCHUNK // 4 - 1, quad, 0)
        halfstep(NCHUNK - 4, 0, True, False)
        halfstep(NCHUNK - 2, 1, False, False)

        plsc.subcore_barrier()
        pltpu.sync_copy(agg_sh.at[pl.ds(r0, RPT)],
                        agg_hbm.at[pl.ds(c * NPAD + r0, RPT)])

    return k(hlflat, srcs2, dst3, zin)


def _sc_deg(dstd3):
    zin = jnp.zeros((NPAD, HW), jnp.float32)
    ones = jnp.ones((K, HW), jnp.float32)
    nch2 = NCHUNK // 2

    @functools.partial(
        pl.kernel,
        out_type=jax.ShapeDtypeStruct((NC * NPAD, HW), jnp.float32),
        mesh=_sc_mesh(),
        scratch_types=[
            pltpu.VMEM_SHARED((NPAD, HW), jnp.float32),
            pltpu.VMEM((nch2, K), jnp.int32),
            pltpu.VMEM((K, HW), jnp.float32),
        ],
    )
    def k(dst_hbm, zin_hbm, ones_hbm, deg_hbm, deg_sh, didx, ones_v):
        c = lax.axis_index("c")
        s = lax.axis_index("s")
        r0 = s * RPT
        w = c * NS + s
        pltpu.sync_copy(zin_hbm.at[pl.ds(r0, RPT)], deg_sh.at[pl.ds(r0, RPT)])
        pltpu.sync_copy(ones_hbm, ones_v)
        pltpu.sync_copy(dst_hbm.at[w], didx)
        plsc.subcore_barrier()

        def chunk(j, carry):
            pltpu.sync_copy(ones_v, deg_sh.at[didx.at[j]], add=True)
            return carry

        lax.fori_loop(0, nch2, chunk, 0)
        plsc.subcore_barrier()
        pltpu.sync_copy(deg_sh.at[pl.ds(r0, RPT)],
                        deg_hbm.at[pl.ds(c * NPAD + r0, RPT)])

    return k(dstd3, zin, ones)


def _tc_front(x, Wl, Wr):

    def body(x_ref, wl_ref, wr_ref, hl_ref, hr_ref):
        xv = x_ref[...]
        hl = jnp.dot(xv, wl_ref[...], preferred_element_type=jnp.float32)
        hr_ref[...] = jnp.dot(xv, wr_ref[...], preferred_element_type=jnp.float32)
        hl_ref[0:N, :] = hl[:, 0:HW]
        hl_ref[N:2 * N, :] = hl[:, HW:H]

    return pl.pallas_call(
        body,
        out_shape=[
            jax.ShapeDtypeStruct((NC * N, HW), jnp.float32),
            jax.ShapeDtypeStruct((N, H), jnp.float32),
        ],
        compiler_params=_TC_PARAMS,
    )(x, Wl, Wr)


def _combine(agg_ref, deg_ref, hr_ref, bl_ref, g_ref, be_ref):
    a0 = agg_ref[0:N, :]
    a1 = agg_ref[NPAD:NPAD + N, :]
    aggc = jnp.concatenate([a0, a1], axis=1)
    degv = deg_ref[0:N, 0:1] + deg_ref[NPAD:NPAD + N, 0:1]
    degv = jnp.maximum(degv, 1.0)
    t = aggc / degv + bl_ref[...][None, :] + hr_ref[...]
    m = jnp.mean(t, axis=0, keepdims=True)
    v = jnp.mean((t - m) ** 2, axis=0, keepdims=True)
    h = (t - m) * lax.rsqrt(v + 1e-5) * g_ref[...][None, :] + be_ref[...][None, :]
    return jnp.maximum(h, 0.0)


def _tc_mid(agg, deg, hr, bl, g, be, Wl, Wr):

    def body(agg_ref, deg_ref, hr_ref, bl_ref, g_ref, be_ref, wl_ref, wr_ref,
             hl_ref, hr2_ref):
        h = _combine(agg_ref, deg_ref, hr_ref, bl_ref, g_ref, be_ref)
        hl = jnp.dot(h, wl_ref[...], preferred_element_type=jnp.float32)
        hr2_ref[...] = jnp.dot(h, wr_ref[...], preferred_element_type=jnp.float32)
        hl_ref[0:N, :] = hl[:, 0:HW]
        hl_ref[N:2 * N, :] = hl[:, HW:H]

    return pl.pallas_call(
        body,
        out_shape=[
            jax.ShapeDtypeStruct((NC * N, HW), jnp.float32),
            jax.ShapeDtypeStruct((N, H), jnp.float32),
        ],
        compiler_params=_TC_PARAMS,
    )(agg, deg, hr, bl, g, be, Wl, Wr)


def _tc_final(agg, deg, hr, bl, g, be, batch, linWp, linbp):

    def body(agg_ref, deg_ref, hr_ref, bl_ref, g_ref, be_ref, b_ref, w_ref,
             wb_ref, out_ref):
        h = _combine(agg_ref, deg_ref, hr_ref, bl_ref, g_ref, be_ref)
        bb = b_ref[...]
        gids = lax.broadcasted_iota(jnp.int32, (G, N), 0)
        oh = (bb[None, :] == gids).astype(jnp.float32)
        psum = jnp.dot(oh, h, preferred_element_type=jnp.float32)
        cnt = jnp.sum(oh, axis=1, keepdims=True)
        pooled = psum / jnp.maximum(cnt, 1.0)
        out_ref[...] = (
            jnp.dot(pooled, w_ref[...], preferred_element_type=jnp.float32)
            + wb_ref[...][None, :]
        )

    return pl.pallas_call(
        body,
        out_shape=jax.ShapeDtypeStruct((G, 128), jnp.float32),
        compiler_params=_TC_PARAMS,
    )(agg, deg, hr, bl, g, be, batch, linWp, linbp)


def kernel(x, edge_index, batch, Wl1, bl1, Wr1, g1, be1, Wl2, bl2, Wr2, g2,
           be2, Wl3, bl3, Wr3, g3, be3, linW, linb):
    src = edge_index[0]
    dst = edge_index[1]
    src_p = jnp.concatenate([src, jnp.zeros((EPAD - E,), jnp.int32)])
    dst_p = jnp.concatenate([dst, jnp.full((EPAD - E,), N, jnp.int32)])
    srcs2 = jnp.concatenate([src_p, src_p + N]).reshape(NC * NS * NPAIR, 2 * K)
    dst3 = dst_p.reshape(NS, NCHUNK, K)
    dstd3 = dst_p.reshape(NC * NS, NCHUNK // 2, K)

    linWp = jnp.zeros((H, 128), jnp.float32).at[:, :C].set(linW)
    linbp = jnp.zeros((128,), jnp.float32).at[:C].set(linb)

    deg = _sc_deg(dstd3)
    hl1, hr1 = _tc_front(x, Wl1, Wr1)
    agg1 = _sc_agg(hl1, srcs2, dst3)
    hl2, hr2 = _tc_mid(agg1, deg, hr1, bl1, g1, be1, Wl2, Wr2)
    agg2 = _sc_agg(hl2, srcs2, dst3)
    hl3, hr3 = _tc_mid(agg2, deg, hr2, bl2, g2, be2, Wl3, Wr3)
    agg3 = _sc_agg(hl3, srcs2, dst3)
    outp = _tc_final(agg3, deg, hr3, bl3, g3, be3, batch, linWp, linbp)
    return outp[:, :C]

# --- scband reference (transcript-rebuilt; emitter-appended) ---
"""Pipeline reference for scband-graph-sagemodel-16939351016115 (READ-ONLY COPY).

The authoritative reference and input builder live on the scoring server;
editing this copy changes nothing except your own understanding.
"""

import jax, jax.numpy as jnp
import numpy as np

N = 10000
E = 160000
D = 256
H = 256
C = 2
G = 64


def setup_inputs(seed: int = 0) -> dict:
    key = jax.random.key(seed)
    ks = jax.random.split(key, 24)
    x = jax.random.normal(ks[0], (N, D), dtype=jnp.float32)
    edge_index = jax.random.randint(ks[1], (2, E), 0, N, dtype=jnp.int32)
    batch = jnp.sort(jax.random.randint(ks[2], (N,), 0, G, dtype=jnp.int32))

    def lin_w(k, fan_in, fan_out):
        s = 1.0 / np.sqrt(fan_in)
        return jax.random.uniform(k, (fan_in, fan_out), dtype=jnp.float32, minval=-s, maxval=s)

    def lin_b(k, fan_in, fan_out):
        s = 1.0 / np.sqrt(fan_in)
        return jax.random.uniform(k, (fan_out,), dtype=jnp.float32, minval=-s, maxval=s)

    inp = {"x": x, "edge_index": edge_index, "batch": batch}
    # SAGEConv 1: lin_l (aggregated, with bias) and lin_r (root, no bias)
    inp["Wl1"] = lin_w(ks[3], D, H); inp["bl1"] = lin_b(ks[4], D, H); inp["Wr1"] = lin_w(ks[5], D, H)
    inp["g1"] = jnp.ones((H,), jnp.float32); inp["be1"] = jnp.zeros((H,), jnp.float32)
    # SAGEConv 2
    inp["Wl2"] = lin_w(ks[6], H, H); inp["bl2"] = lin_b(ks[7], H, H); inp["Wr2"] = lin_w(ks[8], H, H)
    inp["g2"] = jnp.ones((H,), jnp.float32); inp["be2"] = jnp.zeros((H,), jnp.float32)
    # SAGEConv 3
    inp["Wl3"] = lin_w(ks[9], H, H); inp["bl3"] = lin_b(ks[10], H, H); inp["Wr3"] = lin_w(ks[11], H, H)
    inp["g3"] = jnp.ones((H,), jnp.float32); inp["be3"] = jnp.zeros((H,), jnp.float32)
    # final classifier
    inp["linW"] = lin_w(ks[12], H, C); inp["linb"] = lin_b(ks[13], H, C)
    return inp


def _sage_conv(x, edge_index, Wl, bl, Wr):
    src = edge_index[0]
    dst = edge_index[1]
    msg = x[src]
    agg_sum = jax.ops.segment_sum(msg, dst, num_segments=N)
    deg = jax.ops.segment_sum(jnp.ones((edge_index.shape[1],), dtype=x.dtype), dst, num_segments=N)
    agg = agg_sum / jnp.clip(deg, 1.0)[:, None]
    return agg @ Wl + bl + x @ Wr


def _batch_norm(x, gamma, beta):
    m = jnp.mean(x, axis=0)
    v = jnp.var(x, axis=0)
    return (x - m) / jnp.sqrt(v + 1e-5) * gamma + beta


def _global_mean_pool(x, batch):
    sums = jax.ops.segment_sum(x, batch, num_segments=G)
    cnt = jax.ops.segment_sum(jnp.ones((x.shape[0],), dtype=x.dtype), batch, num_segments=G)
    return sums / jnp.clip(cnt, 1.0)[:, None]


def reference(x, edge_index, batch, Wl1, bl1, Wr1, g1, be1, Wl2, bl2, Wr2, g2, be2, Wl3, bl3, Wr3, g3, be3, linW, linb):
    h = x.astype(jnp.float32)
    h = _sage_conv(h, edge_index, Wl1, bl1, Wr1)
    h = _batch_norm(h, g1, be1)
    h = jax.nn.relu(h)
    # dropout is identity in eval mode
    h = _sage_conv(h, edge_index, Wl2, bl2, Wr2)
    h = _batch_norm(h, g2, be2)
    h = jax.nn.relu(h)
    h = _sage_conv(h, edge_index, Wl3, bl3, Wr3)
    h = _batch_norm(h, g3, be3)
    h = jax.nn.relu(h)
    pooled = _global_mean_pool(h, batch)
    return pooled @ linW + linb

if __name__ == "__main__":
    import jax
    _d = setup_inputs()
    print(jax.jit(kernel)(*tuple(_d.values())))

</pallas_src>

<mosaic_0001>
#map = affine_map<(d0, d1) -> (0, 0)>
#map1 = affine_map<(d0, d1) -> (0, 0, 0)>
module attributes {stable_mosaic.version = 14 : i64} {
  func.func @k(%arg0: i32, %arg1: i32, %arg2: memref<20000x128xf32, #tpu.memory_space<hbm>>, %arg3: memref<1280x256xi32, #tpu.memory_space<hbm>>, %arg4: memref<16x80x128xi32, #tpu.memory_space<hbm>>, %arg5: memref<10112x128xf32, #tpu.memory_space<hbm>>, %arg6: memref<20224x128xf32, #tpu.memory_space<hbm>>, %arg7: memref<10112x128xf32, #tpu.memory_space<vmem_shared>>, %arg8: memref<80x128xi32, #tpu.memory_space<vmem>>, %arg9: memref<256xi32, #tpu.memory_space<vmem>>, %arg10: memref<256xi32, #tpu.memory_space<vmem>>, %arg11: memref<128x128xf32, #tpu.memory_space<vmem>>, %arg12: memref<128x128xf32, #tpu.memory_space<vmem>>, %arg13: memref<!tpu.dma_semaphore, #tpu.memory_space<semaphore_mem>>, %arg14: memref<!tpu.dma_semaphore, #tpu.memory_space<semaphore_mem>>, %arg15: memref<!tpu.dma_semaphore, #tpu.memory_space<semaphore_mem>>, %arg16: memref<!tpu.dma_semaphore, #tpu.memory_space<semaphore_mem>>) attributes {dimension_semantics = [#tpu.dimension_semantics<core_parallel>, #tpu.dimension_semantics<subcore_parallel>], iteration_bounds = array<i64: 2, 16>, scalar_prefetch = 0 : i64, scratch_operands = 10 : i64, tpu.core_type = #tpu.core_type<sc_vector_subcore>, window_params = [{transform_indices = #map}, {transform_indices = #map}, {transform_indices = #map1}, {transform_indices = #map}, {transform_indices = #map}]} {
    %mul3A = arith.constant 632 : i32
    %mul3A_0 = arith.muli %arg1, %mul3A : i32
    %mul3A_1 = arith.constant 16 : i32
    %mul3A_2 = arith.muli %arg0, %mul3A_1 : i32
    %add3A = arith.addi %mul3A_2, %arg1 : i32
    %mul3A_3 = arith.constant 40 : i32
    %mul3A_4 = arith.muli %add3A, %mul3A_3 : i32
    "tpu.region"() ({
      %run_scoped3A_61 = tpu.sem_alloc : memref<!tpu.dma_semaphore, #tpu.memory_space<semaphore_mem>>
      %dma_start3A_62 = arith.constant 0 : i32
      %dma_start3A_63 = tpu.memref_slice %arg7[%mul3A_0, %dma_start3A_62] : memref<10112x128xf32, #tpu.memory_space<vmem_shared>> -> memref<632x128xf32, #tpu.memory_space<vmem_shared>>
      %dma_start3A_64 = arith.constant 0 : i32
      %dma_start3A_65 = tpu.memref_slice %arg5[%mul3A_0, %dma_start3A_64] : memref<10112x128xf32, #tpu.memory_space<hbm>> -> memref<632x128xf32, #tpu.memory_space<hbm>>
      tpu.enqueue_dma source(%dma_start3A_65 : memref<632x128xf32, #tpu.memory_space<hbm>>) target(%dma_start3A_63 : memref<632x128xf32, #tpu.memory_space<vmem_shared>>) target_semaphore(%run_scoped3A_61 : memref<!tpu.dma_semaphore, #tpu.memory_space<semaphore_mem>>)
      %dma_wait3A_66 = arith.constant 0 : i32
      %dma_wait3A_67 = tpu.memref_slice %arg7[%mul3A_0, %dma_wait3A_66] : memref<10112x128xf32, #tpu.memory_space<vmem_shared>> -> memref<632x128xf32, #tpu.memory_space<vmem_shared>>
      %dma_wait3A_68 = arith.constant 0 : i32
      %dma_wait3A_69 = tpu.memref_slice %arg5[%mul3A_0, %dma_wait3A_68] : memref<10112x128xf32, #tpu.memory_space<hbm>> -> memref<632x128xf32, #tpu.memory_space<hbm>>
      tpu.wait_dma2 semaphore(%run_scoped3A_61 : memref<!tpu.dma_semaphore, #tpu.memory_space<semaphore_mem>>) src(%dma_wait3A_69 : memref<632x128xf32, #tpu.memory_space<hbm>>) dst(%dma_wait3A_67 : memref<632x128xf32, #tpu.memory_space<vmem_shared>>)
      tpu.yield
    }) : () -> ()
    "tpu.region"() ({
      %run_scoped3A_61 = tpu.sem_alloc : memref<!tpu.dma_semaphore, #tpu.memory_space<semaphore_mem>>
      %dma_start3A_62 = arith.constant 0 : i32
      %dma_start3A_63 = arith.constant 0 : i32
      %dma_start3A_64 = tpu.memref_slice %arg4[%arg1, %dma_start3A_62, %dma_start3A_63] : memref<16x80x128xi32, #tpu.memory_space<hbm>> -> memref<1x80x128xi32, #tpu.memory_space<hbm>>
      %dma_start3A_65 = tpu.memref_squeeze %dma_start3A_64 : memref<1x80x128xi32, #tpu.memory_space<hbm>> -> memref<80x128xi32, #tpu.memory_space<hbm>>
      %dma_start3A_66 = arith.constant 0 : i32
      %dma_start3A_67 = arith.constant 0 : i32
      %dma_start3A_68 = tpu.memref_slice %arg4[%arg1, %dma_start3A_66, %dma_start3A_67] : memref<16x80x128xi32, #tpu.memory_space<hbm>> -> memref<1x80x128xi32, #tpu.memory_space<hbm>>
      %dma_start3A_69 = tpu.memref_squeeze %dma_start3A_68 : memref<1x80x128xi32, #tpu.memory_space<hbm>> -> memref<80x128xi32, #tpu.memory_space<hbm>>
      tpu.enqueue_dma source(%dma_start3A_69 : memref<80x128xi32, #tpu.memory_space<hbm>>) target(%arg8 : memref<80x128xi32, #tpu.memory_space<vmem>>) target_semaphore(%run_scoped3A_61 : memref<!tpu.dma_semaphore, #tpu.memory_space<semaphore_mem>>)
      %dma_wait3A_70 = arith.constant 0 : i32
      %dma_wait3A_71 = arith.constant 0 : i32
      %dma_wait3A_72 = tpu.memref_slice %arg4[%arg1, %dma_wait3A_70, %dma_wait3A_71] : memref<16x80x128xi32, #tpu.memory_space<hbm>> -> memref<1x80x128xi32, #tpu.memory_space<hbm>>
      %dma_wait3A_73 = tpu.memref_squeeze %dma_wait3A_72 : memref<1x80x128xi32, #tpu.memory_space<hbm>> -> memref<80x128xi32, #tpu.memory_space<hbm>>
      %dma_wait3A_74 = arith.constant 0 : i32
      %dma_wait3A_75 = arith.constant 0 : i32
      %dma_wait3A_76 = tpu.memref_slice %arg4[%arg1, %dma_wait3A_74, %dma_wait3A_75] : memref<16x80x128xi32, #tpu.memory_space<hbm>> -> memref<1x80x128xi32, #tpu.memory_space<hbm>>
      %dma_wait3A_77 = tpu.memref_squeeze %dma_wait3A_76 : memref<1x80x128xi32, #tpu.memory_space<hbm>> -> memref<80x128xi32, #tpu.memory_space<hbm>>
      tpu.wait_dma2 semaphore(%run_scoped3A_61 : memref<!tpu.dma_semaphore, #tpu.memory_space<semaphore_mem>>) src(%dma_wait3A_77 : memref<80x128xi32, #tpu.memory_space<hbm>>) dst(%arg8 : memref<80x128xi32, #tpu.memory_space<vmem>>)
      tpu.yield
    }) : () -> ()
    %barrier3A = arith.constant 0 : index
    tpu.barrier barrier_id(%barrier3A)
    "tpu.region"() ({
      %run_scoped3A_61 = tpu.sem_alloc : memref<!tpu.dma_semaphore, #tpu.memory_space<semaphore_mem>>
      %dma_start3A_62 = arith.constant 0 : i32
      %dma_start3A_63 = tpu.memref_slice %arg3[%mul3A_4, %dma_start3A_62] : memref<1280x256xi32, #tpu.memory_space<hbm>> -> memref<1x256xi32, #tpu.memory_space<hbm>>
      %dma_start3A_64 = tpu.memref_squeeze %dma_start3A_63 : memref<1x256xi32, #tpu.memory_space<hbm>> -> memref<256xi32, #tpu.memory_space<hbm>>
      %dma_start3A_65 = arith.constant 0 : i32
      %dma_start3A_66 = tpu.memref_slice %arg3[%mul3A_4, %dma_start3A_65] : memref<1280x256xi32, #tpu.memory_space<hbm>> -> memref<1x256xi32, #tpu.memory_space<hbm>>
      %dma_start3A_67 = tpu.memref_squeeze %dma_start3A_66 : memref<1x256xi32, #tpu.memory_space<hbm>> -> memref<256xi32, #tpu.memory_space<hbm>>
      tpu.enqueue_dma source(%dma_start3A_67 : memref<256xi32, #tpu.memory_space<hbm>>) target(%arg9 : memref<256xi32, #tpu.memory_space<vmem>>) target_semaphore(%run_scoped3A_61 : memref<!tpu.dma_semaphore, #tpu.memory_space<semaphore_mem>>)
      %dma_wait3A_68 = arith.constant 0 : i32
      %dma_wait3A_69 = tpu.memref_slice %arg3[%mul3A_4, %dma_wait3A_68] : memref<1280x256xi32, #tpu.memory_space<hbm>> -> memref<1x256xi32, #tpu.memory_space<hbm>>
      %dma_wait3A_70 = tpu.memref_squeeze %dma_wait3A_69 : memref<1x256xi32, #tpu.memory_space<hbm>> -> memref<256xi32, #tpu.memory_space<hbm>>
      %dma_wait3A_71 = arith.constant 0 : i32
      %dma_wait3A_72 = tpu.memref_slice %arg3[%mul3A_4, %dma_wait3A_71] : memref<1280x256xi32, #tpu.memory_space<hbm>> -> memref<1x256xi32, #tpu.memory_space<hbm>>
      %dma_wait3A_73 = tpu.memref_squeeze %dma_wait3A_72 : memref<1x256xi32, #tpu.memory_space<hbm>> -> memref<256xi32, #tpu.memory_space<hbm>>
      tpu.wait_dma2 semaphore(%run_scoped3A_61 : memref<!tpu.dma_semaphore, #tpu.memory_space<semaphore_mem>>) src(%dma_wait3A_73 : memref<256xi32, #tpu.memory_space<hbm>>) dst(%arg9 : memref<256xi32, #tpu.memory_space<vmem>>)
      tpu.yield
    }) : () -> ()
    %add3A_5 = arith.constant 1 : i32
    %add3A_6 = arith.addi %mul3A_4, %add3A_5 : i32
    "tpu.region"() ({
      %run_scoped3A_61 = tpu.sem_alloc : memref<!tpu.dma_semaphore, #tpu.memory_space<semaphore_mem>>
      %dma_start3A_62 = arith.constant 0 : i32
      %dma_start3A_63 = tpu.memref_slice %arg3[%add3A_6, %dma_start3A_62] : memref<1280x256xi32, #tpu.memory_space<hbm>> -> memref<1x256xi32, #tpu.memory_space<hbm>>
      %dma_start3A_64 = tpu.memref_squeeze %dma_start3A_63 : memref<1x256xi32, #tpu.memory_space<hbm>> -> memref<256xi32, #tpu.memory_space<hbm>>
      %dma_start3A_65 = arith.constant 0 : i32
      %dma_start3A_66 = tpu.memref_slice %arg3[%add3A_6, %dma_start3A_65] : memref<1280x256xi32, #tpu.memory_space<hbm>> -> memref<1x256xi32, #tpu.memory_space<hbm>>
      %dma_start3A_67 = tpu.memref_squeeze %dma_start3A_66 : memref<1x256xi32, #tpu.memory_space<hbm>> -> memref<256xi32, #tpu.memory_space<hbm>>
      tpu.enqueue_dma source(%dma_start3A_67 : memref<256xi32, #tpu.memory_space<hbm>>) target(%arg10 : memref<256xi32, #tpu.memory_space<vmem>>) target_semaphore(%run_scoped3A_61 : memref<!tpu.dma_semaphore, #tpu.memory_space<semaphore_mem>>)
      %dma_wait3A_68 = arith.constant 0 : i32
      %dma_wait3A_69 = tpu.memref_slice %arg3[%add3A_6, %dma_wait3A_68] : memref<1280x256xi32, #tpu.memory_space<hbm>> -> memref<1x256xi32, #tpu.memory_space<hbm>>
      %dma_wait3A_70 = tpu.memref_squeeze %dma_wait3A_69 : memref<1x256xi32, #tpu.memory_space<hbm>> -> memref<256xi32, #tpu.memory_space<hbm>>
      %dma_wait3A_71 = arith.constant 0 : i32
      %dma_wait3A_72 = tpu.memref_slice %arg3[%add3A_6, %dma_wait3A_71] : memref<1280x256xi32, #tpu.memory_space<hbm>> -> memref<1x256xi32, #tpu.memory_space<hbm>>
      %dma_wait3A_73 = tpu.memref_squeeze %dma_wait3A_72 : memref<1x256xi32, #tpu.memory_space<hbm>> -> memref<256xi32, #tpu.memory_space<hbm>>
      tpu.wait_dma2 semaphore(%run_scoped3A_61 : memref<!tpu.dma_semaphore, #tpu.memory_space<semaphore_mem>>) src(%dma_wait3A_73 : memref<256xi32, #tpu.memory_space<hbm>>) dst(%arg10 : memref<256xi32, #tpu.memory_space<vmem>>)
      tpu.yield
    }) : () -> ()
    %dma_start3A = arith.constant 0 : i32
    %dma_start3A_7 = tpu.memref_slice %arg9[%dma_start3A] : memref<256xi32, #tpu.memory_space<vmem>> -> memref<128xi32, #tpu.memory_space<vmem>>
    %dma_start3A_8 = arith.constant 0 : i32
    %dma_start3A_9 = arith.constant 0 : i32
    %dma_start3A_10 = tpu.memref_slice %arg2[%dma_start3A_8, %dma_start3A_9] : memref<20000x128xf32, #tpu.memory_space<hbm>> -> memref<20000x128xf32, #tpu.memory_space<hbm>>
    tpu.enqueue_indirect_dma source(%dma_start3A_10 : memref<20000x128xf32, #tpu.memory_space<hbm>>) target(%arg11 : memref<128x128xf32, #tpu.memory_space<vmem>>) offsets(%dma_start3A_7 : memref<128xi32, #tpu.memory_space<vmem>>) semaphore(%arg13 : memref<!tpu.dma_semaphore, #tpu.memory_space<semaphore_mem>>)
    %dma_start3A_11 = arith.constant 128 : i32
    %dma_start3A_12 = tpu.memref_slice %arg9[%dma_start3A_11] : memref<256xi32, #tpu.memory_space<vmem>> -> memref<128xi32, #tpu.memory_space<vmem>>
    %dma_start3A_13 = arith.constant 0 : i32
    %dma_start3A_14 = arith.constant 0 : i32
    %dma_start3A_15 = tpu.memref_slice %arg2[%dma_start3A_13, %dma_start3A_14] : memref<20000x128xf32, #tpu.memory_space<hbm>> -> memref<20000x128xf32, #tpu.memory_space<hbm>>
    tpu.enqueue_indirect_dma source(%dma_start3A_15 : memref<20000x128xf32, #tpu.memory_space<hbm>>) target(%arg12 : memref<128x128xf32, #tpu.memory_space<vmem>>) offsets(%dma_start3A_12 : memref<128xi32, #tpu.memory_space<vmem>>) semaphore(%arg14 : memref<!tpu.dma_semaphore, #tpu.memory_space<semaphore_mem>>)
    %scan3A = arith.constant 0 : i32
    %scan3A_16 = arith.constant 0 : i32
    %scan3A_17 = arith.constant 19 : i32
    %scan3A_18 = arith.addi %scan3A_16, %scan3A_17 : i32
    %scan3A_19 = arith.constant 1 : i32
    scf.for %scan3A_61 = %scan3A_16 to %scan3A_18 step %scan3A_19  : i32 {
      %mul3A_62 = arith.constant 4 : i32
      %mul3A_63 = arith.muli %scan3A_61, %mul3A_62 : i32
      %dma_wait3A_64 = arith.constant 0 : i32
      %dma_wait3A_65 = arith.constant 0 : i32
      %dma_wait3A_66 = tpu.memref_slice %arg2[%dma_wait3A_64, %dma_wait3A_65] : memref<20000x128xf32, #tpu.memory_space<hbm>> -> memref<128x128xf32, #tpu.memory_space<hbm>>
      %dma_wait3A_67 = arith.constant 0 : i32
      %dma_wait3A_68 = arith.constant 0 : i32
      %dma_wait3A_69 = tpu.memref_slice %arg2[%dma_wait3A_67, %dma_wait3A_68] : memref<20000x128xf32, #tpu.memory_space<hbm>> -> memref<128x128xf32, #tpu.memory_space<hbm>>
      tpu.wait_dma2 semaphore(%arg13 : memref<!tpu.dma_semaphore, #tpu.memory_space<semaphore_mem>>) src(%dma_wait3A_69 : memref<128x128xf32, #tpu.memory_space<hbm>>) dst(%arg11 : memref<128x128xf32, #tpu.memory_space<vmem>>)
      %add3A_70 = arith.constant 0 : i32
      %add3A_71 = arith.addi %mul3A_63, %add3A_70 : i32
      "tpu.region"() ({
        %run_scoped3A_164 = tpu.sem_alloc : memref<!tpu.dma_semaphore, #tpu.memory_space<semaphore_mem>>
        %dma_start3A_165 = arith.constant 0 : i32
        %dma_start3A_166 = tpu.memref_slice %arg8[%add3A_71, %dma_start3A_165] : memref<80x128xi32, #tpu.memory_space<vmem>> -> memref<1x128xi32, #tpu.memory_space<vmem>>
        %dma_start3A_167 = tpu.memref_squeeze %dma_start3A_166 : memref<1x128xi32, #tpu.memory_space<vmem>> -> memref<128xi32, #tpu.memory_space<vmem>>
        %dma_start3A_168 = arith.constant 0 : i32
        %dma_start3A_169 = arith.constant 0 : i32
        %dma_start3A_170 = tpu.memref_slice %arg7[%dma_start3A_168, %dma_start3A_169] : memref<10112x128xf32, #tpu.memory_space<vmem_shared>> -> memref<10112x128xf32, #tpu.memory_space<vmem_shared>>
        tpu.enqueue_indirect_dma source(%arg11 : memref<128x128xf32, #tpu.memory_space<vmem>>) target(%dma_start3A_170 : memref<10112x128xf32, #tpu.memory_space<vmem_shared>>) offsets(%dma_start3A_167 : memref<128xi32, #tpu.memory_space<vmem>>) semaphore(%run_scoped3A_164 : memref<!tpu.dma_semaphore, #tpu.memory_space<semaphore_mem>>) {add = true}
        %dma_wait3A_171 = arith.constant 0 : i32
        %dma_wait3A_172 = tpu.memref_slice %arg8[%add3A_71, %dma_wait3A_171] : memref<80x128xi32, #tpu.memory_space<vmem>> -> memref<1x128xi32, #tpu.memory_space<vmem>>
        %dma_wait3A_173 = tpu.memref_squeeze %dma_wait3A_172 : memref<1x128xi32, #tpu.memory_space<vmem>> -> memref<128xi32, #tpu.memory_space<vmem>>
        %dma_wait3A_174 = arith.constant 0 : i32
        %dma_wait3A_175 = arith.constant 0 : i32
        %dma_wait3A_176 = tpu.memref_slice %arg7[%dma_wait3A_174, %dma_wait3A_175] : memref<10112x128xf32, #tpu.memory_space<vmem_shared>> -> memref<10112x128xf32, #tpu.memory_space<vmem_shared>>
        tpu.wait_indirect_dma semaphore(%run_scoped3A_164 : memref<!tpu.dma_semaphore, #tpu.memory_space<semaphore_mem>>) src(%arg11 : memref<128x128xf32, #tpu.memory_space<vmem>>) dst(%dma_wait3A_176 : memref<10112x128xf32, #tpu.memory_space<vmem_shared>>)
        tpu.yield
      }) : () -> ()
      %dma_start3A_72 = arith.constant 0 : i32
      %dma_start3A_73 = tpu.memref_slice %arg10[%dma_start3A_72] : memref<256xi32, #tpu.memory_space<vmem>> -> memref<128xi32, #tpu.memory_space<vmem>>
      %dma_start3A_74 = arith.constant 0 : i32
      %dma_start3A_75 = arith.constant 0 : i32
      %dma_start3A_76 = tpu.memref_slice %arg2[%dma_start3A_74, %dma_start3A_75] : memref<20000x128xf32, #tpu.memory_space<hbm>> -> memref<20000x128xf32, #tpu.memory_space<hbm>>
      tpu.enqueue_indirect_dma source(%dma_start3A_76 : memref<20000x128xf32, #tpu.memory_space<hbm>>) target(%arg11 : memref<128x128xf32, #tpu.memory_space<vmem>>) offsets(%dma_start3A_73 : memref<128xi32, #tpu.memory_space<vmem>>) semaphore(%arg13 : memref<!tpu.dma_semaphore, #tpu.memory_space<semaphore_mem>>)
      %dma_wait3A_77 = arith.constant 0 : i32
      %dma_wait3A_78 = arith.constant 0 : i32
      %dma_wait3A_79 = tpu.memref_slice %arg2[%dma_wait3A_77, %dma_wait3A_78] : memref<20000x128xf32, #tpu.memory_space<hbm>> -> memref<128x128xf32, #tpu.memory_space<hbm>>
      %dma_wait3A_80 = arith.constant 0 : i32
      %dma_wait3A_81 = arith.constant 0 : i32
      %dma_wait3A_82 = tpu.memref_slice %arg2[%dma_wait3A_80, %dma_wait3A_81] : memref<20000x128xf32, #tpu.memory_space<hbm>> -> memref<128x128xf32, #tpu.memory_space<hbm>>
      tpu.wait_dma2 semaphore(%arg14 : memref<!tpu.dma_semaphore, #tpu.memory_space<semaphore_mem>>) src(%dma_wait3A_82 : memref<128x128xf32, #tpu.memory_space<hbm>>) dst(%arg12 : memref<128x128xf32, #tpu.memory_space<vmem>>)
      %add3A_83 = arith.constant 1 : i32
      %add3A_84 = arith.addi %mul3A_63, %add3A_83 : i32
      "tpu.region"() ({
        %run_scoped3A_164 = tpu.sem_alloc : memref<!tpu.dma_semaphore, #tpu.memory_space<semaphore_mem>>
        %dma_start3A_165 = arith.constant 0 : i32
        %dma_start3A_166 = tpu.memref_slice %arg8[%add3A_84, %dma_start3A_165] : memref<80x128xi32, #tpu.memory_space<vmem>> -> memref<1x128xi32, #tpu.memory_space<vmem>>
        %dma_start3A_167 = tpu.memref_squeeze %dma_start3A_166 : memref<1x128xi32, #tpu.memory_space<vmem>> -> memref<128xi32, #tpu.memory_space<vmem>>
        %dma_start3A_168 = arith.constant 0 : i32
        %dma_start3A_169 = arith.constant 0 : i32
        %dma_start3A_170 = tpu.memref_slice %arg7[%dma_start3A_168, %dma_start3A_169] : memref<10112x128xf32, #tpu.memory_space<vmem_shared>> -> memref<10112x128xf32, #tpu.memory_space<vmem_shared>>
        tpu.enqueue_indirect_dma source(%arg12 : memref<128x128xf32, #tpu.memory_space<vmem>>) target(%dma_start3A_170 : memref<10112x128xf32, #tpu.memory_space<vmem_shared>>) offsets(%dma_start3A_167 : memref<128xi32, #tpu.memory_space<vmem>>) semaphore(%run_scoped3A_164 : memref<!tpu.dma_semaphore, #tpu.memory_space<semaphore_mem>>) {add = true}
        %dma_wait3A_171 = arith.constant 0 : i32
        %dma_wait3A_172 = tpu.memref_slice %arg8[%add3A_84, %dma_wait3A_171] : memref<80x128xi32, #tpu.memory_space<vmem>> -> memref<1x128xi32, #tpu.memory_space<vmem>>
        %dma_wait3A_173 = tpu.memref_squeeze %dma_wait3A_172 : memref<1x128xi32, #tpu.memory_space<vmem>> -> memref<128xi32, #tpu.memory_space<vmem>>
        %dma_wait3A_174 = arith.constant 0 : i32
        %dma_wait3A_175 = arith.constant 0 : i32
        %dma_wait3A_176 = tpu.memref_slice %arg7[%dma_wait3A_174, %dma_wait3A_175] : memref<10112x128xf32, #tpu.memory_space<vmem_shared>> -> memref<10112x128xf32, #tpu.memory_space<vmem_shared>>
        tpu.wait_indirect_dma semaphore(%run_scoped3A_164 : memref<!tpu.dma_semaphore, #tpu.memory_space<semaphore_mem>>) src(%arg12 : memref<128x128xf32, #tpu.memory_space<vmem>>) dst(%dma_wait3A_176 : memref<10112x128xf32, #tpu.memory_space<vmem_shared>>)
        tpu.yield
      }) : () -> ()
      %dma_start3A_85 = arith.constant 128 : i32
      %dma_start3A_86 = tpu.memref_slice %arg10[%dma_start3A_85] : memref<256xi32, #tpu.memory_space<vmem>> -> memref<128xi32, #tpu.memory_space<vmem>>
      %dma_start3A_87 = arith.constant 0 : i32
      %dma_start3A_88 = arith.constant 0 : i32
      %dma_start3A_89 = tpu.memref_slice %arg2[%dma_start3A_87, %dma_start3A_88] : memref<20000x128xf32, #tpu.memory_space<hbm>> -> memref<20000x128xf32, #tpu.memory_space<hbm>>
      tpu.enqueue_indirect_dma source(%dma_start3A_89 : memref<20000x128xf32, #tpu.memory_space<hbm>>) target(%arg12 : memref<128x128xf32, #tpu.memory_space<vmem>>) offsets(%dma_start3A_86 : memref<128xi32, #tpu.memory_space<vmem>>) semaphore(%arg14 : memref<!tpu.dma_semaphore, #tpu.memory_space<semaphore_mem>>)
      %jit3A = arith.constant 2 : i32
      %div3A = arith.divsi %mul3A_63, %jit3A : i32
      %sign3A = arith.constant 0 : i32
      %sign3A_90 = arith.cmpi sgt, %mul3A_63, %sign3A : i32
      %sign3A_91 = arith.extui %sign3A_90 : i1 to i32
      %sign3A_92 = arith.constant 0 : i32
      %sign3A_93 = arith.cmpi slt, %mul3A_63, %sign3A_92 : i32
      %sign3A_94 = arith.extui %sign3A_93 : i1 to i32
      %sign3A_95 = arith.subi %sign3A_91, %sign3A_94 : i32
      %sign3A_96 = arith.constant 0 : i32
      %sign3A_97 = arith.cmpi sgt, %jit3A, %sign3A_96 : i32
      %sign3A_98 = arith.extui %sign3A_97 : i1 to i32
      %sign3A_99 = arith.constant 0 : i32
      %sign3A_100 = arith.cmpi slt, %jit3A, %sign3A_99 : i32
      %sign3A_101 = arith.extui %sign3A_100 : i1 to i32
      %sign3A_102 = arith.subi %sign3A_98, %sign3A_101 : i32
      %ne3A = arith.cmpi ne, %sign3A_95, %sign3A_102 : i32
      %rem3A = arith.remsi %mul3A_63, %jit3A : i32
      %ne3A_103 = arith.constant 0 : i32
      %ne3A_104 = arith.cmpi ne, %rem3A, %ne3A_103 : i32
      %and3A = arith.andi %ne3A, %ne3A_104 : i1
      %sub3A = arith.constant 1 : i32
      %sub3A_105 = arith.subi %div3A, %sub3A : i32
      %select_n3A = arith.select %and3A, %sub3A_105, %div3A : i32
      %add3A_106 = arith.addi %mul3A_4, %select_n3A : i32
      %add3A_107 = arith.constant 2 : i32
      %add3A_108 = arith.addi %add3A_106, %add3A_107 : i32
      "tpu.region"() ({
        %run_scoped3A_164 = tpu.sem_alloc : memref<!tpu.dma_semaphore, #tpu.memory_space<semaphore_mem>>
        %dma_start3A_165 = arith.constant 0 : i32
        %dma_start3A_166 = tpu.memref_slice %arg3[%add3A_108, %dma_start3A_165] : memref<1280x256xi32, #tpu.memory_space<hbm>> -> memref<1x256xi32, #tpu.memory_space<hbm>>
        %dma_start3A_167 = tpu.memref_squeeze %dma_start3A_166 : memref<1x256xi32, #tpu.memory_space<hbm>> -> memref<256xi32, #tpu.memory_space<hbm>>
        %dma_start3A_168 = arith.constant 0 : i32
        %dma_start3A_169 = tpu.memref_slice %arg3[%add3A_108, %dma_start3A_168] : memref<1280x256xi32, #tpu.memory_space<hbm>> -> memref<1x256xi32, #tpu.memory_space<hbm>>
        %dma_start3A_170 = tpu.memref_squeeze %dma_start3A_169 : memref<1x256xi32, #tpu.memory_space<hbm>> -> memref<256xi32, #tpu.memory_space<hbm>>
        tpu.enqueue_dma source(%dma_start3A_170 : memref<256xi32, #tpu.memory_space<hbm>>) target(%arg9 : memref<256xi32, #tpu.memory_space<vmem>>) target_semaphore(%run_scoped3A_164 : memref<!tpu.dma_semaphore, #tpu.memory_space<semaphore_mem>>)
        %dma_wait3A_171 = arith.constant 0 : i32
        %dma_wait3A_172 = tpu.memref_slice %arg3[%add3A_108, %dma_wait3A_171] : memref<1280x256xi32, #tpu.memory_space<hbm>> -> memref<1x256xi32, #tpu.memory_space<hbm>>
        %dma_wait3A_173 = tpu.memref_squeeze %dma_wait3A_172 : memref<1x256xi32, #tpu.memory_space<hbm>> -> memref<256xi32, #tpu.memory_space<hbm>>
        %dma_wait3A_174 = arith.constant 0 : i32
        %dma_wait3A_175 = tpu.memref_slice %arg3[%add3A_108, %dma_wait3A_174] : memref<1280x256xi32, #tpu.memory_space<hbm>> -> memref<1x256xi32, #tpu.memory_space<hbm>>
        %dma_wait3A_176 = tpu.memref_squeeze %dma_wait3A_175 : memref<1x256xi32, #tpu.memory_space<hbm>> -> memref<256xi32, #tpu.memory_space<hbm>>
        tpu.wait_dma2 semaphore(%run_scoped3A_164 : memref<!tpu.dma_semaphore, #tpu.memory_space<semaphore_mem>>) src(%dma_wait3A_176 : memref<256xi32, #tpu.memory_space<hbm>>) dst(%arg9 : memref<256xi32, #tpu.memory_space<vmem>>)
        tpu.yield
      }) : () -> ()
      %add3A_109 = arith.constant 2 : i32
      %add3A_110 = arith.addi %mul3A_63, %add3A_109 : i32
      %dma_wait3A_111 = arith.constant 0 : i32
      %dma_wait3A_112 = arith.constant 0 : i32
      %dma_wait3A_113 = tpu.memref_slice %arg2[%dma_wait3A_111, %dma_wait3A_112] : memref<20000x128xf32, #tpu.memory_space<hbm>> -> memref<128x128xf32, #tpu.memory_space<hbm>>
      %dma_wait3A_114 = arith.constant 0 : i32
      %dma_wait3A_115 = arith.constant 0 : i32
      %dma_wait3A_116 = tpu.memref_slice %arg2[%dma_wait3A_114, %dma_wait3A_115] : memref<20000x128xf32, #tpu.memory_space<hbm>> -> memref<128x128xf32, #tpu.memory_space<hbm>>
      tpu.wait_dma2 semaphore(%arg13 : memref<!tpu.dma_semaphore, #tpu.memory_space<semaphore_mem>>) src(%dma_wait3A_116 : memref<128x128xf32, #tpu.memory_space<hbm>>) dst(%arg11 : memref<128x128xf32, #tpu.memory_space<vmem>>)
      %add3A_117 = arith.constant 0 : i32
      %add3A_118 = arith.addi %add3A_110, %add3A_117 : i32
      "tpu.region"() ({
        %run_scoped3A_164 = tpu.sem_alloc : memref<!tpu.dma_semaphore, #tpu.memory_space<semaphore_mem>>
        %dma_start3A_165 = arith.constant 0 : i32
        %dma_start3A_166 = tpu.memref_slice %arg8[%add3A_118, %dma_start3A_165] : memref<80x128xi32, #tpu.memory_space<vmem>> -> memref<1x128xi32, #tpu.memory_space<vmem>>
        %dma_start3A_167 = tpu.memref_squeeze %dma_start3A_166 : memref<1x128xi32, #tpu.memory_space<vmem>> -> memref<128xi32, #tpu.memory_space<vmem>>
        %dma_start3A_168 = arith.constant 0 : i32
        %dma_start3A_169 = arith.constant 0 : i32
        %dma_start3A_170 = tpu.memref_slice %arg7[%dma_start3A_168, %dma_start3A_169] : memref<10112x128xf32, #tpu.memory_space<vmem_shared>> -> memref<10112x128xf32, #tpu.memory_space<vmem_shared>>
        tpu.enqueue_indirect_dma source(%arg11 : memref<128x128xf32, #tpu.memory_space<vmem>>) target(%dma_start3A_170 : memref<10112x128xf32, #tpu.memory_space<vmem_shared>>) offsets(%dma_start3A_167 : memref<128xi32, #tpu.memory_space<vmem>>) semaphore(%run_scoped3A_164 : memref<!tpu.dma_semaphore, #tpu.memory_space<semaphore_mem>>) {add = true}
        %dma_wait3A_171 = arith.constant 0 : i32
        %dma_wait3A_172 = tpu.memref_slice %arg8[%add3A_118, %dma_wait3A_171] : memref<80x128xi32, #tpu.memory_space<vmem>> -> memref<1x128xi32, #tpu.memory_space<vmem>>
        %dma_wait3A_173 = tpu.memref_squeeze %dma_wait3A_172 : memref<1x128xi32, #tpu.memory_space<vmem>> -> memref<128xi32, #tpu.memory_space<vmem>>
        %dma_wait3A_174 = arith.constant 0 : i32
        %dma_wait3A_175 = arith.constant 0 : i32
        %dma_wait3A_176 = tpu.memref_slice %arg7[%dma_wait3A_174, %dma_wait3A_175] : memref<10112x128xf32, #tpu.memory_space<vmem_shared>> -> memref<10112x128xf32, #tpu.memory_space<vmem_shared>>
        tpu.wait_indirect_dma semaphore(%run_scoped3A_164 : memref<!tpu.dma_semaphore, #tpu.memory_space<semaphore_mem>>) src(%arg11 : memref<128x128xf32, #tpu.memory_space<vmem>>) dst(%dma_wait3A_176 : memref<10112x128xf32, #tpu.memory_space<vmem_shared>>)
        tpu.yield
      }) : () -> ()
      %dma_start3A_119 = arith.constant 0 : i32
      %dma_start3A_120 = tpu.memref_slice %arg9[%dma_start3A_119] : memref<256xi32, #tpu.memory_space<vmem>> -> memref<128xi32, #tpu.memory_space<vmem>>
      %dma_start3A_121 = arith.constant 0 : i32
      %dma_start3A_122 = arith.constant 0 : i32
      %dma_start3A_123 = tpu.memref_slice %arg2[%dma_start3A_121, %dma_start3A_122] : memref<20000x128xf32, #tpu.memory_space<hbm>> -> memref<20000x128xf32, #tpu.memory_space<hbm>>
      tpu.enqueue_indirect_dma source(%dma_start3A_123 : memref<20000x128xf32, #tpu.memory_space<hbm>>) target(%arg11 : memref<128x128xf32, #tpu.memory_space<vmem>>) offsets(%dma_start3A_120 : memref<128xi32, #tpu.memory_space<vmem>>) semaphore(%arg13 : memref<!tpu.dma_semaphore, #tpu.memory_space<semaphore_mem>>)
      %dma_wait3A_124 = arith.constant 0 : i32
      %dma_wait3A_125 = arith.constant 0 : i32
      %dma_wait3A_126 = tpu.memref_slice %arg2[%dma_wait3A_124, %dma_wait3A_125] : memref<20000x128xf32, #tpu.memory_space<hbm>> -> memref<128x128xf32, #tpu.memory_space<hbm>>
      %dma_wait3A_127 = arith.constant 0 : i32
      %dma_wait3A_128 = arith.constant 0 : i32
      %dma_wait3A_129 = tpu.memref_slice %arg2[%dma_wait3A_127, %dma_wait3A_128] : memref<20000x128xf32, #tpu.memory_space<hbm>> -> memref<128x128xf32, #tpu.memory_space<hbm>>
      tpu.wait_dma2 semaphore(%arg14 : memref<!tpu.dma_semaphore, #tpu.memory_space<semaphore_mem>>) src(%dma_wait3A_129 : memref<128x128xf32, #tpu.memory_space<hbm>>) dst(%arg12 : memref<128x128xf32, #tpu.memory_space<vmem>>)
      %add3A_130 = arith.constant 1 : i32
      %add3A_131 = arith.addi %add3A_110, %add3A_130 : i32
      "tpu.region"() ({
        %run_scoped3A_164 = tpu.sem_alloc : memref<!tpu.dma_semaphore, #tpu.memory_space<semaphore_mem>>
        %dma_start3A_165 = arith.constant 0 : i32
        %dma_start3A_166 = tpu.memref_slice %arg8[%add3A_131, %dma_start3A_165] : memref<80x128xi32, #tpu.memory_space<vmem>> -> memref<1x128xi32, #tpu.memory_space<vmem>>
        %dma_start3A_167 = tpu.memref_squeeze %dma_start3A_166 : memref<1x128xi32, #tpu.memory_space<vmem>> -> memref<128xi32, #tpu.memory_space<vmem>>
        %dma_start3A_168 = arith.constant 0 : i32
        %dma_start3A_169 = arith.constant 0 : i32
        %dma_start3A_170 = tpu.memref_slice %arg7[%dma_start3A_168, %dma_start3A_169] : memref<10112x128xf32, #tpu.memory_space<vmem_shared>> -> memref<10112x128xf32, #tpu.memory_space<vmem_shared>>
        tpu.enqueue_indirect_dma source(%arg12 : memref<128x128xf32, #tpu.memory_space<vmem>>) target(%dma_start3A_170 : memref<10112x128xf32, #tpu.memory_space<vmem_shared>>) offsets(%dma_start3A_167 : memref<128xi32, #tpu.memory_space<vmem>>) semaphore(%run_scoped3A_164 : memref<!tpu.dma_semaphore, #tpu.memory_space<semaphore_mem>>) {add = true}
        %dma_wait3A_171 = arith.constant 0 : i32
        %dma_wait3A_172 = tpu.memref_slice %arg8[%add3A_131, %dma_wait3A_171] : memref<80x128xi32, #tpu.memory_space<vmem>> -> memref<1x128xi32, #tpu.memory_space<vmem>>
        %dma_wait3A_173 = tpu.memref_squeeze %dma_wait3A_172 : memref<1x128xi32, #tpu.memory_space<vmem>> -> memref<128xi32, #tpu.memory_space<vmem>>
        %dma_wait3A_174 = arith.constant 0 : i32
        %dma_wait3A_175 = arith.constant 0 : i32
        %dma_wait3A_176 = tpu.memref_slice %arg7[%dma_wait3A_174, %dma_wait3A_175] : memref<10112x128xf32, #tpu.memory_space<vmem_shared>> -> memref<10112x128xf32, #tpu.memory_space<vmem_shared>>
        tpu.wait_indirect_dma semaphore(%run_scoped3A_164 : memref<!tpu.dma_semaphore, #tpu.memory_space<semaphore_mem>>) src(%arg12 : memref<128x128xf32, #tpu.memory_space<vmem>>) dst(%dma_wait3A_176 : memref<10112x128xf32, #tpu.memory_space<vmem_shared>>)
        tpu.yield
      }) : () -> ()
      %dma_start3A_132 = arith.constant 128 : i32
      %dma_start3A_133 = tpu.memref_slice %arg9[%dma_start3A_132] : memref<256xi32, #tpu.memory_space<vmem>> -> memref<128xi32, #tpu.memory_space<vmem>>
      %dma_start3A_134 = arith.constant 0 : i32
      %dma_start3A_135 = arith.constant 0 : i32
      %dma_start3A_136 = tpu.memref_slice %arg2[%dma_start3A_134, %dma_start3A_135] : memref<20000x128xf32, #tpu.memory_space<hbm>> -> memref<20000x128xf32, #tpu.memory_space<hbm>>
      tpu.enqueue_indirect_dma source(%dma_start3A_136 : memref<20000x128xf32, #tpu.memory_space<hbm>>) target(%arg12 : memref<128x128xf32, #tpu.memory_space<vmem>>) offsets(%dma_start3A_133 : memref<128xi32, #tpu.memory_space<vmem>>) semaphore(%arg14 : memref<!tpu.dma_semaphore, #tpu.memory_space<semaphore_mem>>)
      %jit3A_137 = arith.constant 2 : i32
      %div3A_138 = arith.divsi %add3A_110, %jit3A_137 : i32
      %sign3A_139 = arith.constant 0 : i32
      %sign3A_140 = arith.cmpi sgt, %add3A_110, %sign3A_139 : i32
      %sign3A_141 = arith.extui %sign3A_140 : i1 to i32
      %sign3A_142 = arith.constant 0 : i32
      %sign3A_143 = arith.cmpi slt, %add3A_110, %sign3A_142 : i32
      %sign3A_144 = arith.extui %sign3A_143 : i1 to i32
      %sign3A_145 = arith.subi %sign3A_141, %sign3A_144 : i32
      %sign3A_146 = arith.constant 0 : i32
      %sign3A_147 = arith.cmpi sgt, %jit3A_137, %sign3A_146 : i32
      %sign3A_148 = arith.extui %sign3A_147 : i1 to i32
      %sign3A_149 = arith.constant 0 : i32
      %sign3A_150 = arith.cmpi slt, %jit3A_137, %sign3A_149 : i32
      %sign3A_151 = arith.extui %sign3A_150 : i1 to i32
      %sign3A_152 = arith.subi %sign3A_148, %sign3A_151 : i32
      %ne3A_153 = arith.cmpi ne, %sign3A_145, %sign3A_152 : i32
      %rem3A_154 = arith.remsi %add3A_110, %jit3A_137 : i32
      %ne3A_155 = arith.constant 0 : i32
      %ne3A_156 = arith.cmpi ne, %rem3A_154, %ne3A_155 : i32
      %and3A_157 = arith.andi %ne3A_153, %ne3A_156 : i1
      %sub3A_158 = arith.constant 1 : i32
      %sub3A_159 = arith.subi %div3A_138, %sub3A_158 : i32
      %select_n3A_160 = arith.select %and3A_157, %sub3A_159, %div3A_138 : i32
      %add3A_161 = arith.addi %mul3A_4, %select_n3A_160 : i32
      %add3A_162 = arith.constant 2 : i32
      %add3A_163 = arith.addi %add3A_161, %add3A_162 : i32
      "tpu.region"() ({
        %run_scoped3A_164 = tpu.sem_alloc : memref<!tpu.dma_semaphore, #tpu.memory_space<semaphore_mem>>
        %dma_start3A_165 = arith.constant 0 : i32
        %dma_start3A_166 = tpu.memref_slice %arg3[%add3A_163, %dma_start3A_165] : memref<1280x256xi32, #tpu.memory_space<hbm>> -> memref<1x256xi32, #tpu.memory_space<hbm>>
        %dma_start3A_167 = tpu.memref_squeeze %dma_start3A_166 : memref<1x256xi32, #tpu.memory_space<hbm>> -> memref<256xi32, #tpu.memory_space<hbm>>
        %dma_start3A_168 = arith.constant 0 : i32
        %dma_start3A_169 = tpu.memref_slice %arg3[%add3A_163, %dma_start3A_168] : memref<1280x256xi32, #tpu.memory_space<hbm>> -> memref<1x256xi32, #tpu.memory_space<hbm>>
        %dma_start3A_170 = tpu.memref_squeeze %dma_start3A_169 : memref<1x256xi32, #tpu.memory_space<hbm>> -> memref<256xi32, #tpu.memory_space<hbm>>
        tpu.enqueue_dma source(%dma_start3A_170 : memref<256xi32, #tpu.memory_space<hbm>>) target(%arg10 : memref<256xi32, #tpu.memory_space<vmem>>) target_semaphore(%run_scoped3A_164 : memref<!tpu.dma_semaphore, #tpu.memory_space<semaphore_mem>>)
        %dma_wait3A_171 = arith.constant 0 : i32
        %dma_wait3A_172 = tpu.memref_slice %arg3[%add3A_163, %dma_wait3A_171] : memref<1280x256xi32, #tpu.memory_space<hbm>> -> memref<1x256xi32, #tpu.memory_space<hbm>>
        %dma_wait3A_173 = tpu.memref_squeeze %dma_wait3A_172 : memref<1x256xi32, #tpu.memory_space<hbm>> -> memref<256xi32, #tpu.memory_space<hbm>>
        %dma_wait3A_174 = arith.constant 0 : i32
        %dma_wait3A_175 = tpu.memref_slice %arg3[%add3A_163, %dma_wait3A_174] : memref<1280x256xi32, #tpu.memory_space<hbm>> -> memref<1x256xi32, #tpu.memory_space<hbm>>
        %dma_wait3A_176 = tpu.memref_squeeze %dma_wait3A_175 : memref<1x256xi32, #tpu.memory_space<hbm>> -> memref<256xi32, #tpu.memory_space<hbm>>
        tpu.wait_dma2 semaphore(%run_scoped3A_164 : memref<!tpu.dma_semaphore, #tpu.memory_space<semaphore_mem>>) src(%dma_wait3A_176 : memref<256xi32, #tpu.memory_space<hbm>>) dst(%arg10 : memref<256xi32, #tpu.memory_space<vmem>>)
        tpu.yield
      }) : () -> ()
    }
    %scan3A_20 = arith.constant 19 : i32
    %dma_wait3A = arith.constant 0 : i32
    %dma_wait3A_21 = arith.constant 0 : i32
    %dma_wait3A_22 = tpu.memref_slice %arg2[%dma_wait3A, %dma_wait3A_21] : memref<20000x128xf32, #tpu.memory_space<hbm>> -> memref<128x128xf32, #tpu.memory_space<hbm>>
    %dma_wait3A_23 = arith.constant 0 : i32
    %dma_wait3A_24 = arith.constant 0 : i32
    %dma_wait3A_25 = tpu.memref_slice %arg2[%dma_wait3A_23, %dma_wait3A_24] : memref<20000x128xf32, #tpu.memory_space<hbm>> -> memref<128x128xf32, #tpu.memory_space<hbm>>
    tpu.wait_dma2 semaphore(%arg13 : memref<!tpu.dma_semaphore, #tpu.memory_space<semaphore_mem>>) src(%dma_wait3A_25 : memref<128x128xf32, #tpu.memory_space<hbm>>) dst(%arg11 : memref<128x128xf32, #tpu.memory_space<vmem>>)
    %run_scoped3A = arith.constant 76 : i32
    "tpu.region"() ({
      %run_scoped3A_61 = tpu.sem_alloc : memref<!tpu.dma_semaphore, #tpu.memory_space<semaphore_mem>>
      %dma_start3A_62 = arith.constant 0 : i32
      %dma_start3A_63 = tpu.memref_slice %arg8[%run_scoped3A, %dma_start3A_62] : memref<80x128xi32, #tpu.memory_space<vmem>> -> memref<1x128xi32, #tpu.memory_space<vmem>>
      %dma_start3A_64 = tpu.memref_squeeze %dma_start3A_63 : memref<1x128xi32, #tpu.memory_space<vmem>> -> memref<128xi32, #tpu.memory_space<vmem>>
      %dma_start3A_65 = arith.constant 0 : i32
      %dma_start3A_66 = arith.constant 0 : i32
      %dma_start3A_67 = tpu.memref_slice %arg7[%dma_start3A_65, %dma_start3A_66] : memref<10112x128xf32, #tpu.memory_space<vmem_shared>> -> memref<10112x128xf32, #tpu.memory_space<vmem_shared>>
      tpu.enqueue_indirect_dma source(%arg11 : memref<128x128xf32, #tpu.memory_space<vmem>>) target(%dma_start3A_67 : memref<10112x128xf32, #tpu.memory_space<vmem_shared>>) offsets(%dma_start3A_64 : memref<128xi32, #tpu.memory_space<vmem>>) semaphore(%run_scoped3A_61 : memref<!tpu.dma_semaphore, #tpu.memory_space<semaphore_mem>>) {add = true}
      %dma_wait3A_68 = arith.constant 0 : i32
      %dma_wait3A_69 = tpu.memref_slice %arg8[%run_scoped3A, %dma_wait3A_68] : memref<80x128xi32, #tpu.memory_space<vmem>> -> memref<1x128xi32, #tpu.memory_space<vmem>>
      %dma_wait3A_70 = tpu.memref_squeeze %dma_wait3A_69 : memref<1x128xi32, #tpu.memory_space<vmem>> -> memref<128xi32, #tpu.memory_space<vmem>>
      %dma_wait3A_71 = arith.constant 0 : i32
      %dma_wait3A_72 = arith.constant 0 : i32
      %dma_wait3A_73 = tpu.memref_slice %arg7[%dma_wait3A_71, %dma_wait3A_72] : memref<10112x128xf32, #tpu.memory_space<vmem_shared>> -> memref<10112x128xf32, #tpu.memory_space<vmem_shared>>
      tpu.wait_indirect_dma semaphore(%run_scoped3A_61 : memref<!tpu.dma_semaphore, #tpu.memory_space<semaphore_mem>>) src(%arg11 : memref<128x128xf32, #tpu.memory_space<vmem>>) dst(%dma_wait3A_73 : memref<10112x128xf32, #tpu.memory_space<vmem_shared>>)
      tpu.yield
    }) : () -> ()
    %dma_start3A_26 = arith.constant 0 : i32
    %dma_start3A_27 = tpu.memref_slice %arg10[%dma_start3A_26] : memref<256xi32, #tpu.memory_space<vmem>> -> memref<128xi32, #tpu.memory_space<vmem>>
    %dma_start3A_28 = arith.constant 0 : i32
    %dma_start3A_29 = arith.constant 0 : i32
    %dma_start3A_30 = tpu.memref_slice %arg2[%dma_start3A_28, %dma_start3A_29] : memref<20000x128xf32, #tpu.memory_space<hbm>> -> memref<20000x128xf32, #tpu.memory_space<hbm>>
    tpu.enqueue_indirect_dma source(%dma_start3A_30 : memref<20000x128xf32, #tpu.memory_space<hbm>>) target(%arg11 : memref<128x128xf32, #tpu.memory_space<vmem>>) offsets(%dma_start3A_27 : memref<128xi32, #tpu.memory_space<vmem>>) semaphore(%arg13 : memref<!tpu.dma_semaphore, #tpu.memory_space<semaphore_mem>>)
    %dma_wait3A_31 = arith.constant 0 : i32
    %dma_wait3A_32 = arith.constant 0 : i32
    %dma_wait3A_33 = tpu.memref_slice %arg2[%dma_wait3A_31, %dma_wait3A_32] : memref<20000x128xf32, #tpu.memory_space<hbm>> -> memref<128x128xf32, #tpu.memory_space<hbm>>
    %dma_wait3A_34 = arith.constant 0 : i32
    %dma_wait3A_35 = arith.constant 0 : i32
    %dma_wait3A_36 = tpu.memref_slice %arg2[%dma_wait3A_34, %dma_wait3A_35] : memref<20000x128xf32, #tpu.memory_space<hbm>> -> memref<128x128xf32, #tpu.memory_space<hbm>>
    tpu.wait_dma2 semaphore(%arg14 : memref<!tpu.dma_semaphore, #tpu.memory_space<semaphore_mem>>) src(%dma_wait3A_36 : memref<128x128xf32, #tpu.memory_space<hbm>>) dst(%arg12 : memref<128x128xf32, #tpu.memory_space<vmem>>)
    %run_scoped3A_37 = arith.constant 77 : i32
    "tpu.region"() ({
      %run_scoped3A_61 = tpu.sem_alloc : memref<!tpu.dma_semaphore, #tpu.memory_space<semaphore_mem>>
      %dma_start3A_62 = arith.constant 0 : i32
      %dma_start3A_63 = tpu.memref_slice %arg8[%run_scoped3A_37, %dma_start3A_62] : memref<80x128xi32, #tpu.memory_space<vmem>> -> memref<1x128xi32, #tpu.memory_space<vmem>>
      %dma_start3A_64 = tpu.memref_squeeze %dma_start3A_63 : memref<1x128xi32, #tpu.memory_space<vmem>> -> memref<128xi32, #tpu.memory_space<vmem>>
      %dma_start3A_65 = arith.constant 0 : i32
      %dma_start3A_66 = arith.constant 0 : i32
      %dma_start3A_67 = tpu.memref_slice %arg7[%dma_start3A_65, %dma_start3A_66] : memref<10112x128xf32, #tpu.memory_space<vmem_shared>> -> memref<10112x128xf32, #tpu.memory_space<vmem_shared>>
      tpu.enqueue_indirect_dma source(%arg12 : memref<128x128xf32, #tpu.memory_space<vmem>>) target(%dma_start3A_67 : memref<10112x128xf32, #tpu.memory_space<vmem_shared>>) offsets(%dma_start3A_64 : memref<128xi32, #tpu.memory_space<vmem>>) semaphore(%run_scoped3A_61 : memref<!tpu.dma_semaphore, #tpu.memory_space<semaphore_mem>>) {add = true}
      %dma_wait3A_68 = arith.constant 0 : i32
      %dma_wait3A_69 = tpu.memref_slice %arg8[%run_scoped3A_37, %dma_wait3A_68] : memref<80x128xi32, #tpu.memory_space<vmem>> -> memref<1x128xi32, #tpu.memory_space<vmem>>
      %dma_wait3A_70 = tpu.memref_squeeze %dma_wait3A_69 : memref<1x128xi32, #tpu.memory_space<vmem>> -> memref<128xi32, #tpu.memory_space<vmem>>
      %dma_wait3A_71 = arith.constant 0 : i32
      %dma_wait3A_72 = arith.constant 0 : i32
      %dma_wait3A_73 = tpu.memref_slice %arg7[%dma_wait3A_71, %dma_wait3A_72] : memref<10112x128xf32, #tpu.memory_space<vmem_shared>> -> memref<10112x128xf32, #tpu.memory_space<vmem_shared>>
      tpu.wait_indirect_dma semaphore(%run_scoped3A_61 : memref<!tpu.dma_semaphore, #tpu.memory_space<semaphore_mem>>) src(%arg12 : memref<128x128xf32, #tpu.memory_space<vmem>>) dst(%dma_wait3A_73 : memref<10112x128xf32, #tpu.memory_space<vmem_shared>>)
      tpu.yield
    }) : () -> ()
    %dma_start3A_38 = arith.constant 128 : i32
    %dma_start3A_39 = tpu.memref_slice %arg10[%dma_start3A_38] : memref<256xi32, #tpu.memory_space<vmem>> -> memref<128xi32, #tpu.memory_space<vmem>>
    %dma_start3A_40 = arith.constant 0 : i32
    %dma_start3A_41 = arith.constant 0 : i32
    %dma_start3A_42 = tpu.memref_slice %arg2[%dma_start3A_40, %dma_start3A_41] : memref<20000x128xf32, #tpu.memory_space<hbm>> -> memref<20000x128xf32, #tpu.memory_space<hbm>>
    tpu.enqueue_indirect_dma source(%dma_start3A_42 : memref<20000x128xf32, #tpu.memory_space<hbm>>) target(%arg12 : memref<128x128xf32, #tpu.memory_space<vmem>>) offsets(%dma_start3A_39 : memref<128xi32, #tpu.memory_space<vmem>>) semaphore(%arg14 : memref<!tpu.dma_semaphore, #tpu.memory_space<semaphore_mem>>)
    %dma_wait3A_43 = arith.constant 0 : i32
    %dma_wait3A_44 = arith.constant 0 : i32
    %dma_wait3A_45 = tpu.memref_slice %arg2[%dma_wait3A_43, %dma_wait3A_44] : memref<20000x128xf32, #tpu.memory_space<hbm>> -> memref<128x128xf32, #tpu.memory_space<hbm>>
    %dma_wait3A_46 = arith.constant 0 : i32
    %dma_wait3A_47 = arith.constant 0 : i32
    %dma_wait3A_48 = tpu.memref_slice %arg2[%dma_wait3A_46, %dma_wait3A_47] : memref<20000x128xf32, #tpu.memory_space<hbm>> -> memref<128x128xf32, #tpu.memory_space<hbm>>
    tpu.wait_dma2 semaphore(%arg13 : memref<!tpu.dma_semaphore, #tpu.memory_space<semaphore_mem>>) src(%dma_wait3A_48 : memref<128x128xf32, #tpu.memory_space<hbm>>) dst(%arg11 : memref<128x128xf32, #tpu.memory_space<vmem>>)
    %run_scoped3A_49 = arith.constant 78 : i32
    "tpu.region"() ({
      %run_scoped3A_61 = tpu.sem_alloc : memref<!tpu.dma_semaphore, #tpu.memory_space<semaphore_mem>>
      %dma_start3A_62 = arith.constant 0 : i32
      %dma_start3A_63 = tpu.memref_slice %arg8[%run_scoped3A_49, %dma_start3A_62] : memref<80x128xi32, #tpu.memory_space<vmem>> -> memref<1x128xi32, #tpu.memory_space<vmem>>
      %dma_start3A_64 = tpu.memref_squeeze %dma_start3A_63 : memref<1x128xi32, #tpu.memory_space<vmem>> -> memref<128xi32, #tpu.memory_space<vmem>>
      %dma_start3A_65 = arith.constant 0 : i32
      %dma_start3A_66 = arith.constant 0 : i32
      %dma_start3A_67 = tpu.memref_slice %arg7[%dma_start3A_65, %dma_start3A_66] : memref<10112x128xf32, #tpu.memory_space<vmem_shared>> -> memref<10112x128xf32, #tpu.memory_space<vmem_shared>>
      tpu.enqueue_indirect_dma source(%arg11 : memref<128x128xf32, #tpu.memory_space<vmem>>) target(%dma_start3A_67 : memref<10112x128xf32, #tpu.memory_space<vmem_shared>>) offsets(%dma_start3A_64 : memref<128xi32, #tpu.memory_space<vmem>>) semaphore(%run_scoped3A_61 : memref<!tpu.dma_semaphore, #tpu.memory_space<semaphore_mem>>) {add = true}
      %dma_wait3A_68 = arith.constant 0 : i32
      %dma_wait3A_69 = tpu.memref_slice %arg8[%run_scoped3A_49, %dma_wait3A_68] : memref<80x128xi32, #tpu.memory_space<vmem>> -> memref<1x128xi32, #tpu.memory_space<vmem>>
      %dma_wait3A_70 = tpu.memref_squeeze %dma_wait3A_69 : memref<1x128xi32, #tpu.memory_space<vmem>> -> memref<128xi32, #tpu.memory_space<vmem>>
      %dma_wait3A_71 = arith.constant 0 : i32
      %dma_wait3A_72 = arith.constant 0 : i32
      %dma_wait3A_73 = tpu.memref_slice %arg7[%dma_wait3A_71, %dma_wait3A_72] : memref<10112x128xf32, #tpu.memory_space<vmem_shared>> -> memref<10112x128xf32, #tpu.memory_space<vmem_shared>>
      tpu.wait_indirect_dma semaphore(%run_scoped3A_61 : memref<!tpu.dma_semaphore, #tpu.memory_space<semaphore_mem>>) src(%arg11 : memref<128x128xf32, #tpu.memory_space<vmem>>) dst(%dma_wait3A_73 : memref<10112x128xf32, #tpu.memory_space<vmem_shared>>)
      tpu.yield
    }) : () -> ()
    %dma_wait3A_50 = arith.constant 0 : i32
    %dma_wait3A_51 = arith.constant 0 : i32
    %dma_wait3A_52 = tpu.memref_slice %arg2[%dma_wait3A_50, %dma_wait3A_51] : memref<20000x128xf32, #tpu.memory_space<hbm>> -> memref<128x128xf32, #tpu.memory_space<hbm>>
    %dma_wait3A_53 = arith.constant 0 : i32
    %dma_wait3A_54 = arith.constant 0 : i32
    %dma_wait3A_55 = tpu.memref_slice %arg2[%dma_wait3A_53, %dma_wait3A_54] : memref<20000x128xf32, #tpu.memory_space<hbm>> -> memref<128x128xf32, #tpu.memory_space<hbm>>
    tpu.wait_dma2 semaphore(%arg14 : memref<!tpu.dma_semaphore, #tpu.memory_space<semaphore_mem>>) src(%dma_wait3A_55 : memref<128x128xf32, #tpu.memory_space<hbm>>) dst(%arg12 : memref<128x128xf32, #tpu.memory_space<vmem>>)
    %run_scoped3A_56 = arith.constant 79 : i32
    "tpu.region"() ({
      %run_scoped3A_61 = tpu.sem_alloc : memref<!tpu.dma_semaphore, #tpu.memory_space<semaphore_mem>>
      %dma_start3A_62 = arith.constant 0 : i32
      %dma_start3A_63 = tpu.memref_slice %arg8[%run_scoped3A_56, %dma_start3A_62] : memref<80x128xi32, #tpu.memory_space<vmem>> -> memref<1x128xi32, #tpu.memory_space<vmem>>
      %dma_start3A_64 = tpu.memref_squeeze %dma_start3A_63 : memref<1x128xi32, #tpu.memory_space<vmem>> -> memref<128xi32, #tpu.memory_space<vmem>>
      %dma_start3A_65 = arith.constant 0 : i32
      %dma_start3A_66 = arith.constant 0 : i32
      %dma_start3A_67 = tpu.memref_slice %arg7[%dma_start3A_65, %dma_start3A_66] : memref<10112x128xf32, #tpu.memory_space<vmem_shared>> -> memref<10112x128xf32, #tpu.memory_space<vmem_shared>>
      tpu.enqueue_indirect_dma source(%arg12 : memref<128x128xf32, #tpu.memory_space<vmem>>) target(%dma_start3A_67 : memref<10112x128xf32, #tpu.memory_space<vmem_shared>>) offsets(%dma_start3A_64 : memref<128xi32, #tpu.memory_space<vmem>>) semaphore(%run_scoped3A_61 : memref<!tpu.dma_semaphore, #tpu.memory_space<semaphore_mem>>) {add = true}
      %dma_wait3A_68 = arith.constant 0 : i32
      %dma_wait3A_69 = tpu.memref_slice %arg8[%run_scoped3A_56, %dma_wait3A_68] : memref<80x128xi32, #tpu.memory_space<vmem>> -> memref<1x128xi32, #tpu.memory_space<vmem>>
      %dma_wait3A_70 = tpu.memref_squeeze %dma_wait3A_69 : memref<1x128xi32, #tpu.memory_space<vmem>> -> memref<128xi32, #tpu.memory_space<vmem>>
      %dma_wait3A_71 = arith.constant 0 : i32
      %dma_wait3A_72 = arith.constant 0 : i32
      %dma_wait3A_73 = tpu.memref_slice %arg7[%dma_wait3A_71, %dma_wait3A_72] : memref<10112x128xf32, #tpu.memory_space<vmem_shared>> -> memref<10112x128xf32, #tpu.memory_space<vmem_shared>>
      tpu.wait_indirect_dma semaphore(%run_scoped3A_61 : memref<!tpu.dma_semaphore, #tpu.memory_space<semaphore_mem>>) src(%arg12 : memref<128x128xf32, #tpu.memory_space<vmem>>) dst(%dma_wait3A_73 : memref<10112x128xf32, #tpu.memory_space<vmem_shared>>)
      tpu.yield
    }) : () -> ()
    %barrier3A_57 = arith.constant 0 : index
    tpu.barrier barrier_id(%barrier3A_57)
    %mul3A_58 = arith.constant 10112 : i32
    %mul3A_59 = arith.muli %arg0, %mul3A_58 : i32
    %add3A_60 = arith.addi %mul3A_59, %mul3A_0 : i32
    "tpu.region"() ({
      %run_scoped3A_61 = tpu.sem_alloc : memref<!tpu.dma_semaphore, #tpu.memory_space<semaphore_mem>>
      %dma_start3A_62 = arith.constant 0 : i32
      %dma_start3A_63 = tpu.memref_slice %arg6[%add3A_60, %dma_start3A_62] : memref<20224x128xf32, #tpu.memory_space<hbm>> -> memref<632x128xf32, #tpu.memory_space<hbm>>
      %dma_start3A_64 = arith.constant 0 : i32
      %dma_start3A_65 = tpu.memref_slice %arg7[%mul3A_0, %dma_start3A_64] : memref<10112x128xf32, #tpu.memory_space<vmem_shared>> -> memref<632x128xf32, #tpu.memory_space<vmem_shared>>
      tpu.enqueue_dma source(%dma_start3A_65 : memref<632x128xf32, #tpu.memory_space<vmem_shared>>) target(%dma_start3A_63 : memref<632x128xf32, #tpu.memory_space<hbm>>) target_semaphore(%run_scoped3A_61 : memref<!tpu.dma_semaphore, #tpu.memory_space<semaphore_mem>>)
      %dma_wait3A_66 = arith.constant 0 : i32
      %dma_wait3A_67 = tpu.memref_slice %arg6[%add3A_60, %dma_wait3A_66] : memref<20224x128xf32, #tpu.memory_space<hbm>> -> memref<632x128xf32, #tpu.memory_space<hbm>>
      %dma_wait3A_68 = arith.constant 0 : i32
      %dma_wait3A_69 = tpu.memref_slice %arg7[%mul3A_0, %dma_wait3A_68] : memref<10112x128xf32, #tpu.memory_space<vmem_shared>> -> memref<632x128xf32, #tpu.memory_space<vmem_shared>>
      tpu.wait_dma2 semaphore(%run_scoped3A_61 : memref<!tpu.dma_semaphore, #tpu.memory_space<semaphore_mem>>) src(%dma_wait3A_69 : memref<632x128xf32, #tpu.memory_space<vmem_shared>>) dst(%dma_wait3A_67 : memref<632x128xf32, #tpu.memory_space<hbm>>)
      tpu.yield
    }) : () -> ()
    return
  }
}

#map = affine_map<(d0, d1) -> (0, 0)>
#map1 = affine_map<(d0, d1) -> (0, 0, 0)>
module attributes {stable_mosaic.version = 14 : i64} {
  func.func @k(%arg0: i32, %arg1: i32, %arg2: memref<20000x128xf32, #tpu.memory_space<hbm>>, %arg3: memref<1280x256xi32, #tpu.memory_space<hbm>>, %arg4: memref<16x80x128xi32, #tpu.memory_space<hbm>>, %arg5: memref<10112x128xf32, #tpu.memory_space<hbm>>, %arg6: memref<20224x128xf32, #tpu.memory_space<hbm>>, %arg7: memref<10112x128xf32, #tpu.memory_space<vmem_shared>>, %arg8: memref<80x128xi32, #tpu.memory_space<vmem>>, %arg9: memref<256xi32, #tpu.memory_space<vmem>>, %arg10: memref<256xi32, #tpu.memory_space<vmem>>, %arg11: memref<128x128xf32, #tpu.memory_space<vmem>>, %arg12: memref<128x128xf32, #tpu.memory_space<vmem>>, %arg13: memref<!tpu.dma_semaphore, #tpu.memory_space<semaphore_mem>>, %arg14: memref<!tpu.dma_semaphore, #tpu.memory_space<semaphore_mem>>, %arg15: memref<!tpu.dma_semaphore, #tpu.memory_space<semaphore_mem>>, %arg16: memref<!tpu.dma_semaphore, #tpu.memory_space<semaphore_mem>>) attributes {dimension_semantics = [#tpu.dimension_semantics<core_parallel>, #tpu.dimension_semantics<subcore_parallel>], iteration_bounds = array<i64: 2, 16>, scalar_prefetch = 0 : i64, scratch_operands = 10 : i64, tpu.core_type = #tpu.core_type<sc_vector_subcore>, window_params = [{transform_indices = #map}, {transform_indices = #map}, {transform_indices = #map1}, {transform_indices = #map}, {transform_indices = #map}]} {
    %mul3A = arith.constant 632 : i32
    %mul3A_0 = arith.muli %arg1, %mul3A : i32
    %mul3A_1 = arith.constant 16 : i32
    %mul3A_2 = arith.muli %arg0, %mul3A_1 : i32
    %add3A = arith.addi %mul3A_2, %arg1 : i32
    %mul3A_3 = arith.constant 40 : i32
    %mul3A_4 = arith.muli %add3A, %mul3A_3 : i32
    "tpu.region"() ({
      %run_scoped3A_61 = tpu.sem_alloc : memref<!tpu.dma_semaphore, #tpu.memory_space<semaphore_mem>>
      %dma_start3A_62 = arith.constant 0 : i32
      %dma_start3A_63 = tpu.memref_slice %arg7[%mul3A_0, %dma_start3A_62] : memref<10112x128xf32, #tpu.memory_space<vmem_shared>> -> memref<632x128xf32, #tpu.memory_space<vmem_shared>>
      %dma_start3A_64 = arith.constant 0 : i32
      %dma_start3A_65 = tpu.memref_slice %arg5[%mul3A_0, %dma_start3A_64] : memref<10112x128xf32, #tpu.memory_space<hbm>> -> memref<632x128xf32, #tpu.memory_space<hbm>>
      tpu.enqueue_dma source(%dma_start3A_65 : memref<632x128xf32, #tpu.memory_space<hbm>>) target(%dma_start3A_63 : memref<632x128xf32, #tpu.memory_space<vmem_shared>>) target_semaphore(%run_scoped3A_61 : memref<!tpu.dma_semaphore, #tpu.memory_space<semaphore_mem>>)
      %dma_wait3A_66 = arith.constant 0 : i32
      %dma_wait3A_67 = tpu.memref_slice %arg7[%mul3A_0, %dma_wait3A_66] : memref<10112x128xf32, #tpu.memory_space<vmem_shared>> -> memref<632x128xf32, #tpu.memory_space<vmem_shared>>
      %dma_wait3A_68 = arith.constant 0 : i32
      %dma_wait3A_69 = tpu.memref_slice %arg5[%mul3A_0, %dma_wait3A_68] : memref<10112x128xf32, #tpu.memory_space<hbm>> -> memref<632x128xf32, #tpu.memory_space<hbm>>
      tpu.wait_dma2 semaphore(%run_scoped3A_61 : memref<!tpu.dma_semaphore, #tpu.memory_space<semaphore_mem>>) src(%dma_wait3A_69 : memref<632x128xf32, #tpu.memory_space<hbm>>) dst(%dma_wait3A_67 : memref<632x128xf32, #tpu.memory_space<vmem_shared>>)
      tpu.yield
    }) : () -> ()
    "tpu.region"() ({
      %run_scoped3A_61 = tpu.sem_alloc : memref<!tpu.dma_semaphore, #tpu.memory_space<semaphore_mem>>
      %dma_start3A_62 = arith.constant 0 : i32
      %dma_start3A_63 = arith.constant 0 : i32
      %dma_start3A_64 = tpu.memref_slice %arg4[%arg1, %dma_start3A_62, %dma_start3A_63] : memref<16x80x128xi32, #tpu.memory_space<hbm>> -> memref<1x80x128xi32, #tpu.memory_space<hbm>>
      %dma_start3A_65 = tpu.memref_squeeze %dma_start3A_64 : memref<1x80x128xi32, #tpu.memory_space<hbm>> -> memref<80x128xi32, #tpu.memory_space<hbm>>
      %dma_start3A_66 = arith.constant 0 : i32
      %dma_start3A_67 = arith.constant 0 : i32
      %dma_start3A_68 = tpu.memref_slice %arg4[%arg1, %dma_start3A_66, %dma_start3A_67] : memref<16x80x128xi32, #tpu.memory_space<hbm>> -> memref<1x80x128xi32, #tpu.memory_space<hbm>>
      %dma_start3A_69 = tpu.memref_squeeze %dma_start3A_68 : memref<1x80x128xi32, #tpu.memory_space<hbm>> -> memref<80x128xi32, #tpu.memory_space<hbm>>
      tpu.enqueue_dma source(%dma_start3A_69 : memref<80x128xi32, #tpu.memory_space<hbm>>) target(%arg8 : memref<80x128xi32, #tpu.memory_space<vmem>>) target_semaphore(%run_scoped3A_61 : memref<!tpu.dma_semaphore, #tpu.memory_space<semaphore_mem>>)
      %dma_wait3A_70 = arith.constant 0 : i32
      %dma_wait3A_71 = arith.constant 0 : i32
      %dma_wait3A_72 = tpu.memref_slice %arg4[%arg1, %dma_wait3A_70, %dma_wait3A_71] : memref<16x80x128xi32, #tpu.memory_space<hbm>> -> memref<1x80x128xi32, #tpu.memory_space<hbm>>
      %dma_wait3A_73 = tpu.memref_squeeze %dma_wait3A_72 : memref<1x80x128xi32, #tpu.memory_space<hbm>> -> memref<80x128xi32, #tpu.memory_space<hbm>>
      %dma_wait3A_74 = arith.constant 0 : i32
      %dma_wait3A_75 = arith.constant 0 : i32
      %dma_wait3A_76 = tpu.memref_slice %arg4[%arg1, %dma_wait3A_74, %dma_wait3A_75] : memref<16x80x128xi32, #tpu.memory_space<hbm>> -> memref<1x80x128xi32, #tpu.memory_space<hbm>>
      %dma_wait3A_77 = tpu.memref_squeeze %dma_wait3A_76 : memref<1x80x128xi32, #tpu.memory_space<hbm>> -> memref<80x128xi32, #tpu.memory_space<hbm>>
      tpu.wait_dma2 semaphore(%run_scoped3A_61 : memref<!tpu.dma_semaphore, #tpu.memory_space<semaphore_mem>>) src(%dma_wait3A_77 : memref<80x128xi32, #tpu.memory_space<hbm>>) dst(%arg8 : memref<80x128xi32, #tpu.memory_space<vmem>>)
      tpu.yield
    }) : () -> ()
    %barrier3A = arith.constant 0 : index
    tpu.barrier barrier_id(%barrier3A)
    "tpu.region"() ({
      %run_scoped3A_61 = tpu.sem_alloc : memref<!tpu.dma_semaphore, #tpu.memory_space<semaphore_mem>>
      %dma_start3A_62 = arith.constant 0 : i32
      %dma_start3A_63 = tpu.memref_slice %arg3[%mul3A_4, %dma_start3A_62] : memref<1280x256xi32, #tpu.memory_space<hbm>> -> memref<1x256xi32, #tpu.memory_space<hbm>>
      %dma_start3A_64 = tpu.memref_squeeze %dma_start3A_63 : memref<1x256xi32, #tpu.memory_space<hbm>> -> memref<256xi32, #tpu.memory_space<hbm>>
      %dma_start3A_65 = arith.constant 0 : i32
      %dma_start3A_66 = tpu.memref_slice %arg3[%mul3A_4, %dma_start3A_65] : memref<1280x256xi32, #tpu.memory_space<hbm>> -> memref<1x256xi32, #tpu.memory_space<hbm>>
      %dma_start3A_67 = tpu.memref_squeeze %dma_start3A_66 : memref<1x256xi32, #tpu.memory_space<hbm>> -> memref<256xi32, #tpu.memory_space<hbm>>
      tpu.enqueue_dma source(%dma_start3A_67 : memref<256xi32, #tpu.memory_space<hbm>>) target(%arg9 : memref<256xi32, #tpu.memory_space<vmem>>) target_semaphore(%run_scoped3A_61 : memref<!tpu.dma_semaphore, #tpu.memory_space<semaphore_mem>>)
      %dma_wait3A_68 = arith.constant 0 : i32
      %dma_wait3A_69 = tpu.memref_slice %arg3[%mul3A_4, %dma_wait3A_68] : memref<1280x256xi32, #tpu.memory_space<hbm>> -> memref<1x256xi32, #tpu.memory_space<hbm>>
      %dma_wait3A_70 = tpu.memref_squeeze %dma_wait3A_69 : memref<1x256xi32, #tpu.memory_space<hbm>> -> memref<256xi32, #tpu.memory_space<hbm>>
      %dma_wait3A_71 = arith.constant 0 : i32
      %dma_wait3A_72 = tpu.memref_slice %arg3[%mul3A_4, %dma_wait3A_71] : memref<1280x256xi32, #tpu.memory_space<hbm>> -> memref<1x256xi32, #tpu.memory_space<hbm>>
      %dma_wait3A_73 = tpu.memref_squeeze %dma_wait3A_72 : memref<1x256xi32, #tpu.memory_space<hbm>> -> memref<256xi32, #tpu.memory_space<hbm>>
      tpu.wait_dma2 semaphore(%run_scoped3A_61 : memref<!tpu.dma_semaphore, #tpu.memory_space<semaphore_mem>>) src(%dma_wait3A_73 : memref<256xi32, #tpu.memory_space<hbm>>) dst(%arg9 : memref<256xi32, #tpu.memory_space<vmem>>)
      tpu.yield
    }) : () -> ()
    %add3A_5 = arith.constant 1 : i32
    %add3A_6 = arith.addi %mul3A_4, %add3A_5 : i32
    "tpu.region"() ({
      %run_scoped3A_61 = tpu.sem_alloc : memref<!tpu.dma_semaphore, #tpu.memory_space<semaphore_mem>>
      %dma_start3A_62 = arith.constant 0 : i32
      %dma_start3A_63 = tpu.memref_slice %arg3[%add3A_6, %dma_start3A_62] : memref<1280x256xi32, #tpu.memory_space<hbm>> -> memref<1x256xi32, #tpu.memory_space<hbm>>
      %dma_start3A_64 = tpu.memref_squeeze %dma_start3A_63 : memref<1x256xi32, #tpu.memory_space<hbm>> -> memref<256xi32, #tpu.memory_space<hbm>>
      %dma_start3A_65 = arith.constant 0 : i32
      %dma_start3A_66 = tpu.memref_slice %arg3[%add3A_6, %dma_start3A_65] : memref<1280x256xi32, #tpu.memory_space<hbm>> -> memref<1x256xi32, #tpu.memory_space<hbm>>
      %dma_start3A_67 = tpu.memref_squeeze %dma_start3A_66 : memref<1x256xi32, #tpu.memory_space<hbm>> -> memref<256xi32, #tpu.memory_space<hbm>>
      tpu.enqueue_dma source(%dma_start3A_67 : memref<256xi32, #tpu.memory_space<hbm>>) target(%arg10 : memref<256xi32, #tpu.memory_space<vmem>>) target_semaphore(%run_scoped3A_61 : memref<!tpu.dma_semaphore, #tpu.memory_space<semaphore_mem>>)
      %dma_wait3A_68 = arith.constant 0 : i32
      %dma_wait3A_69 = tpu.memref_slice %arg3[%add3A_6, %dma_wait3A_68] : memref<1280x256xi32, #tpu.memory_space<hbm>> -> memref<1x256xi32, #tpu.memory_space<hbm>>
      %dma_wait3A_70 = tpu.memref_squeeze %dma_wait3A_69 : memref<1x256xi32, #tpu.memory_space<hbm>> -> memref<256xi32, #tpu.memory_space<hbm>>
      %dma_wait3A_71 = arith.constant 0 : i32
      %dma_wait3A_72 = tpu.memref_slice %arg3[%add3A_6, %dma_wait3A_71] : memref<1280x256xi32, #tpu.memory_space<hbm>> -> memref<1x256xi32, #tpu.memory_space<hbm>>
      %dma_wait3A_73 = tpu.memref_squeeze %dma_wait3A_72 : memref<1x256xi32, #tpu.memory_space<hbm>> -> memref<256xi32, #tpu.memory_space<hbm>>
      tpu.wait_dma2 semaphore(%run_scoped3A_61 : memref<!tpu.dma_semaphore, #tpu.memory_space<semaphore_mem>>) src(%dma_wait3A_73 : memref<256xi32, #tpu.memory_space<hbm>>) dst(%arg10 : memref<256xi32, #tpu.memory_space<vmem>>)
      tpu.yield
    }) : () -> ()
    %dma_start3A = arith.constant 0 : i32
    %dma_start3A_7 = tpu.memref_slice %arg9[%dma_start3A] : memref<256xi32, #tpu.memory_space<vmem>> -> memref<128xi32, #tpu.memory_space<vmem>>
    %dma_start3A_8 = arith.constant 0 : i32
    %dma_start3A_9 = arith.constant 0 : i32
    %dma_start3A_10 = tpu.memref_slice %arg2[%dma_start3A_8, %dma_start3A_9] : memref<20000x128xf32, #tpu.memory_space<hbm>> -> memref<20000x128xf32, #tpu.memory_space<hbm>>
    tpu.enqueue_indirect_dma source(%dma_start3A_10 : memref<20000x128xf32, #tpu.memory_space<hbm>>) target(%arg11 : memref<128x128xf32, #tpu.memory_space<vmem>>) offsets(%dma_start3A_7 : memref<128xi32, #tpu.memory_space<vmem>>) semaphore(%arg13 : memref<!tpu.dma_semaphore, #tpu.memory_space<semaphore_mem>>)
    %dma_start3A_11 = arith.constant 128 : i32
    %dma_start3A_12 = tpu.memref_slice %arg9[%dma_start3A_11] : memref<256xi32, #tpu.memory_space<vmem>> -> memref<128xi32, #tpu.memory_space<vmem>>
    %dma_start3A_13 = arith.constant 0 : i32
    %dma_start3A_14 = arith.constant 0 : i32
    %dma_start3A_15 = tpu.memref_slice %arg2[%dma_start3A_13, %dma_start3A_14] : memref<20000x128xf32, #tpu.memory_space<hbm>> -> memref<20000x128xf32, #tpu.memory_space<hbm>>
    tpu.enqueue_indirect_dma source(%dma_start3A_15 : memref<20000x128xf32, #tpu.memory_space<hbm>>) target(%arg12 : memref<128x128xf32, #tpu.memory_space<vmem>>) offsets(%dma_start3A_12 : memref<128xi32, #tpu.memory_space<vmem>>) semaphore(%arg14 : memref<!tpu.dma_semaphore, #tpu.memory_space<semaphore_mem>>)
    %scan3A = arith.constant 0 : i32
    %scan3A_16 = arith.constant 0 : i32
    %scan3A_17 = arith.constant 19 : i32
    %scan3A_18 = arith.addi %scan3A_16, %scan3A_17 : i32
    %scan3A_19 = arith.constant 1 : i32
    scf.for %scan3A_61 = %scan3A_16 to %scan3A_18 step %scan3A_19  : i32 {
      %mul3A_62 = arith.constant 4 : i32
      %mul3A_63 = arith.muli %scan3A_61, %mul3A_62 : i32
      %dma_wait3A_64 = arith.constant 0 : i32
      %dma_wait3A_65 = arith.constant 0 : i32
      %dma_wait3A_66 = tpu.memref_slice %arg2[%dma_wait3A_64, %dma_wait3A_65] : memref<20000x128xf32, #tpu.memory_space<hbm>> -> memref<128x128xf32, #tpu.memory_space<hbm>>
      %dma_wait3A_67 = arith.constant 0 : i32
      %dma_wait3A_68 = arith.constant 0 : i32
      %dma_wait3A_69 = tpu.memref_slice %arg2[%dma_wait3A_67, %dma_wait3A_68] : memref<20000x128xf32, #tpu.memory_space<hbm>> -> memref<128x128xf32, #tpu.memory_space<hbm>>
      tpu.wait_dma2 semaphore(%arg13 : memref<!tpu.dma_semaphore, #tpu.memory_space<semaphore_mem>>) src(%dma_wait3A_69 : memref<128x128xf32, #tpu.memory_space<hbm>>) dst(%arg11 : memref<128x128xf32, #tpu.memory_space<vmem>>)
      %add3A_70 = arith.constant 0 : i32
      %add3A_71 = arith.addi %mul3A_63, %add3A_70 : i32
      "tpu.region"() ({
        %run_scoped3A_164 = tpu.sem_alloc : memref<!tpu.dma_semaphore, #tpu.memory_space<semaphore_mem>>
        %dma_start3A_165 = arith.constant 0 : i32
        %dma_start3A_166 = tpu.memref_slice %arg8[%add3A_71, %dma_start3A_165] : memref<80x128xi32, #tpu.memory_space<vmem>> -> memref<1x128xi32, #tpu.memory_space<vmem>>
        %dma_start3A_167 = tpu.memref_squeeze %dma_start3A_166 : memref<1x128xi32, #tpu.memory_space<vmem>> -> memref<128xi32, #tpu.memory_space<vmem>>
        %dma_start3A_168 = arith.constant 0 : i32
        %dma_start3A_169 = arith.constant 0 : i32
        %dma_start3A_170 = tpu.memref_slice %arg7[%dma_start3A_168, %dma_start3A_169] : memref<10112x128xf32, #tpu.memory_space<vmem_shared>> -> memref<10112x128xf32, #tpu.memory_space<vmem_shared>>
        tpu.enqueue_indirect_dma source(%arg11 : memref<128x128xf32, #tpu.memory_space<vmem>>) target(%dma_start3A_170 : memref<10112x128xf32, #tpu.memory_space<vmem_shared>>) offsets(%dma_start3A_167 : memref<128xi32, #tpu.memory_space<vmem>>) semaphore(%run_scoped3A_164 : memref<!tpu.dma_semaphore, #tpu.memory_space<semaphore_mem>>) {add = true}
        %dma_wait3A_171 = arith.constant 0 : i32
        %dma_wait3A_172 = tpu.memref_slice %arg8[%add3A_71, %dma_wait3A_171] : memref<80x128xi32, #tpu.memory_space<vmem>> -> memref<1x128xi32, #tpu.memory_space<vmem>>
        %dma_wait3A_173 = tpu.memref_squeeze %dma_wait3A_172 : memref<1x128xi32, #tpu.memory_space<vmem>> -> memref<128xi32, #tpu.memory_space<vmem>>
        %dma_wait3A_174 = arith.constant 0 : i32
        %dma_wait3A_175 = arith.constant 0 : i32
        %dma_wait3A_176 = tpu.memref_slice %arg7[%dma_wait3A_174, %dma_wait3A_175] : memref<10112x128xf32, #tpu.memory_space<vmem_shared>> -> memref<10112x128xf32, #tpu.memory_space<vmem_shared>>
        tpu.wait_indirect_dma semaphore(%run_scoped3A_164 : memref<!tpu.dma_semaphore, #tpu.memory_space<semaphore_mem>>) src(%arg11 : memref<128x128xf32, #tpu.memory_space<vmem>>) dst(%dma_wait3A_176 : memref<10112x128xf32, #tpu.memory_space<vmem_shared>>)
        tpu.yield
      }) : () -> ()
      %dma_start3A_72 = arith.constant 0 : i32
      %dma_start3A_73 = tpu.memref_slice %arg10[%dma_start3A_72] : memref<256xi32, #tpu.memory_space<vmem>> -> memref<128xi32, #tpu.memory_space<vmem>>
      %dma_start3A_74 = arith.constant 0 : i32
      %dma_start3A_75 = arith.constant 0 : i32
      %dma_start3A_76 = tpu.memref_slice %arg2[%dma_start3A_74, %dma_start3A_75] : memref<20000x128xf32, #tpu.memory_space<hbm>> -> memref<20000x128xf32, #tpu.memory_space<hbm>>
      tpu.enqueue_indirect_dma source(%dma_start3A_76 : memref<20000x128xf32, #tpu.memory_space<hbm>>) target(%arg11 : memref<128x128xf32, #tpu.memory_space<vmem>>) offsets(%dma_start3A_73 : memref<128xi32, #tpu.memory_space<vmem>>) semaphore(%arg13 : memref<!tpu.dma_semaphore, #tpu.memory_space<semaphore_mem>>)
      %dma_wait3A_77 = arith.constant 0 : i32
      %dma_wait3A_78 = arith.constant 0 : i32
      %dma_wait3A_79 = tpu.memref_slice %arg2[%dma_wait3A_77, %dma_wait3A_78] : memref<20000x128xf32, #tpu.memory_space<hbm>> -> memref<128x128xf32, #tpu.memory_space<hbm>>
      %dma_wait3A_80 = arith.constant 0 : i32
      %dma_wait3A_81 = arith.constant 0 : i32
      %dma_wait3A_82 = tpu.memref_slice %arg2[%dma_wait3A_80, %dma_wait3A_81] : memref<20000x128xf32, #tpu.memory_space<hbm>> -> memref<128x128xf32, #tpu.memory_space<hbm>>
      tpu.wait_dma2 semaphore(%arg14 : memref<!tpu.dma_semaphore, #tpu.memory_space<semaphore_mem>>) src(%dma_wait3A_82 : memref<128x128xf32, #tpu.memory_space<hbm>>) dst(%arg12 : memref<128x128xf32, #tpu.memory_space<vmem>>)
      %add3A_83 = arith.constant 1 : i32
      %add3A_84 = arith.addi %mul3A_63, %add3A_83 : i32
      "tpu.region"() ({
        %run_scoped3A_164 = tpu.sem_alloc : memref<!tpu.dma_semaphore, #tpu.memory_space<semaphore_mem>>
        %dma_start3A_165 = arith.constant 0 : i32
        %dma_start3A_166 = tpu.memref_slice %arg8[%add3A_84, %dma_start3A_165] : memref<80x128xi32, #tpu.memory_space<vmem>> -> memref<1x128xi32, #tpu.memory_space<vmem>>
        %dma_start3A_167 = tpu.memref_squeeze %dma_start3A_166 : memref<1x128xi32, #tpu.memory_space<vmem>> -> memref<128xi32, #tpu.memory_space<vmem>>
        %dma_start3A_168 = arith.constant 0 : i32
        %dma_start3A_169 = arith.constant 0 : i32
        %dma_start3A_170 = tpu.memref_slice %arg7[%dma_start3A_168, %dma_start3A_169] : memref<10112x128xf32, #tpu.memory_space<vmem_shared>> -> memref<10112x128xf32, #tpu.memory_space<vmem_shared>>
        tpu.enqueue_indirect_dma source(%arg12 : memref<128x128xf32, #tpu.memory_space<vmem>>) target(%dma_start3A_170 : memref<10112x128xf32, #tpu.memory_space<vmem_shared>>) offsets(%dma_start3A_167 : memref<128xi32, #tpu.memory_space<vmem>>) semaphore(%run_scoped3A_164 : memref<!tpu.dma_semaphore, #tpu.memory_space<semaphore_mem>>) {add = true}
        %dma_wait3A_171 = arith.constant 0 : i32
        %dma_wait3A_172 = tpu.memref_slice %arg8[%add3A_84, %dma_wait3A_171] : memref<80x128xi32, #tpu.memory_space<vmem>> -> memref<1x128xi32, #tpu.memory_space<vmem>>
        %dma_wait3A_173 = tpu.memref_squeeze %dma_wait3A_172 : memref<1x128xi32, #tpu.memory_space<vmem>> -> memref<128xi32, #tpu.memory_space<vmem>>
        %dma_wait3A_174 = arith.constant 0 : i32
        %dma_wait3A_175 = arith.constant 0 : i32
        %dma_wait3A_176 = tpu.memref_slice %arg7[%dma_wait3A_174, %dma_wait3A_175] : memref<10112x128xf32, #tpu.memory_space<vmem_shared>> -> memref<10112x128xf32, #tpu.memory_space<vmem_shared>>
        tpu.wait_indirect_dma semaphore(%run_scoped3A_164 : memref<!tpu.dma_semaphore, #tpu.memory_space<semaphore_mem>>) src(%arg12 : memref<128x128xf32, #tpu.memory_space<vmem>>) dst(%dma_wait3A_176 : memref<10112x128xf32, #tpu.memory_space<vmem_shared>>)
        tpu.yield
      }) : () -> ()
      %dma_start3A_85 = arith.constant 128 : i32
      %dma_start3A_86 = tpu.memref_slice %arg10[%dma_start3A_85] : memref<256xi32, #tpu.memory_space<vmem>> -> memref<128xi32, #tpu.memory_space<vmem>>
      %dma_start3A_87 = arith.constant 0 : i32
      %dma_start3A_88 = arith.constant 0 : i32
      %dma_start3A_89 = tpu.memref_slice %arg2[%dma_start3A_87, %dma_start3A_88] : memref<20000x128xf32, #tpu.memory_space<hbm>> -> memref<20000x128xf32, #tpu.memory_space<hbm>>
      tpu.enqueue_indirect_dma source(%dma_start3A_89 : memref<20000x128xf32, #tpu.memory_space<hbm>>) target(%arg12 : memref<128x128xf32, #tpu.memory_space<vmem>>) offsets(%dma_start3A_86 : memref<128xi32, #tpu.memory_space<vmem>>) semaphore(%arg14 : memref<!tpu.dma_semaphore, #tpu.memory_space<semaphore_mem>>)
      %jit3A = arith.constant 2 : i32
      %div3A = arith.divsi %mul3A_63, %jit3A : i32
      %sign3A = arith.constant 0 : i32
      %sign3A_90 = arith.cmpi sgt, %mul3A_63, %sign3A : i32
      %sign3A_91 = arith.extui %sign3A_90 : i1 to i32
      %sign3A_92 = arith.constant 0 : i32
      %sign3A_93 = arith.cmpi slt, %mul3A_63, %sign3A_92 : i32
      %sign3A_94 = arith.extui %sign3A_93 : i1 to i32
      %sign3A_95 = arith.subi %sign3A_91, %sign3A_94 : i32
      %sign3A_96 = arith.constant 0 : i32
      %sign3A_97 = arith.cmpi sgt, %jit3A, %sign3A_96 : i32
      %sign3A_98 = arith.extui %sign3A_97 : i1 to i32
      %sign3A_99 = arith.constant 0 : i32
      %sign3A_100 = arith.cmpi slt, %jit3A, %sign3A_99 : i32
      %sign3A_101 = arith.extui %sign3A_100 : i1 to i32
      %sign3A_102 = arith.subi %sign3A_98, %sign3A_101 : i32
      %ne3A = arith.cmpi ne, %sign3A_95, %sign3A_102 : i32
      %rem3A = arith.remsi %mul3A_63, %jit3A : i32
      %ne3A_103 = arith.constant 0 : i32
      %ne3A_104 = arith.cmpi ne, %rem3A, %ne3A_103 : i32
      %and3A = arith.andi %ne3A, %ne3A_104 : i1
      %sub3A = arith.constant 1 : i32
      %sub3A_105 = arith.subi %div3A, %sub3A : i32
      %select_n3A = arith.select %and3A, %sub3A_105, %div3A : i32
      %add3A_106 = arith.addi %mul3A_4, %select_n3A : i32
      %add3A_107 = arith.constant 2 : i32
      %add3A_108 = arith.addi %add3A_106, %add3A_107 : i32
      "tpu.region"() ({
        %run_scoped3A_164 = tpu.sem_alloc : memref<!tpu.dma_semaphore, #tpu.memory_space<semaphore_mem>>
        %dma_start3A_165 = arith.constant 0 : i32
        %dma_start3A_166 = tpu.memref_slice %arg3[%add3A_108, %dma_start3A_165] : memref<1280x256xi32, #tpu.memory_space<hbm>> -> memref<1x256xi32, #tpu.memory_space<hbm>>
        %dma_start3A_167 = tpu.memref_squeeze %dma_start3A_166 : memref<1x256xi32, #tpu.memory_space<hbm>> -> memref<256xi32, #tpu.memory_space<hbm>>
        %dma_start3A_168 = arith.constant 0 : i32
        %dma_start3A_169 = tpu.memref_slice %arg3[%add3A_108, %dma_start3A_168] : memref<1280x256xi32, #tpu.memory_space<hbm>> -> memref<1x256xi32, #tpu.memory_space<hbm>>
        %dma_start3A_170 = tpu.memref_squeeze %dma_start3A_169 : memref<1x256xi32, #tpu.memory_space<hbm>> -> memref<256xi32, #tpu.memory_space<hbm>>
        tpu.enqueue_dma source(%dma_start3A_170 : memref<256xi32, #tpu.memory_space<hbm>>) target(%arg9 : memref<256xi32, #tpu.memory_space<vmem>>) target_semaphore(%run_scoped3A_164 : memref<!tpu.dma_semaphore, #tpu.memory_space<semaphore_mem>>)
        %dma_wait3A_171 = arith.constant 0 : i32
        %dma_wait3A_172 = tpu.memref_slice %arg3[%add3A_108, %dma_wait3A_171] : memref<1280x256xi32, #tpu.memory_space<hbm>> -> memref<1x256xi32, #tpu.memory_space<hbm>>
        %dma_wait3A_173 = tpu.memref_squeeze %dma_wait3A_172 : memref<1x256xi32, #tpu.memory_space<hbm>> -> memref<256xi32, #tpu.memory_space<hbm>>
        %dma_wait3A_174 = arith.constant 0 : i32
        %dma_wait3A_175 = tpu.memref_slice %arg3[%add3A_108, %dma_wait3A_174] : memref<1280x256xi32, #tpu.memory_space<hbm>> -> memref<1x256xi32, #tpu.memory_space<hbm>>
        %dma_wait3A_176 = tpu.memref_squeeze %dma_wait3A_175 : memref<1x256xi32, #tpu.memory_space<hbm>> -> memref<256xi32, #tpu.memory_space<hbm>>
        tpu.wait_dma2 semaphore(%run_scoped3A_164 : memref<!tpu.dma_semaphore, #tpu.memory_space<semaphore_mem>>) src(%dma_wait3A_176 : memref<256xi32, #tpu.memory_space<hbm>>) dst(%arg9 : memref<256xi32, #tpu.memory_space<vmem>>)
        tpu.yield
      }) : () -> ()
      %add3A_109 = arith.constant 2 : i32
      %add3A_110 = arith.addi %mul3A_63, %add3A_109 : i32
      %dma_wait3A_111 = arith.constant 0 : i32
      %dma_wait3A_112 = arith.constant 0 : i32
      %dma_wait3A_113 = tpu.memref_slice %arg2[%dma_wait3A_111, %dma_wait3A_112] : memref<20000x128xf32, #tpu.memory_space<hbm>> -> memref<128x128xf32, #tpu.memory_space<hbm>>
      %dma_wait3A_114 = arith.constant 0 : i32
      %dma_wait3A_115 = arith.constant 0 : i32
      %dma_wait3A_116 = tpu.memref_slice %arg2[%dma_wait3A_114, %dma_wait3A_115] : memref<20000x128xf32, #tpu.memory_space<hbm>> -> memref<128x128xf32, #tpu.memory_space<hbm>>
      tpu.wait_dma2 semaphore(%arg13 : memref<!tpu.dma_semaphore, #tpu.memory_space<semaphore_mem>>) src(%dma_wait3A_116 : memref<128x128xf32, #tpu.memory_space<hbm>>) dst(%arg11 : memref<128x128xf32, #tpu.memory_space<vmem>>)
      %add3A_117 = arith.constant 0 : i32
      %add3A_118 = arith.addi %add3A_110, %add3A_117 : i32
      "tpu.region"() ({
        %run_scoped3A_164 = tpu.sem_alloc : memref<!tpu.dma_semaphore, #tpu.memory_space<semaphore_mem>>
        %dma_start3A_165 = arith.constant 0 : i32
        %dma_start3A_166 = tpu.memref_slice %arg8[%add3A_118, %dma_start3A_165] : memref<80x128xi32, #tpu.memory_space<vmem>> -> memref<1x128xi32, #tpu.memory_space<vmem>>
        %dma_start3A_167 = tpu.memref_squeeze %dma_start3A_166 : memref<1x128xi32, #tpu.memory_space<vmem>> -> memref<128xi32, #tpu.memory_space<vmem>>
        %dma_start3A_168 = arith.constant 0 : i32
        %dma_start3A_169 = arith.constant 0 : i32
        %dma_start3A_170 = tpu.memref_slice %arg7[%dma_start3A_168, %dma_start3A_169] : memref<10112x128xf32, #tpu.memory_space<vmem_shared>> -> memref<10112x128xf32, #tpu.memory_space<vmem_shared>>
        tpu.enqueue_indirect_dma source(%arg11 : memref<128x128xf32, #tpu.memory_space<vmem>>) target(%dma_start3A_170 : memref<10112x128xf32, #tpu.memory_space<vmem_shared>>) offsets(%dma_start3A_167 : memref<128xi32, #tpu.memory_space<vmem>>) semaphore(%run_scoped3A_164 : memref<!tpu.dma_semaphore, #tpu.memory_space<semaphore_mem>>) {add = true}
        %dma_wait3A_171 = arith.constant 0 : i32
        %dma_wait3A_172 = tpu.memref_slice %arg8[%add3A_118, %dma_wait3A_171] : memref<80x128xi32, #tpu.memory_space<vmem>> -> memref<1x128xi32, #tpu.memory_space<vmem>>
        %dma_wait3A_173 = tpu.memref_squeeze %dma_wait3A_172 : memref<1x128xi32, #tpu.memory_space<vmem>> -> memref<128xi32, #tpu.memory_space<vmem>>
        %dma_wait3A_174 = arith.constant 0 : i32
        %dma_wait3A_175 = arith.constant 0 : i32
        %dma_wait3A_176 = tpu.memref_slice %arg7[%dma_wait3A_174, %dma_wait3A_175] : memref<10112x128xf32, #tpu.memory_space<vmem_shared>> -> memref<10112x128xf32, #tpu.memory_space<vmem_shared>>
        tpu.wait_indirect_dma semaphore(%run_scoped3A_164 : memref<!tpu.dma_semaphore, #tpu.memory_space<semaphore_mem>>) src(%arg11 : memref<128x128xf32, #tpu.memory_space<vmem>>) dst(%dma_wait3A_176 : memref<10112x128xf32, #tpu.memory_space<vmem_shared>>)
        tpu.yield
      }) : () -> ()
      %dma_start3A_119 = arith.constant 0 : i32
      %dma_start3A_120 = tpu.memref_slice %arg9[%dma_start3A_119] : memref<256xi32, #tpu.memory_space<vmem>> -> memref<128xi32, #tpu.memory_space<vmem>>
      %dma_start3A_121 = arith.constant 0 : i32
      %dma_start3A_122 = arith.constant 0 : i32
      %dma_start3A_123 = tpu.memref_slice %arg2[%dma_start3A_121, %dma_start3A_122] : memref<20000x128xf32, #tpu.memory_space<hbm>> -> memref<20000x128xf32, #tpu.memory_space<hbm>>
      tpu.enqueue_indirect_dma source(%dma_start3A_123 : memref<20000x128xf32, #tpu.memory_space<hbm>>) target(%arg11 : memref<128x128xf32, #tpu.memory_space<vmem>>) offsets(%dma_start3A_120 : memref<128xi32, #tpu.memory_space<vmem>>) semaphore(%arg13 : memref<!tpu.dma_semaphore, #tpu.memory_space<semaphore_mem>>)
      %dma_wait3A_124 = arith.constant 0 : i32
      %dma_wait3A_125 = arith.constant 0 : i32
      %dma_wait3A_126 = tpu.memref_slice %arg2[%dma_wait3A_124, %dma_wait3A_125] : memref<20000x128xf32, #tpu.memory_space<hbm>> -> memref<128x128xf32, #tpu.memory_space<hbm>>
      %dma_wait3A_127 = arith.constant 0 : i32
      %dma_wait3A_128 = arith.constant 0 : i32
      %dma_wait3A_129 = tpu.memref_slice %arg2[%dma_wait3A_127, %dma_wait3A_128] : memref<20000x128xf32, #tpu.memory_space<hbm>> -> memref<128x128xf32, #tpu.memory_space<hbm>>
      tpu.wait_dma2 semaphore(%arg14 : memref<!tpu.dma_semaphore, #tpu.memory_space<semaphore_mem>>) src(%dma_wait3A_129 : memref<128x128xf32, #tpu.memory_space<hbm>>) dst(%arg12 : memref<128x128xf32, #tpu.memory_space<vmem>>)
      %add3A_130 = arith.constant 1 : i32
      %add3A_131 = arith.addi %add3A_110, %add3A_130 : i32
      "tpu.region"() ({
        %run_scoped3A_164 = tpu.sem_alloc : memref<!tpu.dma_semaphore, #tpu.memory_space<semaphore_mem>>
        %dma_start3A_165 = arith.constant 0 : i32
        %dma_start3A_166 = tpu.memref_slice %arg8[%add3A_131, %dma_start3A_165] : memref<80x128xi32, #tpu.memory_space<vmem>> -> memref<1x128xi32, #tpu.memory_space<vmem>>
        %dma_start3A_167 = tpu.memref_squeeze %dma_start3A_166 : memref<1x128xi32, #tpu.memory_space<vmem>> -> memref<128xi32, #tpu.memory_space<vmem>>
        %dma_start3A_168 = arith.constant 0 : i32
        %dma_start3A_169 = arith.constant 0 : i32
        %dma_start3A_170 = tpu.memref_slice %arg7[%dma_start3A_168, %dma_start3A_169] : memref<10112x128xf32, #tpu.memory_space<vmem_shared>> -> memref<10112x128xf32, #tpu.memory_space<vmem_shared>>
        tpu.enqueue_indirect_dma source(%arg12 : memref<128x128xf32, #tpu.memory_space<vmem>>) target(%dma_start3A_170 : memref<10112x128xf32, #tpu.memory_space<vmem_shared>>) offsets(%dma_start3A_167 : memref<128xi32, #tpu.memory_space<vmem>>) semaphore(%run_scoped3A_164 : memref<!tpu.dma_semaphore, #tpu.memory_space<semaphore_mem>>) {add = true}
        %dma_wait3A_171 = arith.constant 0 : i32
        %dma_wait3A_172 = tpu.memref_slice %arg8[%add3A_131, %dma_wait3A_171] : memref<80x128xi32, #tpu.memory_space<vmem>> -> memref<1x128xi32, #tpu.memory_space<vmem>>
        %dma_wait3A_173 = tpu.memref_squeeze %dma_wait3A_172 : memref<1x128xi32, #tpu.memory_space<vmem>> -> memref<128xi32, #tpu.memory_space<vmem>>
        %dma_wait3A_174 = arith.constant 0 : i32
        %dma_wait3A_175 = arith.constant 0 : i32
        %dma_wait3A_176 = tpu.memref_slice %arg7[%dma_wait3A_174, %dma_wait3A_175] : memref<10112x128xf32, #tpu.memory_space<vmem_shared>> -> memref<10112x128xf32, #tpu.memory_space<vmem_shared>>
        tpu.wait_indirect_dma semaphore(%run_scoped3A_164 : memref<!tpu.dma_semaphore, #tpu.memory_space<semaphore_mem>>) src(%arg12 : memref<128x128xf32, #tpu.memory_space<vmem>>) dst(%dma_wait3A_176 : memref<10112x128xf32, #tpu.memory_space<vmem_shared>>)
        tpu.yield
      }) : () -> ()
      %dma_start3A_132 = arith.constant 128 : i32
      %dma_start3A_133 = tpu.memref_slice %arg9[%dma_start3A_132] : memref<256xi32, #tpu.memory_space<vmem>> -> memref<128xi32, #tpu.memory_space<vmem>>
      %dma_start3A_134 = arith.constant 0 : i32
      %dma_start3A_135 = arith.constant 0 : i32
      %dma_start3A_136 = tpu.memref_slice %arg2[%dma_start3A_134, %dma_start3A_135] : memref<20000x128xf32, #tpu.memory_space<hbm>> -> memref<20000x128xf32, #tpu.memory_space<hbm>>
      tpu.enqueue_indirect_dma source(%dma_start3A_136 : memref<20000x128xf32, #tpu.memory_space<hbm>>) target(%arg12 : memref<128x128xf32, #tpu.memory_space<vmem>>) offsets(%dma_start3A_133 : memref<128xi32, #tpu.memory_space<vmem>>) semaphore(%arg14 : memref<!tpu.dma_semaphore, #tpu.memory_space<semaphore_mem>>)
      %jit3A_137 = arith.constant 2 : i32
      %div3A_138 = arith.divsi %add3A_110, %jit3A_137 : i32
      %sign3A_139 = arith.constant 0 : i32
      %sign3A_140 = arith.cmpi sgt, %add3A_110, %sign3A_139 : i32
      %sign3A_141 = arith.extui %sign3A_140 : i1 to i32
      %sign3A_142 = arith.constant 0 : i32
      %sign3A_143 = arith.cmpi slt, %add3A_110, %sign3A_142 : i32
      %sign3A_144 = arith.extui %sign3A_143 : i1 to i32
      %sign3A_145 = arith.subi %sign3A_141, %sign3A_144 : i32
      %sign3A_146 = arith.constant 0 : i32
      %sign3A_147 = arith.cmpi sgt, %jit3A_137, %sign3A_146 : i32
      %sign3A_148 = arith.extui %sign3A_147 : i1 to i32
      %sign3A_149 = arith.constant 0 : i32
      %sign3A_150 = arith.cmpi slt, %jit3A_137, %sign3A_149 : i32
      %sign3A_151 = arith.extui %sign3A_150 : i1 to i32
      %sign3A_152 = arith.subi %sign3A_148, %sign3A_151 : i32
      %ne3A_153 = arith.cmpi ne, %sign3A_145, %sign3A_152 : i32
      %rem3A_154 = arith.remsi %add3A_110, %jit3A_137 : i32
      %ne3A_155 = arith.constant 0 : i32
      %ne3A_156 = arith.cmpi ne, %rem3A_154, %ne3A_155 : i32
      %and3A_157 = arith.andi %ne3A_153, %ne3A_156 : i1
      %sub3A_158 = arith.constant 1 : i32
      %sub3A_159 = arith.subi %div3A_138, %sub3A_158 : i32
      %select_n3A_160 = arith.select %and3A_157, %sub3A_159, %div3A_138 : i32
      %add3A_161 = arith.addi %mul3A_4, %select_n3A_160 : i32
      %add3A_162 = arith.constant 2 : i32
      %add3A_163 = arith.addi %add3A_161, %add3A_162 : i32
      "tpu.region"() ({
        %run_scoped3A_164 = tpu.sem_alloc : memref<!tpu.dma_semaphore, #tpu.memory_space<semaphore_mem>>
        %dma_start3A_165 = arith.constant 0 : i32
        %dma_start3A_166 = tpu.memref_slice %arg3[%add3A_163, %dma_start3A_165] : memref<1280x256xi32, #tpu.memory_space<hbm>> -> memref<1x256xi32, #tpu.memory_space<hbm>>
        %dma_start3A_167 = tpu.memref_squeeze %dma_start3A_166 : memref<1x256xi32, #tpu.memory_space<hbm>> -> memref<256xi32, #tpu.memory_space<hbm>>
        %dma_start3A_168 = arith.constant 0 : i32
        %dma_start3A_169 = tpu.memref_slice %arg3[%add3A_163, %dma_start3A_168] : memref<1280x256xi32, #tpu.memory_space<hbm>> -> memref<1x256xi32, #tpu.memory_space<hbm>>
        %dma_start3A_170 = tpu.memref_squeeze %dma_start3A_169 : memref<1x256xi32, #tpu.memory_space<hbm>> -> memref<256xi32, #tpu.memory_space<hbm>>
        tpu.enqueue_dma source(%dma_start3A_170 : memref<256xi32, #tpu.memory_space<hbm>>) target(%arg10 : memref<256xi32, #tpu.memory_space<vmem>>) target_semaphore(%run_scoped3A_164 : memref<!tpu.dma_semaphore, #tpu.memory_space<semaphore_mem>>)
        %dma_wait3A_171 = arith.constant 0 : i32
        %dma_wait3A_172 = tpu.memref_slice %arg3[%add3A_163, %dma_wait3A_171] : memref<1280x256xi32, #tpu.memory_space<hbm>> -> memref<1x256xi32, #tpu.memory_space<hbm>>
        %dma_wait3A_173 = tpu.memref_squeeze %dma_wait3A_172 : memref<1x256xi32, #tpu.memory_space<hbm>> -> memref<256xi32, #tpu.memory_space<hbm>>
        %dma_wait3A_174 = arith.constant 0 : i32
        %dma_wait3A_175 = tpu.memref_slice %arg3[%add3A_163, %dma_wait3A_174] : memref<1280x256xi32, #tpu.memory_space<hbm>> -> memref<1x256xi32, #tpu.memory_space<hbm>>
        %dma_wait3A_176 = tpu.memref_squeeze %dma_wait3A_175 : memref<1x256xi32, #tpu.memory_space<hbm>> -> memref<256xi32, #tpu.memory_space<hbm>>
        tpu.wait_dma2 semaphore(%run_scoped3A_164 : memref<!tpu.dma_semaphore, #tpu.memory_space<semaphore_mem>>) src(%dma_wait3A_176 : memref<256xi32, #tpu.memory_space<hbm>>) dst(%arg10 : memref<256xi32, #tpu.memory_space<vmem>>)
        tpu.yield
      }) : () -> ()
    }
    %scan3A_20 = arith.constant 19 : i32
    %dma_wait3A = arith.constant 0 : i32
    %dma_wait3A_21 = arith.constant 0 : i32
    %dma_wait3A_22 = tpu.memref_slice %arg2[%dma_wait3A, %dma_wait3A_21] : memref<20000x128xf32, #tpu.memory_space<hbm>> -> memref<128x128xf32, #tpu.memory_space<hbm>>
    %dma_wait3A_23 = arith.constant 0 : i32
    %dma_wait3A_24 = arith.constant 0 : i32
    %dma_wait3A_25 = tpu.memref_slice %arg2[%dma_wait3A_23, %dma_wait3A_24] : memref<20000x128xf32, #tpu.memory_space<hbm>> -> memref<128x128xf32, #tpu.memory_space<hbm>>
    tpu.wait_dma2 semaphore(%arg13 : memref<!tpu.dma_semaphore, #tpu.memory_space<semaphore_mem>>) src(%dma_wait3A_25 : memref<128x128xf32, #tpu.memory_space<hbm>>) dst(%arg11 : memref<128x128xf32, #tpu.memory_space<vmem>>)
    %run_scoped3A = arith.constant 76 : i32
    "tpu.region"() ({
      %run_scoped3A_61 = tpu.sem_alloc : memref<!tpu.dma_semaphore, #tpu.memory_space<semaphore_mem>>
      %dma_start3A_62 = arith.constant 0 : i32
      %dma_start3A_63 = tpu.memref_slice %arg8[%run_scoped3A, %dma_start3A_62] : memref<80x128xi32, #tpu.memory_space<vmem>> -> memref<1x128xi32, #tpu.memory_space<vmem>>
      %dma_start3A_64 = tpu.memref_squeeze %dma_start3A_63 : memref<1x128xi32, #tpu.memory_space<vmem>> -> memref<128xi32, #tpu.memory_space<vmem>>
      %dma_start3A_65 = arith.constant 0 : i32
      %dma_start3A_66 = arith.constant 0 : i32
      %dma_start3A_67 = tpu.memref_slice %arg7[%dma_start3A_65, %dma_start3A_66] : memref<10112x128xf32, #tpu.memory_space<vmem_shared>> -> memref<10112x128xf32, #tpu.memory_space<vmem_shared>>
      tpu.enqueue_indirect_dma source(%arg11 : memref<128x128xf32, #tpu.memory_space<vmem>>) target(%dma_start3A_67 : memref<10112x128xf32, #tpu.memory_space<vmem_shared>>) offsets(%dma_start3A_64 : memref<128xi32, #tpu.memory_space<vmem>>) semaphore(%run_scoped3A_61 : memref<!tpu.dma_semaphore, #tpu.memory_space<semaphore_mem>>) {add = true}
      %dma_wait3A_68 = arith.constant 0 : i32
      %dma_wait3A_69 = tpu.memref_slice %arg8[%run_scoped3A, %dma_wait3A_68] : memref<80x128xi32, #tpu.memory_space<vmem>> -> memref<1x128xi32, #tpu.memory_space<vmem>>
      %dma_wait3A_70 = tpu.memref_squeeze %dma_wait3A_69 : memref<1x128xi32, #tpu.memory_space<vmem>> -> memref<128xi32, #tpu.memory_space<vmem>>
      %dma_wait3A_71 = arith.constant 0 : i32
      %dma_wait3A_72 = arith.constant 0 : i32
      %dma_wait3A_73 = tpu.memref_slice %arg7[%dma_wait3A_71, %dma_wait3A_72] : memref<10112x128xf32, #tpu.memory_space<vmem_shared>> -> memref<10112x128xf32, #tpu.memory_space<vmem_shared>>
      tpu.wait_indirect_dma semaphore(%run_scoped3A_61 : memref<!tpu.dma_semaphore, #tpu.memory_space<semaphore_mem>>) src(%arg11 : memref<128x128xf32, #tpu.memory_space<vmem>>) dst(%dma_wait3A_73 : memref<10112x128xf32, #tpu.memory_space<vmem_shared>>)
      tpu.yield
    }) : () -> ()
    %dma_start3A_26 = arith.constant 0 : i32
    %dma_start3A_27 = tpu.memref_slice %arg10[%dma_start3A_26] : memref<256xi32, #tpu.memory_space<vmem>> -> memref<128xi32, #tpu.memory_space<vmem>>
    %dma_start3A_28 = arith.constant 0 : i32
    %dma_start3A_29 = arith.constant 0 : i32
    %dma_start3A_30 = tpu.memref_slice %arg2[%dma_start3A_28, %dma_start3A_29] : memref<20000x128xf32, #tpu.memory_space<hbm>> -> memref<20000x128xf32, #tpu.memory_space<hbm>>
    tpu.enqueue_indirect_dma source(%dma_start3A_30 : memref<20000x128xf32, #tpu.memory_space<hbm>>) target(%arg11 : memref<128x128xf32, #tpu.memory_space<vmem>>) offsets(%dma_start3A_27 : memref<128xi32, #tpu.memory_space<vmem>>) semaphore(%arg13 : memref<!tpu.dma_semaphore, #tpu.memory_space<semaphore_mem>>)
    %dma_wait3A_31 = arith.constant 0 : i32
    %dma_wait3A_32 = arith.constant 0 : i32
    %dma_wait3A_33 = tpu.memref_slice %arg2[%dma_wait3A_31, %dma_wait3A_32] : memref<20000x128xf32, #tpu.memory_space<hbm>> -> memref<128x128xf32, #tpu.memory_space<hbm>>
    %dma_wait3A_34 = arith.constant 0 : i32
    %dma_wait3A_35 = arith.constant 0 : i32
    %dma_wait3A_36 = tpu.memref_slice %arg2[%dma_wait3A_34, %dma_wait3A_35] : memref<20000x128xf32, #tpu.memory_space<hbm>> -> memref<128x128xf32, #tpu.memory_space<hbm>>
    tpu.wait_dma2 semaphore(%arg14 : memref<!tpu.dma_semaphore, #tpu.memory_space<semaphore_mem>>) src(%dma_wait3A_36 : memref<128x128xf32, #tpu.memory_space<hbm>>) dst(%arg12 : memref<128x128xf32, #tpu.memory_space<vmem>>)
    %run_scoped3A_37 = arith.constant 77 : i32
    "tpu.region"() ({
      %run_scoped3A_61 = tpu.sem_alloc : memref<!tpu.dma_semaphore, #tpu.memory_space<semaphore_mem>>
      %dma_start3A_62 = arith.constant 0 : i32
      %dma_start3A_63 = tpu.memref_slice %arg8[%run_scoped3A_37, %dma_start3A_62] : memref<80x128xi32, #tpu.memory_space<vmem>> -> memref<1x128xi32, #tpu.memory_space<vmem>>
      %dma_start3A_64 = tpu.memref_squeeze %dma_start3A_63 : memref<1x128xi32, #tpu.memory_space<vmem>> -> memref<128xi32, #tpu.memory_space<vmem>>
      %dma_start3A_65 = arith.constant 0 : i32
      %dma_start3A_66 = arith.constant 0 : i32
      %dma_start3A_67 = tpu.memref_slice %arg7[%dma_start3A_65, %dma_start3A_66] : memref<10112x128xf32, #tpu.memory_space<vmem_shared>> -> memref<10112x128xf32, #tpu.memory_space<vmem_shared>>
      tpu.enqueue_indirect_dma source(%arg12 : memref<128x128xf32, #tpu.memory_space<vmem>>) target(%dma_start3A_67 : memref<10112x128xf32, #tpu.memory_space<vmem_shared>>) offsets(%dma_start3A_64 : memref<128xi32, #tpu.memory_space<vmem>>) semaphore(%run_scoped3A_61 : memref<!tpu.dma_semaphore, #tpu.memory_space<semaphore_mem>>) {add = true}
      %dma_wait3A_68 = arith.constant 0 : i32
      %dma_wait3A_69 = tpu.memref_slice %arg8[%run_scoped3A_37, %dma_wait3A_68] : memref<80x128xi32, #tpu.memory_space<vmem>> -> memref<1x128xi32, #tpu.memory_space<vmem>>
      %dma_wait3A_70 = tpu.memref_squeeze %dma_wait3A_69 : memref<1x128xi32, #tpu.memory_space<vmem>> -> memref<128xi32, #tpu.memory_space<vmem>>
      %dma_wait3A_71 = arith.constant 0 : i32
      %dma_wait3A_72 = arith.constant 0 : i32
      %dma_wait3A_73 = tpu.memref_slice %arg7[%dma_wait3A_71, %dma_wait3A_72] : memref<10112x128xf32, #tpu.memory_space<vmem_shared>> -> memref<10112x128xf32, #tpu.memory_space<vmem_shared>>
      tpu.wait_indirect_dma semaphore(%run_scoped3A_61 : memref<!tpu.dma_semaphore, #tpu.memory_space<semaphore_mem>>) src(%arg12 : memref<128x128xf32, #tpu.memory_space<vmem>>) dst(%dma_wait3A_73 : memref<10112x128xf32, #tpu.memory_space<vmem_shared>>)
      tpu.yield
    }) : () -> ()
    %dma_start3A_38 = arith.constant 128 : i32
    %dma_start3A_39 = tpu.memref_slice %arg10[%dma_start3A_38] : memref<256xi32, #tpu.memory_space<vmem>> -> memref<128xi32, #tpu.memory_space<vmem>>
    %dma_start3A_40 = arith.constant 0 : i32
    %dma_start3A_41 = arith.constant 0 : i32
    %dma_start3A_42 = tpu.memref_slice %arg2[%dma_start3A_40, %dma_start3A_41] : memref<20000x128xf32, #tpu.memory_space<hbm>> -> memref<20000x128xf32, #tpu.memory_space<hbm>>
    tpu.enqueue_indirect_dma source(%dma_start3A_42 : memref<20000x128xf32, #tpu.memory_space<hbm>>) target(%arg12 : memref<128x128xf32, #tpu.memory_space<vmem>>) offsets(%dma_start3A_39 : memref<128xi32, #tpu.memory_space<vmem>>) semaphore(%arg14 : memref<!tpu.dma_semaphore, #tpu.memory_space<semaphore_mem>>)
    %dma_wait3A_43 = arith.constant 0 : i32
    %dma_wait3A_44 = arith.constant 0 : i32
    %dma_wait3A_45 = tpu.memref_slice %arg2[%dma_wait3A_43, %dma_wait3A_44] : memref<20000x128xf32, #tpu.memory_space<hbm>> -> memref<128x128xf32, #tpu.memory_space<hbm>>
    %dma_wait3A_46 = arith.constant 0 : i32
    %dma_wait3A_47 = arith.constant 0 : i32
    %dma_wait3A_48 = tpu.memref_slice %arg2[%dma_wait3A_46, %dma_wait3A_47] : memref<20000x128xf32, #tpu.memory_space<hbm>> -> memref<128x128xf32, #tpu.memory_space<hbm>>
    tpu.wait_dma2 semaphore(%arg13 : memref<!tpu.dma_semaphore, #tpu.memory_space<semaphore_mem>>) src(%dma_wait3A_48 : memref<128x128xf32, #tpu.memory_space<hbm>>) dst(%arg11 : memref<128x128xf32, #tpu.memory_space<vmem>>)
    %run_scoped3A_49 = arith.constant 78 : i32
    "tpu.region"() ({
      %run_scoped3A_61 = tpu.sem_alloc : memref<!tpu.dma_semaphore, #tpu.memory_space<semaphore_mem>>
      %dma_start3A_62 = arith.constant 0 : i32
      %dma_start3A_63 = tpu.memref_slice %arg8[%run_scoped3A_49, %dma_start3A_62] : memref<80x128xi32, #tpu.memory_space<vmem>> -> memref<1x128xi32, #tpu.memory_space<vmem>>
      %dma_start3A_64 = tpu.memref_squeeze %dma_start3A_63 : memref<1x128xi32, #tpu.memory_space<vmem>> -> memref<128xi32, #tpu.memory_space<vmem>>
      %dma_start3A_65 = arith.constant 0 : i32
      %dma_start3A_66 = arith.constant 0 : i32
      %dma_start3A_67 = tpu.memref_slice %arg7[%dma_start3A_65, %dma_start3A_66] : memref<10112x128xf32, #tpu.memory_space<vmem_shared>> -> memref<10112x128xf32, #tpu.memory_space<vmem_shared>>
      tpu.enqueue_indirect_dma source(%arg11 : memref<128x128xf32, #tpu.memory_space<vmem>>) target(%dma_start3A_67 : memref<10112x128xf32, #tpu.memory_space<vmem_shared>>) offsets(%dma_start3A_64 : memref<128xi32, #tpu.memory_space<vmem>>) semaphore(%run_scoped3A_61 : memref<!tpu.dma_semaphore, #tpu.memory_space<semaphore_mem>>) {add = true}
      %dma_wait3A_68 = arith.constant 0 : i32
      %dma_wait3A_69 = tpu.memref_slice %arg8[%run_scoped3A_49, %dma_wait3A_68] : memref<80x128xi32, #tpu.memory_space<vmem>> -> memref<1x128xi32, #tpu.memory_space<vmem>>
      %dma_wait3A_70 = tpu.memref_squeeze %dma_wait3A_69 : memref<1x128xi32, #tpu.memory_space<vmem>> -> memref<128xi32, #tpu.memory_space<vmem>>
      %dma_wait3A_71 = arith.constant 0 : i32
      %dma_wait3A_72 = arith.constant 0 : i32
      %dma_wait3A_73 = tpu.memref_slice %arg7[%dma_wait3A_71, %dma_wait3A_72] : memref<10112x128xf32, #tpu.memory_space<vmem_shared>> -> memref<10112x128xf32, #tpu.memory_space<vmem_shared>>
      tpu.wait_indirect_dma semaphore(%run_scoped3A_61 : memref<!tpu.dma_semaphore, #tpu.memory_space<semaphore_mem>>) src(%arg11 : memref<128x128xf32, #tpu.memory_space<vmem>>) dst(%dma_wait3A_73 : memref<10112x128xf32, #tpu.memory_space<vmem_shared>>)
      tpu.yield
    }) : () -> ()
    %dma_wait3A_50 = arith.constant 0 : i32
    %dma_wait3A_51 = arith.constant 0 : i32
    %dma_wait3A_52 = tpu.memref_slice %arg2[%dma_wait3A_50, %dma_wait3A_51] : memref<20000x128xf32, #tpu.memory_space<hbm>> -> memref<128x128xf32, #tpu.memory_space<hbm>>
    %dma_wait3A_53 = arith.constant 0 : i32
    %dma_wait3A_54 = arith.constant 0 : i32
    %dma_wait3A_55 = tpu.memref_slice %arg2[%dma_wait3A_53, %dma_wait3A_54] : memref<20000x128xf32, #tpu.memory_space<hbm>> -> memref<128x128xf32, #tpu.memory_space<hbm>>
    tpu.wait_dma2 semaphore(%arg14 : memref<!tpu.dma_semaphore, #tpu.memory_space<semaphore_mem>>) src(%dma_wait3A_55 : memref<128x128xf32, #tpu.memory_space<hbm>>) dst(%arg12 : memref<128x128xf32, #tpu.memory_space<vmem>>)
    %run_scoped3A_56 = arith.constant 79 : i32
    "tpu.region"() ({
      %run_scoped3A_61 = tpu.sem_alloc : memref<!tpu.dma_semaphore, #tpu.memory_space<semaphore_mem>>
      %dma_start3A_62 = arith.constant 0 : i32
      %dma_start3A_63 = tpu.memref_slice %arg8[%run_scoped3A_56, %dma_start3A_62] : memref<80x128xi32, #tpu.memory_space<vmem>> -> memref<1x128xi32, #tpu.memory_space<vmem>>
      %dma_start3A_64 = tpu.memref_squeeze %dma_start3A_63 : memref<1x128xi32, #tpu.memory_space<vmem>> -> memref<128xi32, #tpu.memory_space<vmem>>
      %dma_start3A_65 = arith.constant 0 : i32
      %dma_start3A_66 = arith.constant 0 : i32
      %dma_start3A_67 = tpu.memref_slice %arg7[%dma_start3A_65, %dma_start3A_66] : memref<10112x128xf32, #tpu.memory_space<vmem_shared>> -> memref<10112x128xf32, #tpu.memory_space<vmem_shared>>
      tpu.enqueue_indirect_dma source(%arg12 : memref<128x128xf32, #tpu.memory_space<vmem>>) target(%dma_start3A_67 : memref<10112x128xf32, #tpu.memory_space<vmem_shared>>) offsets(%dma_start3A_64 : memref<128xi32, #tpu.memory_space<vmem>>) semaphore(%run_scoped3A_61 : memref<!tpu.dma_semaphore, #tpu.memory_space<semaphore_mem>>) {add = true}
      %dma_wait3A_68 = arith.constant 0 : i32
      %dma_wait3A_69 = tpu.memref_slice %arg8[%run_scoped3A_56, %dma_wait3A_68] : memref<80x128xi32, #tpu.memory_space<vmem>> -> memref<1x128xi32, #tpu.memory_space<vmem>>
      %dma_wait3A_70 = tpu.memref_squeeze %dma_wait3A_69 : memref<1x128xi32, #tpu.memory_space<vmem>> -> memref<128xi32, #tpu.memory_space<vmem>>
      %dma_wait3A_71 = arith.constant 0 : i32
      %dma_wait3A_72 = arith.constant 0 : i32
      %dma_wait3A_73 = tpu.memref_slice %arg7[%dma_wait3A_71, %dma_wait3A_72] : memref<10112x128xf32, #tpu.memory_space<vmem_shared>> -> memref<10112x128xf32, #tpu.memory_space<vmem_shared>>
      tpu.wait_indirect_dma semaphore(%run_scoped3A_61 : memref<!tpu.dma_semaphore, #tpu.memory_space<semaphore_mem>>) src(%arg12 : memref<128x128xf32, #tpu.memory_space<vmem>>) dst(%dma_wait3A_73 : memref<10112x128xf32, #tpu.memory_space<vmem_shared>>)
      tpu.yield
    }) : () -> ()
    %barrier3A_57 = arith.constant 0 : index
    tpu.barrier barrier_id(%barrier3A_57)
    %mul3A_58 = arith.constant 10112 : i32
    %mul3A_59 = arith.muli %arg0, %mul3A_58 : i32
    %add3A_60 = arith.addi %mul3A_59, %mul3A_0 : i32
    "tpu.region"() ({
      %run_scoped3A_61 = tpu.sem_alloc : memref<!tpu.dma_semaphore, #tpu.memory_space<semaphore_mem>>
      %dma_start3A_62 = arith.constant 0 : i32
      %dma_start3A_63 = tpu.memref_slice %arg6[%add3A_60, %dma_start3A_62] : memref<20224x128xf32, #tpu.memory_space<hbm>> -> memref<632x128xf32, #tpu.memory_space<hbm>>
      %dma_start3A_64 = arith.constant 0 : i32
      %dma_start3A_65 = tpu.memref_slice %arg7[%mul3A_0, %dma_start3A_64] : memref<10112x128xf32, #tpu.memory_space<vmem_shared>> -> memref<632x128xf32, #tpu.memory_space<vmem_shared>>
      tpu.enqueue_dma source(%dma_start3A_65 : memref<632x128xf32, #tpu.memory_space<vmem_shared>>) target(%dma_start3A_63 : memref<632x128xf32, #tpu.memory_space<hbm>>) target_semaphore(%run_scoped3A_61 : memref<!tpu.dma_semaphore, #tpu.memory_space<semaphore_mem>>)
      %dma_wait3A_66 = arith.constant 0 : i32
      %dma_wait3A_67 = tpu.memref_slice %arg6[%add3A_60, %dma_wait3A_66] : memref<20224x128xf32, #tpu.memory_space<hbm>> -> memref<632x128xf32, #tpu.memory_space<hbm>>
      %dma_wait3A_68 = arith.constant 0 : i32
      %dma_wait3A_69 = tpu.memref_slice %arg7[%mul3A_0, %dma_wait3A_68] : memref<10112x128xf32, #tpu.memory_space<vmem_shared>> -> memref<632x128xf32, #tpu.memory_space<vmem_shared>>
      tpu.wait_dma2 semaphore(%run_scoped3A_61 : memref<!tpu.dma_semaphore, #tpu.memory_space<semaphore_mem>>) src(%dma_wait3A_69 : memref<632x128xf32, #tpu.memory_space<vmem_shared>>) dst(%dma_wait3A_67 : memref<632x128xf32, #tpu.memory_space<hbm>>)
      tpu.yield
    }) : () -> ()
    return
  }
}

#map = affine_map<(d0, d1) -> (0, 0, 0)>
#map1 = affine_map<(d0, d1) -> (0, 0)>
module attributes {stable_mosaic.version = 14 : i64} {
  func.func @k(%arg0: i32, %arg1: i32, %arg2: memref<32x40x128xi32, #tpu.memory_space<hbm>>, %arg3: memref<10112x128xf32, #tpu.memory_space<hbm>>, %arg4: memref<128x128xf32, #tpu.memory_space<hbm>>, %arg5: memref<20224x128xf32, #tpu.memory_space<hbm>>, %arg6: memref<10112x128xf32, #tpu.memory_space<vmem_shared>>, %arg7: memref<40x128xi32, #tpu.memory_space<vmem>>, %arg8: memref<128x128xf32, #tpu.memory_space<vmem>>) attributes {dimension_semantics = [#tpu.dimension_semantics<core_parallel>, #tpu.dimension_semantics<subcore_parallel>], iteration_bounds = array<i64: 2, 16>, scalar_prefetch = 0 : i64, scratch_operands = 3 : i64, tpu.core_type = #tpu.core_type<sc_vector_subcore>, window_params = [{transform_indices = #map}, {transform_indices = #map1}, {transform_indices = #map1}, {transform_indices = #map1}]} {
    %mul3A = arith.constant 632 : i32
    %mul3A_0 = arith.muli %arg1, %mul3A : i32
    %mul3A_1 = arith.constant 16 : i32
    %mul3A_2 = arith.muli %arg0, %mul3A_1 : i32
    %add3A = arith.addi %mul3A_2, %arg1 : i32
    "tpu.region"() ({
      %run_scoped3A = tpu.sem_alloc : memref<!tpu.dma_semaphore, #tpu.memory_space<semaphore_mem>>
      %dma_start3A = arith.constant 0 : i32
      %dma_start3A_12 = tpu.memref_slice %arg6[%mul3A_0, %dma_start3A] : memref<10112x128xf32, #tpu.memory_space<vmem_shared>> -> memref<632x128xf32, #tpu.memory_space<vmem_shared>>
      %dma_start3A_13 = arith.constant 0 : i32
      %dma_start3A_14 = tpu.memref_slice %arg3[%mul3A_0, %dma_start3A_13] : memref<10112x128xf32, #tpu.memory_space<hbm>> -> memref<632x128xf32, #tpu.memory_space<hbm>>
      tpu.enqueue_dma source(%dma_start3A_14 : memref<632x128xf32, #tpu.memory_space<hbm>>) target(%dma_start3A_12 : memref<632x128xf32, #tpu.memory_space<vmem_shared>>) target_semaphore(%run_scoped3A : memref<!tpu.dma_semaphore, #tpu.memory_space<semaphore_mem>>)
      %dma_wait3A = arith.constant 0 : i32
      %dma_wait3A_15 = tpu.memref_slice %arg6[%mul3A_0, %dma_wait3A] : memref<10112x128xf32, #tpu.memory_space<vmem_shared>> -> memref<632x128xf32, #tpu.memory_space<vmem_shared>>
      %dma_wait3A_16 = arith.constant 0 : i32
      %dma_wait3A_17 = tpu.memref_slice %arg3[%mul3A_0, %dma_wait3A_16] : memref<10112x128xf32, #tpu.memory_space<hbm>> -> memref<632x128xf32, #tpu.memory_space<hbm>>
      tpu.wait_dma2 semaphore(%run_scoped3A : memref<!tpu.dma_semaphore, #tpu.memory_space<semaphore_mem>>) src(%dma_wait3A_17 : memref<632x128xf32, #tpu.memory_space<hbm>>) dst(%dma_wait3A_15 : memref<632x128xf32, #tpu.memory_space<vmem_shared>>)
      tpu.yield
    }) : () -> ()
    "tpu.region"() ({
      %run_scoped3A = tpu.sem_alloc : memref<!tpu.dma_semaphore, #tpu.memory_space<semaphore_mem>>
      tpu.enqueue_dma source(%arg4 : memref<128x128xf32, #tpu.memory_space<hbm>>) target(%arg8 : memref<128x128xf32, #tpu.memory_space<vmem>>) target_semaphore(%run_scoped3A : memref<!tpu.dma_semaphore, #tpu.memory_space<semaphore_mem>>)
      tpu.wait_dma2 semaphore(%run_scoped3A : memref<!tpu.dma_semaphore, #tpu.memory_space<semaphore_mem>>) src(%arg4 : memref<128x128xf32, #tpu.memory_space<hbm>>) dst(%arg8 : memref<128x128xf32, #tpu.memory_space<vmem>>)
      tpu.yield
    }) : () -> ()
    "tpu.region"() ({
      %run_scoped3A = tpu.sem_alloc : memref<!tpu.dma_semaphore, #tpu.memory_space<semaphore_mem>>
      %dma_start3A = arith.constant 0 : i32
      %dma_start3A_12 = arith.constant 0 : i32
      %dma_start3A_13 = tpu.memref_slice %arg2[%add3A, %dma_start3A, %dma_start3A_12] : memref<32x40x128xi32, #tpu.memory_space<hbm>> -> memref<1x40x128xi32, #tpu.memory_space<hbm>>
      %dma_start3A_14 = tpu.memref_squeeze %dma_start3A_13 : memref<1x40x128xi32, #tpu.memory_space<hbm>> -> memref<40x128xi32, #tpu.memory_space<hbm>>
      %dma_start3A_15 = arith.constant 0 : i32
      %dma_start3A_16 = arith.constant 0 : i32
      %dma_start3A_17 = tpu.memref_slice %arg2[%add3A, %dma_start3A_15, %dma_start3A_16] : memref<32x40x128xi32, #tpu.memory_space<hbm>> -> memref<1x40x128xi32, #tpu.memory_space<hbm>>
      %dma_start3A_18 = tpu.memref_squeeze %dma_start3A_17 : memref<1x40x128xi32, #tpu.memory_space<hbm>> -> memref<40x128xi32, #tpu.memory_space<hbm>>
      tpu.enqueue_dma source(%dma_start3A_18 : memref<40x128xi32, #tpu.memory_space<hbm>>) target(%arg7 : memref<40x128xi32, #tpu.memory_space<vmem>>) target_semaphore(%run_scoped3A : memref<!tpu.dma_semaphore, #tpu.memory_space<semaphore_mem>>)
      %dma_wait3A = arith.constant 0 : i32
      %dma_wait3A_19 = arith.constant 0 : i32
      %dma_wait3A_20 = tpu.memref_slice %arg2[%add3A, %dma_wait3A, %dma_wait3A_19] : memref<32x40x128xi32, #tpu.memory_space<hbm>> -> memref<1x40x128xi32, #tpu.memory_space<hbm>>
      %dma_wait3A_21 = tpu.memref_squeeze %dma_wait3A_20 : memref<1x40x128xi32, #tpu.memory_space<hbm>> -> memref<40x128xi32, #tpu.memory_space<hbm>>
      %dma_wait3A_22 = arith.constant 0 : i32
      %dma_wait3A_23 = arith.constant 0 : i32
      %dma_wait3A_24 = tpu.memref_slice %arg2[%add3A, %dma_wait3A_22, %dma_wait3A_23] : memref<32x40x128xi32, #tpu.memory_space<hbm>> -> memref<1x40x128xi32, #tpu.memory_space<hbm>>
      %dma_wait3A_25 = tpu.memref_squeeze %dma_wait3A_24 : memref<1x40x128xi32, #tpu.memory_space<hbm>> -> memref<40x128xi32, #tpu.memory_space<hbm>>
      tpu.wait_dma2 semaphore(%run_scoped3A : memref<!tpu.dma_semaphore, #tpu.memory_space<semaphore_mem>>) src(%dma_wait3A_25 : memref<40x128xi32, #tpu.memory_space<hbm>>) dst(%arg7 : memref<40x128xi32, #tpu.memory_space<vmem>>)
      tpu.yield
    }) : () -> ()
    %barrier3A = arith.constant 0 : index
    tpu.barrier barrier_id(%barrier3A)
    %scan3A = arith.constant 0 : i32
    %scan3A_3 = arith.constant 0 : i32
    %scan3A_4 = arith.constant 40 : i32
    %scan3A_5 = arith.addi %scan3A_3, %scan3A_4 : i32
    %scan3A_6 = arith.constant 1 : i32
    scf.for %scan3A_12 = %scan3A_3 to %scan3A_5 step %scan3A_6  : i32 {
      "tpu.region"() ({
        %run_scoped3A = tpu.sem_alloc : memref<!tpu.dma_semaphore, #tpu.memory_space<semaphore_mem>>
        %dma_start3A = arith.constant 0 : i32
        %dma_start3A_13 = tpu.memref_slice %arg7[%scan3A_12, %dma_start3A] : memref<40x128xi32, #tpu.memory_space<vmem>> -> memref<1x128xi32, #tpu.memory_space<vmem>>
        %dma_start3A_14 = tpu.memref_squeeze %dma_start3A_13 : memref<1x128xi32, #tpu.memory_space<vmem>> -> memref<128xi32, #tpu.memory_space<vmem>>
        %dma_start3A_15 = arith.constant 0 : i32
        %dma_start3A_16 = arith.constant 0 : i32
        %dma_start3A_17 = tpu.memref_slice %arg6[%dma_start3A_15, %dma_start3A_16] : memref<10112x128xf32, #tpu.memory_space<vmem_shared>> -> memref<10112x128xf32, #tpu.memory_space<vmem_shared>>
        tpu.enqueue_indirect_dma source(%arg8 : memref<128x128xf32, #tpu.memory_space<vmem>>) target(%dma_start3A_17 : memref<10112x128xf32, #tpu.memory_space<vmem_shared>>) offsets(%dma_start3A_14 : memref<128xi32, #tpu.memory_space<vmem>>) semaphore(%run_scoped3A : memref<!tpu.dma_semaphore, #tpu.memory_space<semaphore_mem>>) {add = true}
        %dma_wait3A = arith.constant 0 : i32
        %dma_wait3A_18 = tpu.memref_slice %arg7[%scan3A_12, %dma_wait3A] : memref<40x128xi32, #tpu.memory_space<vmem>> -> memref<1x128xi32, #tpu.memory_space<vmem>>
        %dma_wait3A_19 = tpu.memref_squeeze %dma_wait3A_18 : memref<1x128xi32, #tpu.memory_space<vmem>> -> memref<128xi32, #tpu.memory_space<vmem>>
        %dma_wait3A_20 = arith.constant 0 : i32
        %dma_wait3A_21 = arith.constant 0 : i32
        %dma_wait3A_22 = tpu.memref_slice %arg6[%dma_wait3A_20, %dma_wait3A_21] : memref<10112x128xf32, #tpu.memory_space<vmem_shared>> -> memref<10112x128xf32, #tpu.memory_space<vmem_shared>>
        tpu.wait_indirect_dma semaphore(%run_scoped3A : memref<!tpu.dma_semaphore, #tpu.memory_space<semaphore_mem>>) src(%arg8 : memref<128x128xf32, #tpu.memory_space<vmem>>) dst(%dma_wait3A_22 : memref<10112x128xf32, #tpu.memory_space<vmem_shared>>)
        tpu.yield
      }) : () -> ()
    }
    %scan3A_7 = arith.constant 40 : i32
    %barrier3A_8 = arith.constant 0 : index
    tpu.barrier barrier_id(%barrier3A_8)
    %mul3A_9 = arith.constant 10112 : i32
    %mul3A_10 = arith.muli %arg0, %mul3A_9 : i32
    %add3A_11 = arith.addi %mul3A_10, %mul3A_0 : i32
    "tpu.region"() ({
      %run_scoped3A = tpu.sem_alloc : memref<!tpu.dma_semaphore, #tpu.memory_space<semaphore_mem>>
      %dma_start3A = arith.constant 0 : i32
      %dma_start3A_12 = tpu.memref_slice %arg5[%add3A_11, %dma_start3A] : memref<20224x128xf32, #tpu.memory_space<hbm>> -> memref<632x128xf32, #tpu.memory_space<hbm>>
      %dma_start3A_13 = arith.constant 0 : i32
      %dma_start3A_14 = tpu.memref_slice %arg6[%mul3A_0, %dma_start3A_13] : memref<10112x128xf32, #tpu.memory_space<vmem_shared>> -> memref<632x128xf32, #tpu.memory_space<vmem_shared>>
      tpu.enqueue_dma source(%dma_start3A_14 : memref<632x128xf32, #tpu.memory_space<vmem_shared>>) target(%dma_start3A_12 : memref<632x128xf32, #tpu.memory_space<hbm>>) target_semaphore(%run_scoped3A : memref<!tpu.dma_semaphore, #tpu.memory_space<semaphore_mem>>)
      %dma_wait3A = arith.constant 0 : i32
      %dma_wait3A_15 = tpu.memref_slice %arg5[%add3A_11, %dma_wait3A] : memref<20224x128xf32, #tpu.memory_space<hbm>> -> memref<632x128xf32, #tpu.memory_space<hbm>>
      %dma_wait3A_16 = arith.constant 0 : i32
      %dma_wait3A_17 = tpu.memref_slice %arg6[%mul3A_0, %dma_wait3A_16] : memref<10112x128xf32, #tpu.memory_space<vmem_shared>> -> memref<632x128xf32, #tpu.memory_space<vmem_shared>>
      tpu.wait_dma2 semaphore(%run_scoped3A : memref<!tpu.dma_semaphore, #tpu.memory_space<semaphore_mem>>) src(%dma_wait3A_17 : memref<632x128xf32, #tpu.memory_space<vmem_shared>>) dst(%dma_wait3A_15 : memref<632x128xf32, #tpu.memory_space<hbm>>)
      tpu.yield
    }) : () -> ()
    return
  }
}

#map = affine_map<(d0, d1) -> (0, 0)>
#map1 = affine_map<(d0, d1) -> (0, 0, 0)>
module attributes {stable_mosaic.version = 14 : i64} {
  func.func @k(%arg0: i32, %arg1: i32, %arg2: memref<20000x128xf32, #tpu.memory_space<hbm>>, %arg3: memref<1280x256xi32, #tpu.memory_space<hbm>>, %arg4: memref<16x80x128xi32, #tpu.memory_space<hbm>>, %arg5: memref<10112x128xf32, #tpu.memory_space<hbm>>, %arg6: memref<20224x128xf32, #tpu.memory_space<hbm>>, %arg7: memref<10112x128xf32, #tpu.memory_space<vmem_shared>>, %arg8: memref<80x128xi32, #tpu.memory_space<vmem>>, %arg9: memref<256xi32, #tpu.memory_space<vmem>>, %arg10: memref<256xi32, #tpu.memory_space<vmem>>, %arg11: memref<128x128xf32, #tpu.memory_space<vmem>>, %arg12: memref<128x128xf32, #tpu.memory_space<vmem>>, %arg13: memref<!tpu.dma_semaphore, #tpu.memory_space<semaphore_mem>>, %arg14: memref<!tpu.dma_semaphore, #tpu.memory_space<semaphore_mem>>, %arg15: memref<!tpu.dma_semaphore, #tpu.memory_space<semaphore_mem>>, %arg16: memref<!tpu.dma_semaphore, #tpu.memory_space<semaphore_mem>>) attributes {dimension_semantics = [#tpu.dimension_semantics<core_parallel>, #tpu.dimension_semantics<subcore_parallel>], iteration_bounds = array<i64: 2, 16>, scalar_prefetch = 0 : i64, scratch_operands = 10 : i64, tpu.core_type = #tpu.core_type<sc_vector_subcore>, window_params = [{transform_indices = #map}, {transform_indices = #map}, {transform_indices = #map1}, {transform_indices = #map}, {transform_indices = #map}]} {
    %mul3A = arith.constant 632 : i32
    %mul3A_0 = arith.muli %arg1, %mul3A : i32
    %mul3A_1 = arith.constant 16 : i32
    %mul3A_2 = arith.muli %arg0, %mul3A_1 : i32
    %add3A = arith.addi %mul3A_2, %arg1 : i32
    %mul3A_3 = arith.constant 40 : i32
    %mul3A_4 = arith.muli %add3A, %mul3A_3 : i32
    "tpu.region"() ({
      %run_scoped3A_61 = tpu.sem_alloc : memref<!tpu.dma_semaphore, #tpu.memory_space<semaphore_mem>>
      %dma_start3A_62 = arith.constant 0 : i32
      %dma_start3A_63 = tpu.memref_slice %arg7[%mul3A_0, %dma_start3A_62] : memref<10112x128xf32, #tpu.memory_space<vmem_shared>> -> memref<632x128xf32, #tpu.memory_space<vmem_shared>>
      %dma_start3A_64 = arith.constant 0 : i32
      %dma_start3A_65 = tpu.memref_slice %arg5[%mul3A_0, %dma_start3A_64] : memref<10112x128xf32, #tpu.memory_space<hbm>> -> memref<632x128xf32, #tpu.memory_space<hbm>>
      tpu.enqueue_dma source(%dma_start3A_65 : memref<632x128xf32, #tpu.memory_space<hbm>>) target(%dma_start3A_63 : memref<632x128xf32, #tpu.memory_space<vmem_shared>>) target_semaphore(%run_scoped3A_61 : memref<!tpu.dma_semaphore, #tpu.memory_space<semaphore_mem>>)
      %dma_wait3A_66 = arith.constant 0 : i32
      %dma_wait3A_67 = tpu.memref_slice %arg7[%mul3A_0, %dma_wait3A_66] : memref<10112x128xf32, #tpu.memory_space<vmem_shared>> -> memref<632x128xf32, #tpu.memory_space<vmem_shared>>
      %dma_wait3A_68 = arith.constant 0 : i32
      %dma_wait3A_69 = tpu.memref_slice %arg5[%mul3A_0, %dma_wait3A_68] : memref<10112x128xf32, #tpu.memory_space<hbm>> -> memref<632x128xf32, #tpu.memory_space<hbm>>
      tpu.wait_dma2 semaphore(%run_scoped3A_61 : memref<!tpu.dma_semaphore, #tpu.memory_space<semaphore_mem>>) src(%dma_wait3A_69 : memref<632x128xf32, #tpu.memory_space<hbm>>) dst(%dma_wait3A_67 : memref<632x128xf32, #tpu.memory_space<vmem_shared>>)
      tpu.yield
    }) : () -> ()
    "tpu.region"() ({
      %run_scoped3A_61 = tpu.sem_alloc : memref<!tpu.dma_semaphore, #tpu.memory_space<semaphore_mem>>
      %dma_start3A_62 = arith.constant 0 : i32
      %dma_start3A_63 = arith.constant 0 : i32
      %dma_start3A_64 = tpu.memref_slice %arg4[%arg1, %dma_start3A_62, %dma_start3A_63] : memref<16x80x128xi32, #tpu.memory_space<hbm>> -> memref<1x80x128xi32, #tpu.memory_space<hbm>>
      %dma_start3A_65 = tpu.memref_squeeze %dma_start3A_64 : memref<1x80x128xi32, #tpu.memory_space<hbm>> -> memref<80x128xi32, #tpu.memory_space<hbm>>
      %dma_start3A_66 = arith.constant 0 : i32
      %dma_start3A_67 = arith.constant 0 : i32
      %dma_start3A_68 = tpu.memref_slice %arg4[%arg1, %dma_start3A_66, %dma_start3A_67] : memref<16x80x128xi32, #tpu.memory_space<hbm>> -> memref<1x80x128xi32, #tpu.memory_space<hbm>>
      %dma_start3A_69 = tpu.memref_squeeze %dma_start3A_68 : memref<1x80x128xi32, #tpu.memory_space<hbm>> -> memref<80x128xi32, #tpu.memory_space<hbm>>
      tpu.enqueue_dma source(%dma_start3A_69 : memref<80x128xi32, #tpu.memory_space<hbm>>) target(%arg8 : memref<80x128xi32, #tpu.memory_space<vmem>>) target_semaphore(%run_scoped3A_61 : memref<!tpu.dma_semaphore, #tpu.memory_space<semaphore_mem>>)
      %dma_wait3A_70 = arith.constant 0 : i32
      %dma_wait3A_71 = arith.constant 0 : i32
      %dma_wait3A_72 = tpu.memref_slice %arg4[%arg1, %dma_wait3A_70, %dma_wait3A_71] : memref<16x80x128xi32, #tpu.memory_space<hbm>> -> memref<1x80x128xi32, #tpu.memory_space<hbm>>
      %dma_wait3A_73 = tpu.memref_squeeze %dma_wait3A_72 : memref<1x80x128xi32, #tpu.memory_space<hbm>> -> memref<80x128xi32, #tpu.memory_space<hbm>>
      %dma_wait3A_74 = arith.constant 0 : i32
      %dma_wait3A_75 = arith.constant 0 : i32
      %dma_wait3A_76 = tpu.memref_slice %arg4[%arg1, %dma_wait3A_74, %dma_wait3A_75] : memref<16x80x128xi32, #tpu.memory_space<hbm>> -> memref<1x80x128xi32, #tpu.memory_space<hbm>>
      %dma_wait3A_77 = tpu.memref_squeeze %dma_wait3A_76 : memref<1x80x128xi32, #tpu.memory_space<hbm>> -> memref<80x128xi32, #tpu.memory_space<hbm>>
      tpu.wait_dma2 semaphore(%run_scoped3A_61 : memref<!tpu.dma_semaphore, #tpu.memory_space<semaphore_mem>>) src(%dma_wait3A_77 : memref<80x128xi32, #tpu.memory_space<hbm>>) dst(%arg8 : memref<80x128xi32, #tpu.memory_space<vmem>>)
      tpu.yield
    }) : () -> ()
    %barrier3A = arith.constant 0 : index
    tpu.barrier barrier_id(%barrier3A)
    "tpu.region"() ({
      %run_scoped3A_61 = tpu.sem_alloc : memref<!tpu.dma_semaphore, #tpu.memory_space<semaphore_mem>>
      %dma_start3A_62 = arith.constant 0 : i32
      %dma_start3A_63 = tpu.memref_slice %arg3[%mul3A_4, %dma_start3A_62] : memref<1280x256xi32, #tpu.memory_space<hbm>> -> memref<1x256xi32, #tpu.memory_space<hbm>>
      %dma_start3A_64 = tpu.memref_squeeze %dma_start3A_63 : memref<1x256xi32, #tpu.memory_space<hbm>> -> memref<256xi32, #tpu.memory_space<hbm>>
      %dma_start3A_65 = arith.constant 0 : i32
      %dma_start3A_66 = tpu.memref_slice %arg3[%mul3A_4, %dma_start3A_65] : memref<1280x256xi32, #tpu.memory_space<hbm>> -> memref<1x256xi32, #tpu.memory_space<hbm>>
      %dma_start3A_67 = tpu.memref_squeeze %dma_start3A_66 : memref<1x256xi32, #tpu.memory_space<hbm>> -> memref<256xi32, #tpu.memory_space<hbm>>
      tpu.enqueue_dma source(%dma_start3A_67 : memref<256xi32, #tpu.memory_space<hbm>>) target(%arg9 : memref<256xi32, #tpu.memory_space<vmem>>) target_semaphore(%run_scoped3A_61 : memref<!tpu.dma_semaphore, #tpu.memory_space<semaphore_mem>>)
      %dma_wait3A_68 = arith.constant 0 : i32
      %dma_wait3A_69 = tpu.memref_slice %arg3[%mul3A_4, %dma_wait3A_68] : memref<1280x256xi32, #tpu.memory_space<hbm>> -> memref<1x256xi32, #tpu.memory_space<hbm>>
      %dma_wait3A_70 = tpu.memref_squeeze %dma_wait3A_69 : memref<1x256xi32, #tpu.memory_space<hbm>> -> memref<256xi32, #tpu.memory_space<hbm>>
      %dma_wait3A_71 = arith.constant 0 : i32
      %dma_wait3A_72 = tpu.memref_slice %arg3[%mul3A_4, %dma_wait3A_71] : memref<1280x256xi32, #tpu.memory_space<hbm>> -> memref<1x256xi32, #tpu.memory_space<hbm>>
      %dma_wait3A_73 = tpu.memref_squeeze %dma_wait3A_72 : memref<1x256xi32, #tpu.memory_space<hbm>> -> memref<256xi32, #tpu.memory_space<hbm>>
      tpu.wait_dma2 semaphore(%run_scoped3A_61 : memref<!tpu.dma_semaphore, #tpu.memory_space<semaphore_mem>>) src(%dma_wait3A_73 : memref<256xi32, #tpu.memory_space<hbm>>) dst(%arg9 : memref<256xi32, #tpu.memory_space<vmem>>)
      tpu.yield
    }) : () -> ()
    %add3A_5 = arith.constant 1 : i32
    %add3A_6 = arith.addi %mul3A_4, %add3A_5 : i32
    "tpu.region"() ({
      %run_scoped3A_61 = tpu.sem_alloc : memref<!tpu.dma_semaphore, #tpu.memory_space<semaphore_mem>>
      %dma_start3A_62 = arith.constant 0 : i32
      %dma_start3A_63 = tpu.memref_slice %arg3[%add3A_6, %dma_start3A_62] : memref<1280x256xi32, #tpu.memory_space<hbm>> -> memref<1x256xi32, #tpu.memory_space<hbm>>
      %dma_start3A_64 = tpu.memref_squeeze %dma_start3A_63 : memref<1x256xi32, #tpu.memory_space<hbm>> -> memref<256xi32, #tpu.memory_space<hbm>>
      %dma_start3A_65 = arith.constant 0 : i32
      %dma_start3A_66 = tpu.memref_slice %arg3[%add3A_6, %dma_start3A_65] : memref<1280x256xi32, #tpu.memory_space<hbm>> -> memref<1x256xi32, #tpu.memory_space<hbm>>
      %dma_start3A_67 = tpu.memref_squeeze %dma_start3A_66 : memref<1x256xi32, #tpu.memory_space<hbm>> -> memref<256xi32, #tpu.memory_space<hbm>>
      tpu.enqueue_dma source(%dma_start3A_67 : memref<256xi32, #tpu.memory_space<hbm>>) target(%arg10 : memref<256xi32, #tpu.memory_space<vmem>>) target_semaphore(%run_scoped3A_61 : memref<!tpu.dma_semaphore, #tpu.memory_space<semaphore_mem>>)
      %dma_wait3A_68 = arith.constant 0 : i32
      %dma_wait3A_69 = tpu.memref_slice %arg3[%add3A_6, %dma_wait3A_68] : memref<1280x256xi32, #tpu.memory_space<hbm>> -> memref<1x256xi32, #tpu.memory_space<hbm>>
      %dma_wait3A_70 = tpu.memref_squeeze %dma_wait3A_69 : memref<1x256xi32, #tpu.memory_space<hbm>> -> memref<256xi32, #tpu.memory_space<hbm>>
      %dma_wait3A_71 = arith.constant 0 : i32
      %dma_wait3A_72 = tpu.memref_slice %arg3[%add3A_6, %dma_wait3A_71] : memref<1280x256xi32, #tpu.memory_space<hbm>> -> memref<1x256xi32, #tpu.memory_space<hbm>>
      %dma_wait3A_73 = tpu.memref_squeeze %dma_wait3A_72 : memref<1x256xi32, #tpu.memory_space<hbm>> -> memref<256xi32, #tpu.memory_space<hbm>>
      tpu.wait_dma2 semaphore(%run_scoped3A_61 : memref<!tpu.dma_semaphore, #tpu.memory_space<semaphore_mem>>) src(%dma_wait3A_73 : memref<256xi32, #tpu.memory_space<hbm>>) dst(%arg10 : memref<256xi32, #tpu.memory_space<vmem>>)
      tpu.yield
    }) : () -> ()
    %dma_start3A = arith.constant 0 : i32
    %dma_start3A_7 = tpu.memref_slice %arg9[%dma_start3A] : memref<256xi32, #tpu.memory_space<vmem>> -> memref<128xi32, #tpu.memory_space<vmem>>
    %dma_start3A_8 = arith.constant 0 : i32
    %dma_start3A_9 = arith.constant 0 : i32
    %dma_start3A_10 = tpu.memref_slice %arg2[%dma_start3A_8, %dma_start3A_9] : memref<20000x128xf32, #tpu.memory_space<hbm>> -> memref<20000x128xf32, #tpu.memory_space<hbm>>
    tpu.enqueue_indirect_dma source(%dma_start3A_10 : memref<20000x128xf32, #tpu.memory_space<hbm>>) target(%arg11 : memref<128x128xf32, #tpu.memory_space<vmem>>) offsets(%dma_start3A_7 : memref<128xi32, #tpu.memory_space<vmem>>) semaphore(%arg13 : memref<!tpu.dma_semaphore, #tpu.memory_space<semaphore_mem>>)
    %dma_start3A_11 = arith.constant 128 : i32
    %dma_start3A_12 = tpu.memref_slice %arg9[%dma_start3A_11] : memref<256xi32, #tpu.memory_space<vmem>> -> memref<128xi32, #tpu.memory_space<vmem>>
    %dma_start3A_13 = arith.constant 0 : i32
    %dma_start3A_14 = arith.constant 0 : i32
    %dma_start3A_15 = tpu.memref_slice %arg2[%dma_start3A_13, %dma_start3A_14] : memref<20000x128xf32, #tpu.memory_space<hbm>> -> memref<20000x128xf32, #tpu.memory_space<hbm>>
    tpu.enqueue_indirect_dma source(%dma_start3A_15 : memref<20000x128xf32, #tpu.memory_space<hbm>>) target(%arg12 : memref<128x128xf32, #tpu.memory_space<vmem>>) offsets(%dma_start3A_12 : memref<128xi32, #tpu.memory_space<vmem>>) semaphore(%arg14 : memref<!tpu.dma_semaphore, #tpu.memory_space<semaphore_mem>>)
    %scan3A = arith.constant 0 : i32
    %scan3A_16 = arith.constant 0 : i32
    %scan3A_17 = arith.constant 19 : i32
    %scan3A_18 = arith.addi %scan3A_16, %scan3A_17 : i32
    %scan3A_19 = arith.constant 1 : i32
    scf.for %scan3A_61 = %scan3A_16 to %scan3A_18 step %scan3A_19  : i32 {
      %mul3A_62 = arith.constant 4 : i32
      %mul3A_63 = arith.muli %scan3A_61, %mul3A_62 : i32
      %dma_wait3A_64 = arith.constant 0 : i32
      %dma_wait3A_65 = arith.constant 0 : i32
      %dma_wait3A_66 = tpu.memref_slice %arg2[%dma_wait3A_64, %dma_wait3A_65] : memref<20000x128xf32, #tpu.memory_space<hbm>> -> memref<128x128xf32, #tpu.memory_space<hbm>>
      %dma_wait3A_67 = arith.constant 0 : i32
      %dma_wait3A_68 = arith.constant 0 : i32
      %dma_wait3A_69 = tpu.memref_slice %arg2[%dma_wait3A_67, %dma_wait3A_68] : memref<20000x128xf32, #tpu.memory_space<hbm>> -> memref<128x128xf32, #tpu.memory_space<hbm>>
      tpu.wait_dma2 semaphore(%arg13 : memref<!tpu.dma_semaphore, #tpu.memory_space<semaphore_mem>>) src(%dma_wait3A_69 : memref<128x128xf32, #tpu.memory_space<hbm>>) dst(%arg11 : memref<128x128xf32, #tpu.memory_space<vmem>>)
      %add3A_70 = arith.constant 0 : i32
      %add3A_71 = arith.addi %mul3A_63, %add3A_70 : i32
      "tpu.region"() ({
        %run_scoped3A_164 = tpu.sem_alloc : memref<!tpu.dma_semaphore, #tpu.memory_space<semaphore_mem>>
        %dma_start3A_165 = arith.constant 0 : i32
        %dma_start3A_166 = tpu.memref_slice %arg8[%add3A_71, %dma_start3A_165] : memref<80x128xi32, #tpu.memory_space<vmem>> -> memref<1x128xi32, #tpu.memory_space<vmem>>
        %dma_start3A_167 = tpu.memref_squeeze %dma_start3A_166 : memref<1x128xi32, #tpu.memory_space<vmem>> -> memref<128xi32, #tpu.memory_space<vmem>>
        %dma_start3A_168 = arith.constant 0 : i32
        %dma_start3A_169 = arith.constant 0 : i32
        %dma_start3A_170 = tpu.memref_slice %arg7[%dma_start3A_168, %dma_start3A_169] : memref<10112x128xf32, #tpu.memory_space<vmem_shared>> -> memref<10112x128xf32, #tpu.memory_space<vmem_shared>>
        tpu.enqueue_indirect_dma source(%arg11 : memref<128x128xf32, #tpu.memory_space<vmem>>) target(%dma_start3A_170 : memref<10112x128xf32, #tpu.memory_space<vmem_shared>>) offsets(%dma_start3A_167 : memref<128xi32, #tpu.memory_space<vmem>>) semaphore(%run_scoped3A_164 : memref<!tpu.dma_semaphore, #tpu.memory_space<semaphore_mem>>) {add = true}
        %dma_wait3A_171 = arith.constant 0 : i32
        %dma_wait3A_172 = tpu.memref_slice %arg8[%add3A_71, %dma_wait3A_171] : memref<80x128xi32, #tpu.memory_space<vmem>> -> memref<1x128xi32, #tpu.memory_space<vmem>>
        %dma_wait3A_173 = tpu.memref_squeeze %dma_wait3A_172 : memref<1x128xi32, #tpu.memory_space<vmem>> -> memref<128xi32, #tpu.memory_space<vmem>>
        %dma_wait3A_174 = arith.constant 0 : i32
        %dma_wait3A_175 = arith.constant 0 : i32
        %dma_wait3A_176 = tpu.memref_slice %arg7[%dma_wait3A_174, %dma_wait3A_175] : memref<10112x128xf32, #tpu.memory_space<vmem_shared>> -> memref<10112x128xf32, #tpu.memory_space<vmem_shared>>
        tpu.wait_indirect_dma semaphore(%run_scoped3A_164 : memref<!tpu.dma_semaphore, #tpu.memory_space<semaphore_mem>>) src(%arg11 : memref<128x128xf32, #tpu.memory_space<vmem>>) dst(%dma_wait3A_176 : memref<10112x128xf32, #tpu.memory_space<vmem_shared>>)
        tpu.yield
      }) : () -> ()
      %dma_start3A_72 = arith.constant 0 : i32
      %dma_start3A_73 = tpu.memref_slice %arg10[%dma_start3A_72] : memref<256xi32, #tpu.memory_space<vmem>> -> memref<128xi32, #tpu.memory_space<vmem>>
      %dma_start3A_74 = arith.constant 0 : i32
      %dma_start3A_75 = arith.constant 0 : i32
      %dma_start3A_76 = tpu.memref_slice %arg2[%dma_start3A_74, %dma_start3A_75] : memref<20000x128xf32, #tpu.memory_space<hbm>> -> memref<20000x128xf32, #tpu.memory_space<hbm>>
      tpu.enqueue_indirect_dma source(%dma_start3A_76 : memref<20000x128xf32, #tpu.memory_space<hbm>>) target(%arg11 : memref<128x128xf32, #tpu.memory_space<vmem>>) offsets(%dma_start3A_73 : memref<128xi32, #tpu.memory_space<vmem>>) semaphore(%arg13 : memref<!tpu.dma_semaphore, #tpu.memory_space<semaphore_mem>>)
      %dma_wait3A_77 = arith.constant 0 : i32
      %dma_wait3A_78 = arith.constant 0 : i32
      %dma_wait3A_79 = tpu.memref_slice %arg2[%dma_wait3A_77, %dma_wait3A_78] : memref<20000x128xf32, #tpu.memory_space<hbm>> -> memref<128x128xf32, #tpu.memory_space<hbm>>
      %dma_wait3A_80 = arith.constant 0 : i32
      %dma_wait3A_81 = arith.constant 0 : i32
      %dma_wait3A_82 = tpu.memref_slice %arg2[%dma_wait3A_80, %dma_wait3A_81] : memref<20000x128xf32, #tpu.memory_space<hbm>> -> memref<128x128xf32, #tpu.memory_space<hbm>>
      tpu.wait_dma2 semaphore(%arg14 : memref<!tpu.dma_semaphore, #tpu.memory_space<semaphore_mem>>) src(%dma_wait3A_82 : memref<128x128xf32, #tpu.memory_space<hbm>>) dst(%arg12 : memref<128x128xf32, #tpu.memory_space<vmem>>)
      %add3A_83 = arith.constant 1 : i32
      %add3A_84 = arith.addi %mul3A_63, %add3A_83 : i32
      "tpu.region"() ({
        %run_scoped3A_164 = tpu.sem_alloc : memref<!tpu.dma_semaphore, #tpu.memory_space<semaphore_mem>>
        %dma_start3A_165 = arith.constant 0 : i32
        %dma_start3A_166 = tpu.memref_slice %arg8[%add3A_84, %dma_start3A_165] : memref<80x128xi32, #tpu.memory_space<vmem>> -> memref<1x128xi32, #tpu.memory_space<vmem>>
        %dma_start3A_167 = tpu.memref_squeeze %dma_start3A_166 : memref<1x128xi32, #tpu.memory_space<vmem>> -> memref<128xi32, #tpu.memory_space<vmem>>
        %dma_start3A_168 = arith.constant 0 : i32
        %dma_start3A_169 = arith.constant 0 : i32
        %dma_start3A_170 = tpu.memref_slice %arg7[%dma_start3A_168, %dma_start3A_169] : memref<10112x128xf32, #tpu.memory_space<vmem_shared>> -> memref<10112x128xf32, #tpu.memory_space<vmem_shared>>
        tpu.enqueue_indirect_dma source(%arg12 : memref<128x128xf32, #tpu.memory_space<vmem>>) target(%dma_start3A_170 : memref<10112x128xf32, #tpu.memory_space<vmem_shared>>) offsets(%dma_start3A_167 : memref<128xi32, #tpu.memory_space<vmem>>) semaphore(%run_scoped3A_164 : memref<!tpu.dma_semaphore, #tpu.memory_space<semaphore_mem>>) {add = true}
        %dma_wait3A_171 = arith.constant 0 : i32
        %dma_wait3A_172 = tpu.memref_slice %arg8[%add3A_84, %dma_wait3A_171] : memref<80x128xi32, #tpu.memory_space<vmem>> -> memref<1x128xi32, #tpu.memory_space<vmem>>
        %dma_wait3A_173 = tpu.memref_squeeze %dma_wait3A_172 : memref<1x128xi32, #tpu.memory_space<vmem>> -> memref<128xi32, #tpu.memory_space<vmem>>
        %dma_wait3A_174 = arith.constant 0 : i32
        %dma_wait3A_175 = arith.constant 0 : i32
        %dma_wait3A_176 = tpu.memref_slice %arg7[%dma_wait3A_174, %dma_wait3A_175] : memref<10112x128xf32, #tpu.memory_space<vmem_shared>> -> memref<10112x128xf32, #tpu.memory_space<vmem_shared>>
        tpu.wait_indirect_dma semaphore(%run_scoped3A_164 : memref<!tpu.dma_semaphore, #tpu.memory_space<semaphore_mem>>) src(%arg12 : memref<128x128xf32, #tpu.memory_space<vmem>>) dst(%dma_wait3A_176 : memref<10112x128xf32, #tpu.memory_space<vmem_shared>>)
        tpu.yield
      }) : () -> ()
      %dma_start3A_85 = arith.constant 128 : i32
      %dma_start3A_86 = tpu.memref_slice %arg10[%dma_start3A_85] : memref<256xi32, #tpu.memory_space<vmem>> -> memref<128xi32, #tpu.memory_space<vmem>>
      %dma_start3A_87 = arith.constant 0 : i32
      %dma_start3A_88 = arith.constant 0 : i32
      %dma_start3A_89 = tpu.memref_slice %arg2[%dma_start3A_87, %dma_start3A_88] : memref<20000x128xf32, #tpu.memory_space<hbm>> -> memref<20000x128xf32, #tpu.memory_space<hbm>>
      tpu.enqueue_indirect_dma source(%dma_start3A_89 : memref<20000x128xf32, #tpu.memory_space<hbm>>) target(%arg12 : memref<128x128xf32, #tpu.memory_space<vmem>>) offsets(%dma_start3A_86 : memref<128xi32, #tpu.memory_space<vmem>>) semaphore(%arg14 : memref<!tpu.dma_semaphore, #tpu.memory_space<semaphore_mem>>)
      %jit3A = arith.constant 2 : i32
      %div3A = arith.divsi %mul3A_63, %jit3A : i32
      %sign3A = arith.constant 0 : i32
      %sign3A_90 = arith.cmpi sgt, %mul3A_63, %sign3A : i32
      %sign3A_91 = arith.extui %sign3A_90 : i1 to i32
      %sign3A_92 = arith.constant 0 : i32
      %sign3A_93 = arith.cmpi slt, %mul3A_63, %sign3A_92 : i32
      %sign3A_94 = arith.extui %sign3A_93 : i1 to i32
      %sign3A_95 = arith.subi %sign3A_91, %sign3A_94 : i32
      %sign3A_96 = arith.constant 0 : i32
      %sign3A_97 = arith.cmpi sgt, %jit3A, %sign3A_96 : i32
      %sign3A_98 = arith.extui %sign3A_97 : i1 to i32
      %sign3A_99 = arith.constant 0 : i32
      %sign3A_100 = arith.cmpi slt, %jit3A, %sign3A_99 : i32
      %sign3A_101 = arith.extui %sign3A_100 : i1 to i32
      %sign3A_102 = arith.subi %sign3A_98, %sign3A_101 : i32
      %ne3A = arith.cmpi ne, %sign3A_95, %sign3A_102 : i32
      %rem3A = arith.remsi %mul3A_63, %jit3A : i32
      %ne3A_103 = arith.constant 0 : i32
      %ne3A_104 = arith.cmpi ne, %rem3A, %ne3A_103 : i32
      %and3A = arith.andi %ne3A, %ne3A_104 : i1
      %sub3A = arith.constant 1 : i32
      %sub3A_105 = arith.subi %div3A, %sub3A : i32
      %select_n3A = arith.select %and3A, %sub3A_105, %div3A : i32
      %add3A_106 = arith.addi %mul3A_4, %select_n3A : i32
      %add3A_107 = arith.constant 2 : i32
      %add3A_108 = arith.addi %add3A_106, %add3A_107 : i32
      "tpu.region"() ({
        %run_scoped3A_164 = tpu.sem_alloc : memref<!tpu.dma_semaphore, #tpu.memory_space<semaphore_mem>>
        %dma_start3A_165 = arith.constant 0 : i32
        %dma_start3A_166 = tpu.memref_slice %arg3[%add3A_108, %dma_start3A_165] : memref<1280x256xi32, #tpu.memory_space<hbm>> -> memref<1x256xi32, #tpu.memory_space<hbm>>
        %dma_start3A_167 = tpu.memref_squeeze %dma_start3A_166 : memref<1x256xi32, #tpu.memory_space<hbm>> -> memref<256xi32, #tpu.memory_space<hbm>>
        %dma_start3A_168 = arith.constant 0 : i32
        %dma_start3A_169 = tpu.memref_slice %arg3[%add3A_108, %dma_start3A_168] : memref<1280x256xi32, #tpu.memory_space<hbm>> -> memref<1x256xi32, #tpu.memory_space<hbm>>
        %dma_start3A_170 = tpu.memref_squeeze %dma_start3A_169 : memref<1x256xi32, #tpu.memory_space<hbm>> -> memref<256xi32, #tpu.memory_space<hbm>>
        tpu.enqueue_dma source(%dma_start3A_170 : memref<256xi32, #tpu.memory_space<hbm>>) target(%arg9 : memref<256xi32, #tpu.memory_space<vmem>>) target_semaphore(%run_scoped3A_164 : memref<!tpu.dma_semaphore, #tpu.memory_space<semaphore_mem>>)
        %dma_wait3A_171 = arith.constant 0 : i32
        %dma_wait3A_172 = tpu.memref_slice %arg3[%add3A_108, %dma_wait3A_171] : memref<1280x256xi32, #tpu.memory_space<hbm>> -> memref<1x256xi32, #tpu.memory_space<hbm>>
        %dma_wait3A_173 = tpu.memref_squeeze %dma_wait3A_172 : memref<1x256xi32, #tpu.memory_space<hbm>> -> memref<256xi32, #tpu.memory_space<hbm>>
        %dma_wait3A_174 = arith.constant 0 : i32
        %dma_wait3A_175 = tpu.memref_slice %arg3[%add3A_108, %dma_wait3A_174] : memref<1280x256xi32, #tpu.memory_space<hbm>> -> memref<1x256xi32, #tpu.memory_space<hbm>>
        %dma_wait3A_176 = tpu.memref_squeeze %dma_wait3A_175 : memref<1x256xi32, #tpu.memory_space<hbm>> -> memref<256xi32, #tpu.memory_space<hbm>>
        tpu.wait_dma2 semaphore(%run_scoped3A_164 : memref<!tpu.dma_semaphore, #tpu.memory_space<semaphore_mem>>) src(%dma_wait3A_176 : memref<256xi32, #tpu.memory_space<hbm>>) dst(%arg9 : memref<256xi32, #tpu.memory_space<vmem>>)
        tpu.yield
      }) : () -> ()
      %add3A_109 = arith.constant 2 : i32
      %add3A_110 = arith.addi %mul3A_63, %add3A_109 : i32
      %dma_wait3A_111 = arith.constant 0 : i32
      %dma_wait3A_112 = arith.constant 0 : i32
      %dma_wait3A_113 = tpu.memref_slice %arg2[%dma_wait3A_111, %dma_wait3A_112] : memref<20000x128xf32, #tpu.memory_space<hbm>> -> memref<128x128xf32, #tpu.memory_space<hbm>>
      %dma_wait3A_114 = arith.constant 0 : i32
      %dma_wait3A_115 = arith.constant 0 : i32
      %dma_wait3A_116 = tpu.memref_slice %arg2[%dma_wait3A_114, %dma_wait3A_115] : memref<20000x128xf32, #tpu.memory_space<hbm>> -> memref<128x128xf32, #tpu.memory_space<hbm>>
      tpu.wait_dma2 semaphore(%arg13 : memref<!tpu.dma_semaphore, #tpu.memory_space<semaphore_mem>>) src(%dma_wait3A_116 : memref<128x128xf32, #tpu.memory_space<hbm>>) dst(%arg11 : memref<128x128xf32, #tpu.memory_space<vmem>>)
      %add3A_117 = arith.constant 0 : i32
      %add3A_118 = arith.addi %add3A_110, %add3A_117 : i32
      "tpu.region"() ({
        %run_scoped3A_164 = tpu.sem_alloc : memref<!tpu.dma_semaphore, #tpu.memory_space<semaphore_mem>>
        %dma_start3A_165 = arith.constant 0 : i32
        %dma_start3A_166 = tpu.memref_slice %arg8[%add3A_118, %dma_start3A_165] : memref<80x128xi32, #tpu.memory_space<vmem>> -> memref<1x128xi32, #tpu.memory_space<vmem>>
        %dma_start3A_167 = tpu.memref_squeeze %dma_start3A_166 : memref<1x128xi32, #tpu.memory_space<vmem>> -> memref<128xi32, #tpu.memory_space<vmem>>
        %dma_start3A_168 = arith.constant 0 : i32
        %dma_start3A_169 = arith.constant 0 : i32
        %dma_start3A_170 = tpu.memref_slice %arg7[%dma_start3A_168, %dma_start3A_169] : memref<10112x128xf32, #tpu.memory_space<vmem_shared>> -> memref<10112x128xf32, #tpu.memory_space<vmem_shared>>
        tpu.enqueue_indirect_dma source(%arg11 : memref<128x128xf32, #tpu.memory_space<vmem>>) target(%dma_start3A_170 : memref<10112x128xf32, #tpu.memory_space<vmem_shared>>) offsets(%dma_start3A_167 : memref<128xi32, #tpu.memory_space<vmem>>) semaphore(%run_scoped3A_164 : memref<!tpu.dma_semaphore, #tpu.memory_space<semaphore_mem>>) {add = true}
        %dma_wait3A_171 = arith.constant 0 : i32
        %dma_wait3A_172 = tpu.memref_slice %arg8[%add3A_118, %dma_wait3A_171] : memref<80x128xi32, #tpu.memory_space<vmem>> -> memref<1x128xi32, #tpu.memory_space<vmem>>
        %dma_wait3A_173 = tpu.memref_squeeze %dma_wait3A_172 : memref<1x128xi32, #tpu.memory_space<vmem>> -> memref<128xi32, #tpu.memory_space<vmem>>
        %dma_wait3A_174 = arith.constant 0 : i32
        %dma_wait3A_175 = arith.constant 0 : i32
        %dma_wait3A_176 = tpu.memref_slice %arg7[%dma_wait3A_174, %dma_wait3A_175] : memref<10112x128xf32, #tpu.memory_space<vmem_shared>> -> memref<10112x128xf32, #tpu.memory_space<vmem_shared>>
        tpu.wait_indirect_dma semaphore(%run_scoped3A_164 : memref<!tpu.dma_semaphore, #tpu.memory_space<semaphore_mem>>) src(%arg11 : memref<128x128xf32, #tpu.memory_space<vmem>>) dst(%dma_wait3A_176 : memref<10112x128xf32, #tpu.memory_space<vmem_shared>>)
        tpu.yield
      }) : () -> ()
      %dma_start3A_119 = arith.constant 0 : i32
      %dma_start3A_120 = tpu.memref_slice %arg9[%dma_start3A_119] : memref<256xi32, #tpu.memory_space<vmem>> -> memref<128xi32, #tpu.memory_space<vmem>>
      %dma_start3A_121 = arith.constant 0 : i32
      %dma_start3A_122 = arith.constant 0 : i32
      %dma_start3A_123 = tpu.memref_slice %arg2[%dma_start3A_121, %dma_start3A_122] : memref<20000x128xf32, #tpu.memory_space<hbm>> -> memref<20000x128xf32, #tpu.memory_space<hbm>>
      tpu.enqueue_indirect_dma source(%dma_start3A_123 : memref<20000x128xf32, #tpu.memory_space<hbm>>) target(%arg11 : memref<128x128xf32, #tpu.memory_space<vmem>>) offsets(%dma_start3A_120 : memref<128xi32, #tpu.memory_space<vmem>>) semaphore(%arg13 : memref<!tpu.dma_semaphore, #tpu.memory_space<semaphore_mem>>)
      %dma_wait3A_124 = arith.constant 0 : i32
      %dma_wait3A_125 = arith.constant 0 : i32
      %dma_wait3A_126 = tpu.memref_slice %arg2[%dma_wait3A_124, %dma_wait3A_125] : memref<20000x128xf32, #tpu.memory_space<hbm>> -> memref<128x128xf32, #tpu.memory_space<hbm>>
      %dma_wait3A_127 = arith.constant 0 : i32
      %dma_wait3A_128 = arith.constant 0 : i32
      %dma_wait3A_129 = tpu.memref_slice %arg2[%dma_wait3A_127, %dma_wait3A_128] : memref<20000x128xf32, #tpu.memory_space<hbm>> -> memref<128x128xf32, #tpu.memory_space<hbm>>
      tpu.wait_dma2 semaphore(%arg14 : memref<!tpu.dma_semaphore, #tpu.memory_space<semaphore_mem>>) src(%dma_wait3A_129 : memref<128x128xf32, #tpu.memory_space<hbm>>) dst(%arg12 : memref<128x128xf32, #tpu.memory_space<vmem>>)
      %add3A_130 = arith.constant 1 : i32
      %add3A_131 = arith.addi %add3A_110, %add3A_130 : i32
      "tpu.region"() ({
        %run_scoped3A_164 = tpu.sem_alloc : memref<!tpu.dma_semaphore, #tpu.memory_space<semaphore_mem>>
        %dma_start3A_165 = arith.constant 0 : i32
        %dma_start3A_166 = tpu.memref_slice %arg8[%add3A_131, %dma_start3A_165] : memref<80x128xi32, #tpu.memory_space<vmem>> -> memref<1x128xi32, #tpu.memory_space<vmem>>
        %dma_start3A_167 = tpu.memref_squeeze %dma_start3A_166 : memref<1x128xi32, #tpu.memory_space<vmem>> -> memref<128xi32, #tpu.memory_space<vmem>>
        %dma_start3A_168 = arith.constant 0 : i32
        %dma_start3A_169 = arith.constant 0 : i32
        %dma_start3A_170 = tpu.memref_slice %arg7[%dma_start3A_168, %dma_start3A_169] : memref<10112x128xf32, #tpu.memory_space<vmem_shared>> -> memref<10112x128xf32, #tpu.memory_space<vmem_shared>>
        tpu.enqueue_indirect_dma source(%arg12 : memref<128x128xf32, #tpu.memory_space<vmem>>) target(%dma_start3A_170 : memref<10112x128xf32, #tpu.memory_space<vmem_shared>>) offsets(%dma_start3A_167 : memref<128xi32, #tpu.memory_space<vmem>>) semaphore(%run_scoped3A_164 : memref<!tpu.dma_semaphore, #tpu.memory_space<semaphore_mem>>) {add = true}
        %dma_wait3A_171 = arith.constant 0 : i32
        %dma_wait3A_172 = tpu.memref_slice %arg8[%add3A_131, %dma_wait3A_171] : memref<80x128xi32, #tpu.memory_space<vmem>> -> memref<1x128xi32, #tpu.memory_space<vmem>>
        %dma_wait3A_173 = tpu.memref_squeeze %dma_wait3A_172 : memref<1x128xi32, #tpu.memory_space<vmem>> -> memref<128xi32, #tpu.memory_space<vmem>>
        %dma_wait3A_174 = arith.constant 0 : i32
        %dma_wait3A_175 = arith.constant 0 : i32
        %dma_wait3A_176 = tpu.memref_slice %arg7[%dma_wait3A_174, %dma_wait3A_175] : memref<10112x128xf32, #tpu.memory_space<vmem_shared>> -> memref<10112x128xf32, #tpu.memory_space<vmem_shared>>
        tpu.wait_indirect_dma semaphore(%run_scoped3A_164 : memref<!tpu.dma_semaphore, #tpu.memory_space<semaphore_mem>>) src(%arg12 : memref<128x128xf32, #tpu.memory_space<vmem>>) dst(%dma_wait3A_176 : memref<10112x128xf32, #tpu.memory_space<vmem_shared>>)
        tpu.yield
      }) : () -> ()
      %dma_start3A_132 = arith.constant 128 : i32
      %dma_start3A_133 = tpu.memref_slice %arg9[%dma_start3A_132] : memref<256xi32, #tpu.memory_space<vmem>> -> memref<128xi32, #tpu.memory_space<vmem>>
      %dma_start3A_134 = arith.constant 0 : i32
      %dma_start3A_135 = arith.constant 0 : i32
      %dma_start3A_136 = tpu.memref_slice %arg2[%dma_start3A_134, %dma_start3A_135] : memref<20000x128xf32, #tpu.memory_space<hbm>> -> memref<20000x128xf32, #tpu.memory_space<hbm>>
      tpu.enqueue_indirect_dma source(%dma_start3A_136 : memref<20000x128xf32, #tpu.memory_space<hbm>>) target(%arg12 : memref<128x128xf32, #tpu.memory_space<vmem>>) offsets(%dma_start3A_133 : memref<128xi32, #tpu.memory_space<vmem>>) semaphore(%arg14 : memref<!tpu.dma_semaphore, #tpu.memory_space<semaphore_mem>>)
      %jit3A_137 = arith.constant 2 : i32
      %div3A_138 = arith.divsi %add3A_110, %jit3A_137 : i32
      %sign3A_139 = arith.constant 0 : i32
      %sign3A_140 = arith.cmpi sgt, %add3A_110, %sign3A_139 : i32
      %sign3A_141 = arith.extui %sign3A_140 : i1 to i32
      %sign3A_142 = arith.constant 0 : i32
      %sign3A_143 = arith.cmpi slt, %add3A_110, %sign3A_142 : i32
      %sign3A_144 = arith.extui %sign3A_143 : i1 to i32
      %sign3A_145 = arith.subi %sign3A_141, %sign3A_144 : i32
      %sign3A_146 = arith.constant 0 : i32
      %sign3A_147 = arith.cmpi sgt, %jit3A_137, %sign3A_146 : i32
      %sign3A_148 = arith.extui %sign3A_147 : i1 to i32
      %sign3A_149 = arith.constant 0 : i32
      %sign3A_150 = arith.cmpi slt, %jit3A_137, %sign3A_149 : i32
      %sign3A_151 = arith.extui %sign3A_150 : i1 to i32
      %sign3A_152 = arith.subi %sign3A_148, %sign3A_151 : i32
      %ne3A_153 = arith.cmpi ne, %sign3A_145, %sign3A_152 : i32
      %rem3A_154 = arith.remsi %add3A_110, %jit3A_137 : i32
      %ne3A_155 = arith.constant 0 : i32
      %ne3A_156 = arith.cmpi ne, %rem3A_154, %ne3A_155 : i32
      %and3A_157 = arith.andi %ne3A_153, %ne3A_156 : i1
      %sub3A_158 = arith.constant 1 : i32
      %sub3A_159 = arith.subi %div3A_138, %sub3A_158 : i32
      %select_n3A_160 = arith.select %and3A_157, %sub3A_159, %div3A_138 : i32
      %add3A_161 = arith.addi %mul3A_4, %select_n3A_160 : i32
      %add3A_162 = arith.constant 2 : i32
      %add3A_163 = arith.addi %add3A_161, %add3A_162 : i32
      "tpu.region"() ({
        %run_scoped3A_164 = tpu.sem_alloc : memref<!tpu.dma_semaphore, #tpu.memory_space<semaphore_mem>>
        %dma_start3A_165 = arith.constant 0 : i32
        %dma_start3A_166 = tpu.memref_slice %arg3[%add3A_163, %dma_start3A_165] : memref<1280x256xi32, #tpu.memory_space<hbm>> -> memref<1x256xi32, #tpu.memory_space<hbm>>
        %dma_start3A_167 = tpu.memref_squeeze %dma_start3A_166 : memref<1x256xi32, #tpu.memory_space<hbm>> -> memref<256xi32, #tpu.memory_space<hbm>>
        %dma_start3A_168 = arith.constant 0 : i32
        %dma_start3A_169 = tpu.memref_slice %arg3[%add3A_163, %dma_start3A_168] : memref<1280x256xi32, #tpu.memory_space<hbm>> -> memref<1x256xi32, #tpu.memory_space<hbm>>
        %dma_start3A_170 = tpu.memref_squeeze %dma_start3A_169 : memref<1x256xi32, #tpu.memory_space<hbm>> -> memref<256xi32, #tpu.memory_space<hbm>>
        tpu.enqueue_dma source(%dma_start3A_170 : memref<256xi32, #tpu.memory_space<hbm>>) target(%arg10 : memref<256xi32, #tpu.memory_space<vmem>>) target_semaphore(%run_scoped3A_164 : memref<!tpu.dma_semaphore, #tpu.memory_space<semaphore_mem>>)
        %dma_wait3A_171 = arith.constant 0 : i32
        %dma_wait3A_172 = tpu.memref_slice %arg3[%add3A_163, %dma_wait3A_171] : memref<1280x256xi32, #tpu.memory_space<hbm>> -> memref<1x256xi32, #tpu.memory_space<hbm>>
        %dma_wait3A_173 = tpu.memref_squeeze %dma_wait3A_172 : memref<1x256xi32, #tpu.memory_space<hbm>> -> memref<256xi32, #tpu.memory_space<hbm>>
        %dma_wait3A_174 = arith.constant 0 : i32
        %dma_wait3A_175 = tpu.memref_slice %arg3[%add3A_163, %dma_wait3A_174] : memref<1280x256xi32, #tpu.memory_space<hbm>> -> memref<1x256xi32, #tpu.memory_space<hbm>>
        %dma_wait3A_176 = tpu.memref_squeeze %dma_wait3A_175 : memref<1x256xi32, #tpu.memory_space<hbm>> -> memref<256xi32, #tpu.memory_space<hbm>>
        tpu.wait_dma2 semaphore(%run_scoped3A_164 : memref<!tpu.dma_semaphore, #tpu.memory_space<semaphore_mem>>) src(%dma_wait3A_176 : memref<256xi32, #tpu.memory_space<hbm>>) dst(%arg10 : memref<256xi32, #tpu.memory_space<vmem>>)
        tpu.yield
      }) : () -> ()
    }
    %scan3A_20 = arith.constant 19 : i32
    %dma_wait3A = arith.constant 0 : i32
    %dma_wait3A_21 = arith.constant 0 : i32
    %dma_wait3A_22 = tpu.memref_slice %arg2[%dma_wait3A, %dma_wait3A_21] : memref<20000x128xf32, #tpu.memory_space<hbm>> -> memref<128x128xf32, #tpu.memory_space<hbm>>
    %dma_wait3A_23 = arith.constant 0 : i32
    %dma_wait3A_24 = arith.constant 0 : i32
    %dma_wait3A_25 = tpu.memref_slice %arg2[%dma_wait3A_23, %dma_wait3A_24] : memref<20000x128xf32, #tpu.memory_space<hbm>> -> memref<128x128xf32, #tpu.memory_space<hbm>>
    tpu.wait_dma2 semaphore(%arg13 : memref<!tpu.dma_semaphore, #tpu.memory_space<semaphore_mem>>) src(%dma_wait3A_25 : memref<128x128xf32, #tpu.memory_space<hbm>>) dst(%arg11 : memref<128x128xf32, #tpu.memory_space<vmem>>)
    %run_scoped3A = arith.constant 76 : i32
    "tpu.region"() ({
      %run_scoped3A_61 = tpu.sem_alloc : memref<!tpu.dma_semaphore, #tpu.memory_space<semaphore_mem>>
      %dma_start3A_62 = arith.constant 0 : i32
      %dma_start3A_63 = tpu.memref_slice %arg8[%run_scoped3A, %dma_start3A_62] : memref<80x128xi32, #tpu.memory_space<vmem>> -> memref<1x128xi32, #tpu.memory_space<vmem>>
      %dma_start3A_64 = tpu.memref_squeeze %dma_start3A_63 : memref<1x128xi32, #tpu.memory_space<vmem>> -> memref<128xi32, #tpu.memory_space<vmem>>
      %dma_start3A_65 = arith.constant 0 : i32
      %dma_start3A_66 = arith.constant 0 : i32
      %dma_start3A_67 = tpu.memref_slice %arg7[%dma_start3A_65, %dma_start3A_66] : memref<10112x128xf32, #tpu.memory_space<vmem_shared>> -> memref<10112x128xf32, #tpu.memory_space<vmem_shared>>
      tpu.enqueue_indirect_dma source(%arg11 : memref<128x128xf32, #tpu.memory_space<vmem>>) target(%dma_start3A_67 : memref<10112x128xf32, #tpu.memory_space<vmem_shared>>) offsets(%dma_start3A_64 : memref<128xi32, #tpu.memory_space<vmem>>) semaphore(%run_scoped3A_61 : memref<!tpu.dma_semaphore, #tpu.memory_space<semaphore_mem>>) {add = true}
      %dma_wait3A_68 = arith.constant 0 : i32
      %dma_wait3A_69 = tpu.memref_slice %arg8[%run_scoped3A, %dma_wait3A_68] : memref<80x128xi32, #tpu.memory_space<vmem>> -> memref<1x128xi32, #tpu.memory_space<vmem>>
      %dma_wait3A_70 = tpu.memref_squeeze %dma_wait3A_69 : memref<1x128xi32, #tpu.memory_space<vmem>> -> memref<128xi32, #tpu.memory_space<vmem>>
      %dma_wait3A_71 = arith.constant 0 : i32
      %dma_wait3A_72 = arith.constant 0 : i32
      %dma_wait3A_73 = tpu.memref_slice %arg7[%dma_wait3A_71, %dma_wait3A_72] : memref<10112x128xf32, #tpu.memory_space<vmem_shared>> -> memref<10112x128xf32, #tpu.memory_space<vmem_shared>>
      tpu.wait_indirect_dma semaphore(%run_scoped3A_61 : memref<!tpu.dma_semaphore, #tpu.memory_space<semaphore_mem>>) src(%arg11 : memref<128x128xf32, #tpu.memory_space<vmem>>) dst(%dma_wait3A_73 : memref<10112x128xf32, #tpu.memory_space<vmem_shared>>)
      tpu.yield
    }) : () -> ()
    %dma_start3A_26 = arith.constant 0 : i32
    %dma_start3A_27 = tpu.memref_slice %arg10[%dma_start3A_26] : memref<256xi32, #tpu.memory_space<vmem>> -> memref<128xi32, #tpu.memory_space<vmem>>
    %dma_start3A_28 = arith.constant 0 : i32
    %dma_start3A_29 = arith.constant 0 : i32
    %dma_start3A_30 = tpu.memref_slice %arg2[%dma_start3A_28, %dma_start3A_29] : memref<20000x128xf32, #tpu.memory_space<hbm>> -> memref<20000x128xf32, #tpu.memory_space<hbm>>
    tpu.enqueue_indirect_dma source(%dma_start3A_30 : memref<20000x128xf32, #tpu.memory_space<hbm>>) target(%arg11 : memref<128x128xf32, #tpu.memory_space<vmem>>) offsets(%dma_start3A_27 : memref<128xi32, #tpu.memory_space<vmem>>) semaphore(%arg13 : memref<!tpu.dma_semaphore, #tpu.memory_space<semaphore_mem>>)
    %dma_wait3A_31 = arith.constant 0 : i32
    %dma_wait3A_32 = arith.constant 0 : i32
    %dma_wait3A_33 = tpu.memref_slice %arg2[%dma_wait3A_31, %dma_wait3A_32] : memref<20000x128xf32, #tpu.memory_space<hbm>> -> memref<128x128xf32, #tpu.memory_space<hbm>>
    %dma_wait3A_34 = arith.constant 0 : i32
    %dma_wait3A_35 = arith.constant 0 : i32
    %dma_wait3A_36 = tpu.memref_slice %arg2[%dma_wait3A_34, %dma_wait3A_35] : memref<20000x128xf32, #tpu.memory_space<hbm>> -> memref<128x128xf32, #tpu.memory_space<hbm>>
    tpu.wait_dma2 semaphore(%arg14 : memref<!tpu.dma_semaphore, #tpu.memory_space<semaphore_mem>>) src(%dma_wait3A_36 : memref<128x128xf32, #tpu.memory_space<hbm>>) dst(%arg12 : memref<128x128xf32, #tpu.memory_space<vmem>>)
    %run_scoped3A_37 = arith.constant 77 : i32
    "tpu.region"() ({
      %run_scoped3A_61 = tpu.sem_alloc : memref<!tpu.dma_semaphore, #tpu.memory_space<semaphore_mem>>
      %dma_start3A_62 = arith.constant 0 : i32
      %dma_start3A_63 = tpu.memref_slice %arg8[%run_scoped3A_37, %dma_start3A_62] : memref<80x128xi32, #tpu.memory_space<vmem>> -> memref<1x128xi32, #tpu.memory_space<vmem>>
      %dma_start3A_64 = tpu.memref_squeeze %dma_start3A_63 : memref<1x128xi32, #tpu.memory_space<vmem>> -> memref<128xi32, #tpu.memory_space<vmem>>
      %dma_start3A_65 = arith.constant 0 : i32
      %dma_start3A_66 = arith.constant 0 : i32
      %dma_start3A_67 = tpu.memref_slice %arg7[%dma_start3A_65, %dma_start3A_66] : memref<10112x128xf32, #tpu.memory_space<vmem_shared>> -> memref<10112x128xf32, #tpu.memory_space<vmem_shared>>
      tpu.enqueue_indirect_dma source(%arg12 : memref<128x128xf32, #tpu.memory_space<vmem>>) target(%dma_start3A_67 : memref<10112x128xf32, #tpu.memory_space<vmem_shared>>) offsets(%dma_start3A_64 : memref<128xi32, #tpu.memory_space<vmem>>) semaphore(%run_scoped3A_61 : memref<!tpu.dma_semaphore, #tpu.memory_space<semaphore_mem>>) {add = true}
      %dma_wait3A_68 = arith.constant 0 : i32
      %dma_wait3A_69 = tpu.memref_slice %arg8[%run_scoped3A_37, %dma_wait3A_68] : memref<80x128xi32, #tpu.memory_space<vmem>> -> memref<1x128xi32, #tpu.memory_space<vmem>>
      %dma_wait3A_70 = tpu.memref_squeeze %dma_wait3A_69 : memref<1x128xi32, #tpu.memory_space<vmem>> -> memref<128xi32, #tpu.memory_space<vmem>>
      %dma_wait3A_71 = arith.constant 0 : i32
      %dma_wait3A_72 = arith.constant 0 : i32
      %dma_wait3A_73 = tpu.memref_slice %arg7[%dma_wait3A_71, %dma_wait3A_72] : memref<10112x128xf32, #tpu.memory_space<vmem_shared>> -> memref<10112x128xf32, #tpu.memory_space<vmem_shared>>
      tpu.wait_indirect_dma semaphore(%run_scoped3A_61 : memref<!tpu.dma_semaphore, #tpu.memory_space<semaphore_mem>>) src(%arg12 : memref<128x128xf32, #tpu.memory_space<vmem>>) dst(%dma_wait3A_73 : memref<10112x128xf32, #tpu.memory_space<vmem_shared>>)
      tpu.yield
    }) : () -> ()
    %dma_start3A_38 = arith.constant 128 : i32
    %dma_start3A_39 = tpu.memref_slice %arg10[%dma_start3A_38] : memref<256xi32, #tpu.memory_space<vmem>> -> memref<128xi32, #tpu.memory_space<vmem>>
    %dma_start3A_40 = arith.constant 0 : i32
    %dma_start3A_41 = arith.constant 0 : i32
    %dma_start3A_42 = tpu.memref_slice %arg2[%dma_start3A_40, %dma_start3A_41] : memref<20000x128xf32, #tpu.memory_space<hbm>> -> memref<20000x128xf32, #tpu.memory_space<hbm>>
    tpu.enqueue_indirect_dma source(%dma_start3A_42 : memref<20000x128xf32, #tpu.memory_space<hbm>>) target(%arg12 : memref<128x128xf32, #tpu.memory_space<vmem>>) offsets(%dma_start3A_39 : memref<128xi32, #tpu.memory_space<vmem>>) semaphore(%arg14 : memref<!tpu.dma_semaphore, #tpu.memory_space<semaphore_mem>>)
    %dma_wait3A_43 = arith.constant 0 : i32
    %dma_wait3A_44 = arith.constant 0 : i32
    %dma_wait3A_45 = tpu.memref_slice %arg2[%dma_wait3A_43, %dma_wait3A_44] : memref<20000x128xf32, #tpu.memory_space<hbm>> -> memref<128x128xf32, #tpu.memory_space<hbm>>
    %dma_wait3A_46 = arith.constant 0 : i32
    %dma_wait3A_47 = arith.constant 0 : i32
    %dma_wait3A_48 = tpu.memref_slice %arg2[%dma_wait3A_46, %dma_wait3A_47] : memref<20000x128xf32, #tpu.memory_space<hbm>> -> memref<128x128xf32, #tpu.memory_space<hbm>>
    tpu.wait_dma2 semaphore(%arg13 : memref<!tpu.dma_semaphore, #tpu.memory_space<semaphore_mem>>) src(%dma_wait3A_48 : memref<128x128xf32, #tpu.memory_space<hbm>>) dst(%arg11 : memref<128x128xf32, #tpu.memory_space<vmem>>)
    %run_scoped3A_49 = arith.constant 78 : i32
    "tpu.region"() ({
      %run_scoped3A_61 = tpu.sem_alloc : memref<!tpu.dma_semaphore, #tpu.memory_space<semaphore_mem>>
      %dma_start3A_62 = arith.constant 0 : i32
      %dma_start3A_63 = tpu.memref_slice %arg8[%run_scoped3A_49, %dma_start3A_62] : memref<80x128xi32, #tpu.memory_space<vmem>> -> memref<1x128xi32, #tpu.memory_space<vmem>>
      %dma_start3A_64 = tpu.memref_squeeze %dma_start3A_63 : memref<1x128xi32, #tpu.memory_space<vmem>> -> memref<128xi32, #tpu.memory_space<vmem>>
      %dma_start3A_65 = arith.constant 0 : i32
      %dma_start3A_66 = arith.constant 0 : i32
      %dma_start3A_67 = tpu.memref_slice %arg7[%dma_start3A_65, %dma_start3A_66] : memref<10112x128xf32, #tpu.memory_space<vmem_shared>> -> memref<10112x128xf32, #tpu.memory_space<vmem_shared>>
      tpu.enqueue_indirect_dma source(%arg11 : memref<128x128xf32, #tpu.memory_space<vmem>>) target(%dma_start3A_67 : memref<10112x128xf32, #tpu.memory_space<vmem_shared>>) offsets(%dma_start3A_64 : memref<128xi32, #tpu.memory_space<vmem>>) semaphore(%run_scoped3A_61 : memref<!tpu.dma_semaphore, #tpu.memory_space<semaphore_mem>>) {add = true}
      %dma_wait3A_68 = arith.constant 0 : i32
      %dma_wait3A_69 = tpu.memref_slice %arg8[%run_scoped3A_49, %dma_wait3A_68] : memref<80x128xi32, #tpu.memory_space<vmem>> -> memref<1x128xi32, #tpu.memory_space<vmem>>
      %dma_wait3A_70 = tpu.memref_squeeze %dma_wait3A_69 : memref<1x128xi32, #tpu.memory_space<vmem>> -> memref<128xi32, #tpu.memory_space<vmem>>
      %dma_wait3A_71 = arith.constant 0 : i32
      %dma_wait3A_72 = arith.constant 0 : i32
      %dma_wait3A_73 = tpu.memref_slice %arg7[%dma_wait3A_71, %dma_wait3A_72] : memref<10112x128xf32, #tpu.memory_space<vmem_shared>> -> memref<10112x128xf32, #tpu.memory_space<vmem_shared>>
      tpu.wait_indirect_dma semaphore(%run_scoped3A_61 : memref<!tpu.dma_semaphore, #tpu.memory_space<semaphore_mem>>) src(%arg11 : memref<128x128xf32, #tpu.memory_space<vmem>>) dst(%dma_wait3A_73 : memref<10112x128xf32, #tpu.memory_space<vmem_shared>>)
      tpu.yield
    }) : () -> ()
    %dma_wait3A_50 = arith.constant 0 : i32
    %dma_wait3A_51 = arith.constant 0 : i32
    %dma_wait3A_52 = tpu.memref_slice %arg2[%dma_wait3A_50, %dma_wait3A_51] : memref<20000x128xf32, #tpu.memory_space<hbm>> -> memref<128x128xf32, #tpu.memory_space<hbm>>
    %dma_wait3A_53 = arith.constant 0 : i32
    %dma_wait3A_54 = arith.constant 0 : i32
    %dma_wait3A_55 = tpu.memref_slice %arg2[%dma_wait3A_53, %dma_wait3A_54] : memref<20000x128xf32, #tpu.memory_space<hbm>> -> memref<128x128xf32, #tpu.memory_space<hbm>>
    tpu.wait_dma2 semaphore(%arg14 : memref<!tpu.dma_semaphore, #tpu.memory_space<semaphore_mem>>) src(%dma_wait3A_55 : memref<128x128xf32, #tpu.memory_space<hbm>>) dst(%arg12 : memref<128x128xf32, #tpu.memory_space<vmem>>)
    %run_scoped3A_56 = arith.constant 79 : i32
    "tpu.region"() ({
      %run_scoped3A_61 = tpu.sem_alloc : memref<!tpu.dma_semaphore, #tpu.memory_space<semaphore_mem>>
      %dma_start3A_62 = arith.constant 0 : i32
      %dma_start3A_63 = tpu.memref_slice %arg8[%run_scoped3A_56, %dma_start3A_62] : memref<80x128xi32, #tpu.memory_space<vmem>> -> memref<1x128xi32, #tpu.memory_space<vmem>>
      %dma_start3A_64 = tpu.memref_squeeze %dma_start3A_63 : memref<1x128xi32, #tpu.memory_space<vmem>> -> memref<128xi32, #tpu.memory_space<vmem>>
      %dma_start3A_65 = arith.constant 0 : i32
      %dma_start3A_66 = arith.constant 0 : i32
      %dma_start3A_67 = tpu.memref_slice %arg7[%dma_start3A_65, %dma_start3A_66] : memref<10112x128xf32, #tpu.memory_space<vmem_shared>> -> memref<10112x128xf32, #tpu.memory_space<vmem_shared>>
      tpu.enqueue_indirect_dma source(%arg12 : memref<128x128xf32, #tpu.memory_space<vmem>>) target(%dma_start3A_67 : memref<10112x128xf32, #tpu.memory_space<vmem_shared>>) offsets(%dma_start3A_64 : memref<128xi32, #tpu.memory_space<vmem>>) semaphore(%run_scoped3A_61 : memref<!tpu.dma_semaphore, #tpu.memory_space<semaphore_mem>>) {add = true}
      %dma_wait3A_68 = arith.constant 0 : i32
      %dma_wait3A_69 = tpu.memref_slice %arg8[%run_scoped3A_56, %dma_wait3A_68] : memref<80x128xi32, #tpu.memory_space<vmem>> -> memref<1x128xi32, #tpu.memory_space<vmem>>
      %dma_wait3A_70 = tpu.memref_squeeze %dma_wait3A_69 : memref<1x128xi32, #tpu.memory_space<vmem>> -> memref<128xi32, #tpu.memory_space<vmem>>
      %dma_wait3A_71 = arith.constant 0 : i32
      %dma_wait3A_72 = arith.constant 0 : i32
      %dma_wait3A_73 = tpu.memref_slice %arg7[%dma_wait3A_71, %dma_wait3A_72] : memref<10112x128xf32, #tpu.memory_space<vmem_shared>> -> memref<10112x128xf32, #tpu.memory_space<vmem_shared>>
      tpu.wait_indirect_dma semaphore(%run_scoped3A_61 : memref<!tpu.dma_semaphore, #tpu.memory_space<semaphore_mem>>) src(%arg12 : memref<128x128xf32, #tpu.memory_space<vmem>>) dst(%dma_wait3A_73 : memref<10112x128xf32, #tpu.memory_space<vmem_shared>>)
      tpu.yield
    }) : () -> ()
    %barrier3A_57 = arith.constant 0 : index
    tpu.barrier barrier_id(%barrier3A_57)
    %mul3A_58 = arith.constant 10112 : i32
    %mul3A_59 = arith.muli %arg0, %mul3A_58 : i32
    %add3A_60 = arith.addi %mul3A_59, %mul3A_0 : i32
    "tpu.region"() ({
      %run_scoped3A_61 = tpu.sem_alloc : memref<!tpu.dma_semaphore, #tpu.memory_space<semaphore_mem>>
      %dma_start3A_62 = arith.constant 0 : i32
      %dma_start3A_63 = tpu.memref_slice %arg6[%add3A_60, %dma_start3A_62] : memref<20224x128xf32, #tpu.memory_space<hbm>> -> memref<632x128xf32, #tpu.memory_space<hbm>>
      %dma_start3A_64 = arith.constant 0 : i32
      %dma_start3A_65 = tpu.memref_slice %arg7[%mul3A_0, %dma_start3A_64] : memref<10112x128xf32, #tpu.memory_space<vmem_shared>> -> memref<632x128xf32, #tpu.memory_space<vmem_shared>>
      tpu.enqueue_dma source(%dma_start3A_65 : memref<632x128xf32, #tpu.memory_space<vmem_shared>>) target(%dma_start3A_63 : memref<632x128xf32, #tpu.memory_space<hbm>>) target_semaphore(%run_scoped3A_61 : memref<!tpu.dma_semaphore, #tpu.memory_space<semaphore_mem>>)
      %dma_wait3A_66 = arith.constant 0 : i32
      %dma_wait3A_67 = tpu.memref_slice %arg6[%add3A_60, %dma_wait3A_66] : memref<20224x128xf32, #tpu.memory_space<hbm>> -> memref<632x128xf32, #tpu.memory_space<hbm>>
      %dma_wait3A_68 = arith.constant 0 : i32
      %dma_wait3A_69 = tpu.memref_slice %arg7[%mul3A_0, %dma_wait3A_68] : memref<10112x128xf32, #tpu.memory_space<vmem_shared>> -> memref<632x128xf32, #tpu.memory_space<vmem_shared>>
      tpu.wait_dma2 semaphore(%run_scoped3A_61 : memref<!tpu.dma_semaphore, #tpu.memory_space<semaphore_mem>>) src(%dma_wait3A_69 : memref<632x128xf32, #tpu.memory_space<vmem_shared>>) dst(%dma_wait3A_67 : memref<632x128xf32, #tpu.memory_space<hbm>>)
      tpu.yield
    }) : () -> ()
    return
  }
}

module attributes {stable_mosaic.version = 14 : i64} {
  func.func @body(%arg0: memref<10000x256xf32, #tpu.memory_space<vmem>>, %arg1: memref<256x256xf32, #tpu.memory_space<vmem>>, %arg2: memref<256x256xf32, #tpu.memory_space<vmem>>, %arg3: memref<20000x128xf32, #tpu.memory_space<vmem>>, %arg4: memref<10000x256xf32, #tpu.memory_space<vmem>>) attributes {dimension_semantics = [], scalar_prefetch = 0 : i64, scratch_operands = 0 : i64, tpu.core_type = #tpu.core_type<tc>} {
    %get3A = arith.constant 0 : index
    %get3A_0 = arith.constant 0 : index
    %get3A_1 = vector.load %arg0[%get3A, %get3A_0] : memref<10000x256xf32, #tpu.memory_space<vmem>>, vector<10000x256xf32>
    %get3A_2 = arith.constant 0 : index
    %get3A_3 = arith.constant 0 : index
    %get3A_4 = vector.load %arg1[%get3A_2, %get3A_3] : memref<256x256xf32, #tpu.memory_space<vmem>>, vector<256x256xf32>
    %dot_general3A = arith.constant dense<0.000000e+00> : vector<10000x256xf32>
    %dot_general3A_5 = tpu.matmul %get3A_1, %get3A_4, %dot_general3A {dimension_numbers = #tpu.dot_dimension_numbers<[1], [0], [0], [1], [0, 0, 1, 1], [], []>, transpose_lhs_hint = false} : vector<10000x256xf32>, vector<256x256xf32>, vector<10000x256xf32> -> vector<10000x256xf32>
    %get3A_6 = arith.constant 0 : index
    %get3A_7 = arith.constant 0 : index
    %get3A_8 = vector.load %arg2[%get3A_6, %get3A_7] : memref<256x256xf32, #tpu.memory_space<vmem>>, vector<256x256xf32>
    %dot_general3A_9 = arith.constant dense<0.000000e+00> : vector<10000x256xf32>
    %dot_general3A_10 = tpu.matmul %get3A_1, %get3A_8, %dot_general3A_9 {dimension_numbers = #tpu.dot_dimension_numbers<[1], [0], [0], [1], [0, 0, 1, 1], [], []>, transpose_lhs_hint = false} : vector<10000x256xf32>, vector<256x256xf32>, vector<10000x256xf32> -> vector<10000x256xf32>
    %swap3A = arith.constant 0 : index
    %swap3A_11 = arith.constant 0 : index
    %swap3A_12 = vector.load %arg4[%swap3A, %swap3A_11] : memref<10000x256xf32, #tpu.memory_space<vmem>>, vector<10000x256xf32>
    tpu.vector_store %arg4[%swap3A, %swap3A_11], %dot_general3A_10 {strides = array<i32>} : memref<10000x256xf32, #tpu.memory_space<vmem>>, vector<10000x256xf32>,
    %slice3A = vector.extract_strided_slice %dot_general3A_5 {offsets = [0, 0], sizes = [10000, 128], strides = [1, 1]} : vector<10000x256xf32> to vector<10000x128xf32>
    %swap3A_13 = arith.constant 0 : index
    %swap3A_14 = arith.constant 0 : index
    %swap3A_15 = vector.load %arg3[%swap3A_13, %swap3A_14] : memref<20000x128xf32, #tpu.memory_space<vmem>>, vector<10000x128xf32>
    tpu.vector_store %arg3[%swap3A_13, %swap3A_14], %slice3A {strides = array<i32>} : memref<20000x128xf32, #tpu.memory_space<vmem>>, vector<10000x128xf32>,
    %slice3A_16 = vector.extract_strided_slice %dot_general3A_5 {offsets = [0, 128], sizes = [10000, 128], strides = [1, 1]} : vector<10000x256xf32> to vector<10000x128xf32>
    %swap3A_17 = arith.constant 10000 : index
    %swap3A_18 = arith.constant 0 : index
    %swap3A_19 = vector.load %arg3[%swap3A_17, %swap3A_18] : memref<20000x128xf32, #tpu.memory_space<vmem>>, vector<10000x128xf32>
    tpu.vector_store %arg3[%swap3A_17, %swap3A_18], %slice3A_16 {strides = array<i32>} : memref<20000x128xf32, #tpu.memory_space<vmem>>, vector<10000x128xf32>,
    return
  }
}

module attributes {stable_mosaic.version = 14 : i64} {
  func.func @body(%arg0: memref<20224x128xf32, #tpu.memory_space<vmem>>, %arg1: memref<20224x128xf32, #tpu.memory_space<vmem>>, %arg2: memref<10000x256xf32, #tpu.memory_space<vmem>>, %arg3: memref<256xf32, #tpu.memory_space<vmem>>, %arg4: memref<256xf32, #tpu.memory_space<vmem>>, %arg5: memref<256xf32, #tpu.memory_space<vmem>>, %arg6: memref<256x256xf32, #tpu.memory_space<vmem>>, %arg7: memref<256x256xf32, #tpu.memory_space<vmem>>, %arg8: memref<20000x128xf32, #tpu.memory_space<vmem>>, %arg9: memref<10000x256xf32, #tpu.memory_space<vmem>>) attributes {dimension_semantics = [], scalar_prefetch = 0 : i64, scratch_operands = 0 : i64, tpu.core_type = #tpu.core_type<tc>} {
    %get3A = arith.constant 0 : index
    %get3A_0 = arith.constant 0 : index
    %get3A_1 = vector.load %arg0[%get3A, %get3A_0] : memref<20224x128xf32, #tpu.memory_space<vmem>>, vector<10000x128xf32>
    %get3A_2 = arith.constant 10112 : index
    %get3A_3 = arith.constant 0 : index
    %get3A_4 = vector.load %arg0[%get3A_2, %get3A_3] : memref<20224x128xf32, #tpu.memory_space<vmem>>, vector<10000x128xf32>
    %concatenate3A = tpu.concatenate %get3A_1, %get3A_4 in 1 : vector<10000x128xf32>, vector<10000x128xf32> -> vector<10000x256xf32>
    %get3A_5 = arith.constant 0 : index
    %get3A_6 = arith.constant 0 : index
    %get3A_7 = vector.load %arg1[%get3A_5, %get3A_6] : memref<20224x128xf32, #tpu.memory_space<vmem>>, vector<10000x1xf32>
    %get3A_8 = arith.constant 10112 : index
    %get3A_9 = arith.constant 0 : index
    %get3A_10 = vector.load %arg1[%get3A_8, %get3A_9] : memref<20224x128xf32, #tpu.memory_space<vmem>>, vector<10000x1xf32>
    %add3A = arith.addf %get3A_7, %get3A_10 : vector<10000x1xf32>
    %max3A = arith.constant 1.000000e+00 : f32
    %max3A_11 = vector.broadcast %max3A : f32 to vector<10000x1xf32>
    %max3A_12 = arith.maximumf %add3A, %max3A_11 : vector<10000x1xf32>
    %div3A = vector.broadcast %max3A_12 : vector<10000x1xf32> to vector<10000x256xf32>
    %div3A_13 = arith.divf %concatenate3A, %div3A : vector<10000x256xf32>
    %get3A_14 = arith.constant 0 : index
    %get3A_15 = vector.load %arg3[%get3A_14] : memref<256xf32, #tpu.memory_space<vmem>>, vector<256xf32>
    %broadcast_in_dim3A = vector.shape_cast %get3A_15 : vector<256xf32> to vector<1x256xf32>
    %add3A_16 = vector.broadcast %broadcast_in_dim3A : vector<1x256xf32> to vector<10000x256xf32>
    %add3A_17 = arith.addf %div3A_13, %add3A_16 : vector<10000x256xf32>
    %get3A_18 = arith.constant 0 : index
    %get3A_19 = arith.constant 0 : index
    %get3A_20 = vector.load %arg2[%get3A_18, %get3A_19] : memref<10000x256xf32, #tpu.memory_space<vmem>>, vector<10000x256xf32>
    %add3A_21 = arith.addf %add3A_17, %get3A_20 : vector<10000x256xf32>
    %reduce_sum3A = arith.constant dense<0.000000e+00> : vector<256xf32>
    %reduce_sum3A_22 = vector.multi_reduction <add>, %add3A_21, %reduce_sum3A [0] : vector<10000x256xf32> to vector<256xf32>
    %broadcast_in_dim3A_23 = vector.shape_cast %reduce_sum3A_22 : vector<256xf32> to vector<1x256xf32>
    %div3A_24 = arith.constant 1.000000e+04 : f32
    %div3A_25 = vector.broadcast %div3A_24 : f32 to vector<1x256xf32>
    %div3A_26 = arith.divf %broadcast_in_dim3A_23, %div3A_25 : vector<1x256xf32>
    %sub3A = vector.broadcast %div3A_26 : vector<1x256xf32> to vector<10000x256xf32>
    %sub3A_27 = arith.subf %add3A_21, %sub3A : vector<10000x256xf32>
    %integer_pow3A = arith.mulf %sub3A_27, %sub3A_27 : vector<10000x256xf32>
    %reduce_sum3A_28 = arith.constant dense<0.000000e+00> : vector<256xf32>
    %reduce_sum3A_29 = vector.multi_reduction <add>, %integer_pow3A, %reduce_sum3A_28 [0] : vector<10000x256xf32> to vector<256xf32>
    %broadcast_in_dim3A_30 = vector.shape_cast %reduce_sum3A_29 : vector<256xf32> to vector<1x256xf32>
    %div3A_31 = arith.constant 1.000000e+04 : f32
    %div3A_32 = vector.broadcast %div3A_31 : f32 to vector<1x256xf32>
    %div3A_33 = arith.divf %broadcast_in_dim3A_30, %div3A_32 : vector<1x256xf32>
    %sub3A_34 = vector.broadcast %div3A_26 : vector<1x256xf32> to vector<10000x256xf32>
    %sub3A_35 = arith.subf %add3A_21, %sub3A_34 : vector<10000x256xf32>
    %add3A_36 = arith.constant 9.99999974E-6 : f32
    %add3A_37 = vector.broadcast %add3A_36 : f32 to vector<1x256xf32>
    %add3A_38 = arith.addf %div3A_33, %add3A_37 : vector<1x256xf32>
    %rsqrt3A = math.rsqrt %add3A_38 : vector<1x256xf32>
    %mul3A = vector.broadcast %rsqrt3A : vector<1x256xf32> to vector<10000x256xf32>
    %mul3A_39 = arith.mulf %sub3A_35, %mul3A : vector<10000x256xf32>
    %get3A_40 = arith.constant 0 : index
    %get3A_41 = vector.load %arg4[%get3A_40] : memref<256xf32, #tpu.memory_space<vmem>>, vector<256xf32>
    %broadcast_in_dim3A_42 = vector.shape_cast %get3A_41 : vector<256xf32> to vector<1x256xf32>
    %mul3A_43 = vector.broadcast %broadcast_in_dim3A_42 : vector<1x256xf32> to vector<10000x256xf32>
    %mul3A_44 = arith.mulf %mul3A_39, %mul3A_43 : vector<10000x256xf32>
    %get3A_45 = arith.constant 0 : index
    %get3A_46 = vector.load %arg5[%get3A_45] : memref<256xf32, #tpu.memory_space<vmem>>, vector<256xf32>
    %broadcast_in_dim3A_47 = vector.shape_cast %get3A_46 : vector<256xf32> to vector<1x256xf32>
    %add3A_48 = vector.broadcast %broadcast_in_dim3A_47 : vector<1x256xf32> to vector<10000x256xf32>
    %add3A_49 = arith.addf %mul3A_44, %add3A_48 : vector<10000x256xf32>
    %max3A_50 = arith.constant 0.000000e+00 : f32
    %max3A_51 = vector.broadcast %max3A_50 : f32 to vector<10000x256xf32>
    %max3A_52 = arith.maximumf %add3A_49, %max3A_51 : vector<10000x256xf32>
    %get3A_53 = arith.constant 0 : index
    %get3A_54 = arith.constant 0 : index
    %get3A_55 = vector.load %arg6[%get3A_53, %get3A_54] : memref<256x256xf32, #tpu.memory_space<vmem>>, vector<256x256xf32>
    %dot_general3A = arith.constant dense<0.000000e+00> : vector<10000x256xf32>
    %dot_general3A_56 = tpu.matmul %max3A_52, %get3A_55, %dot_general3A {dimension_numbers = #tpu.dot_dimension_numbers<[1], [0], [0], [1], [0, 0, 1, 1], [], []>, transpose_lhs_hint = false} : vector<10000x256xf32>, vector<256x256xf32>, vector<10000x256xf32> -> vector<10000x256xf32>
    %get3A_57 = arith.constant 0 : index
    %get3A_58 = arith.constant 0 : index
    %get3A_59 = vector.load %arg7[%get3A_57, %get3A_58] : memref<256x256xf32, #tpu.memory_space<vmem>>, vector<256x256xf32>
    %dot_general3A_60 = arith.constant dense<0.000000e+00> : vector<10000x256xf32>
    %dot_general3A_61 = tpu.matmul %max3A_52, %get3A_59, %dot_general3A_60 {dimension_numbers = #tpu.dot_dimension_numbers<[1], [0], [0], [1], [0, 0, 1, 1], [], []>, transpose_lhs_hint = false} : vector<10000x256xf32>, vector<256x256xf32>, vector<10000x256xf32> -> vector<10000x256xf32>
    %swap3A = arith.constant 0 : index
    %swap3A_62 = arith.constant 0 : index
    %swap3A_63 = vector.load %arg9[%swap3A, %swap3A_62] : memref<10000x256xf32, #tpu.memory_space<vmem>>, vector<10000x256xf32>
    tpu.vector_store %arg9[%swap3A, %swap3A_62], %dot_general3A_61 {strides = array<i32>} : memref<10000x256xf32, #tpu.memory_space<vmem>>, vector<10000x256xf32>,
    %slice3A = vector.extract_strided_slice %dot_general3A_56 {offsets = [0, 0], sizes = [10000, 128], strides = [1, 1]} : vector<10000x256xf32> to vector<10000x128xf32>
    %swap3A_64 = arith.constant 0 : index
    %swap3A_65 = arith.constant 0 : index
    %swap3A_66 = vector.load %arg8[%swap3A_64, %swap3A_65] : memref<20000x128xf32, #tpu.memory_space<vmem>>, vector<10000x128xf32>
    tpu.vector_store %arg8[%swap3A_64, %swap3A_65], %slice3A {strides = array<i32>} : memref<20000x128xf32, #tpu.memory_space<vmem>>, vector<10000x128xf32>,
    %slice3A_67 = vector.extract_strided_slice %dot_general3A_56 {offsets = [0, 128], sizes = [10000, 128], strides = [1, 1]} : vector<10000x256xf32> to vector<10000x128xf32>
    %swap3A_68 = arith.constant 10000 : index
    %swap3A_69 = arith.constant 0 : index
    %swap3A_70 = vector.load %arg8[%swap3A_68, %swap3A_69] : memref<20000x128xf32, #tpu.memory_space<vmem>>, vector<10000x128xf32>
    tpu.vector_store %arg8[%swap3A_68, %swap3A_69], %slice3A_67 {strides = array<i32>} : memref<20000x128xf32, #tpu.memory_space<vmem>>, vector<10000x128xf32>,
    return
  }
}

module attributes {stable_mosaic.version = 14 : i64} {
  func.func @body(%arg0: memref<20224x128xf32, #tpu.memory_space<vmem>>, %arg1: memref<20224x128xf32, #tpu.memory_space<vmem>>, %arg2: memref<10000x256xf32, #tpu.memory_space<vmem>>, %arg3: memref<256xf32, #tpu.memory_space<vmem>>, %arg4: memref<256xf32, #tpu.memory_space<vmem>>, %arg5: memref<256xf32, #tpu.memory_space<vmem>>, %arg6: memref<10000xi32, #tpu.memory_space<vmem>>, %arg7: memref<256x128xf32, #tpu.memory_space<vmem>>, %arg8: memref<128xf32, #tpu.memory_space<vmem>>, %arg9: memref<64x128xf32, #tpu.memory_space<vmem>>) attributes {dimension_semantics = [], scalar_prefetch = 0 : i64, scratch_operands = 0 : i64, tpu.core_type = #tpu.core_type<tc>} {
    %get3A = arith.constant 0 : index
    %get3A_0 = arith.constant 0 : index
    %get3A_1 = vector.load %arg0[%get3A, %get3A_0] : memref<20224x128xf32, #tpu.memory_space<vmem>>, vector<10000x128xf32>
    %get3A_2 = arith.constant 10112 : index
    %get3A_3 = arith.constant 0 : index
    %get3A_4 = vector.load %arg0[%get3A_2, %get3A_3] : memref<20224x128xf32, #tpu.memory_space<vmem>>, vector<10000x128xf32>
    %concatenate3A = tpu.concatenate %get3A_1, %get3A_4 in 1 : vector<10000x128xf32>, vector<10000x128xf32> -> vector<10000x256xf32>
    %get3A_5 = arith.constant 0 : index
    %get3A_6 = arith.constant 0 : index
    %get3A_7 = vector.load %arg1[%get3A_5, %get3A_6] : memref<20224x128xf32, #tpu.memory_space<vmem>>, vector<10000x1xf32>
    %get3A_8 = arith.constant 10112 : index
    %get3A_9 = arith.constant 0 : index
    %get3A_10 = vector.load %arg1[%get3A_8, %get3A_9] : memref<20224x128xf32, #tpu.memory_space<vmem>>, vector<10000x1xf32>
    %add3A = arith.addf %get3A_7, %get3A_10 : vector<10000x1xf32>
    %max3A = arith.constant 1.000000e+00 : f32
    %max3A_11 = vector.broadcast %max3A : f32 to vector<10000x1xf32>
    %max3A_12 = arith.maximumf %add3A, %max3A_11 : vector<10000x1xf32>
    %div3A = vector.broadcast %max3A_12 : vector<10000x1xf32> to vector<10000x256xf32>
    %div3A_13 = arith.divf %concatenate3A, %div3A : vector<10000x256xf32>
    %get3A_14 = arith.constant 0 : index
    %get3A_15 = vector.load %arg3[%get3A_14] : memref<256xf32, #tpu.memory_space<vmem>>, vector<256xf32>
    %broadcast_in_dim3A = vector.shape_cast %get3A_15 : vector<256xf32> to vector<1x256xf32>
    %add3A_16 = vector.broadcast %broadcast_in_dim3A : vector<1x256xf32> to vector<10000x256xf32>
    %add3A_17 = arith.addf %div3A_13, %add3A_16 : vector<10000x256xf32>
    %get3A_18 = arith.constant 0 : index
    %get3A_19 = arith.constant 0 : index
    %get3A_20 = vector.load %arg2[%get3A_18, %get3A_19] : memref<10000x256xf32, #tpu.memory_space<vmem>>, vector<10000x256xf32>
    %add3A_21 = arith.addf %add3A_17, %get3A_20 : vector<10000x256xf32>
    %reduce_sum3A = arith.constant dense<0.000000e+00> : vector<256xf32>
    %reduce_sum3A_22 = vector.multi_reduction <add>, %add3A_21, %reduce_sum3A [0] : vector<10000x256xf32> to vector<256xf32>
    %broadcast_in_dim3A_23 = vector.shape_cast %reduce_sum3A_22 : vector<256xf32> to vector<1x256xf32>
    %div3A_24 = arith.constant 1.000000e+04 : f32
    %div3A_25 = vector.broadcast %div3A_24 : f32 to vector<1x256xf32>
    %div3A_26 = arith.divf %broadcast_in_dim3A_23, %div3A_25 : vector<1x256xf32>
    %sub3A = vector.broadcast %div3A_26 : vector<1x256xf32> to vector<10000x256xf32>
    %sub3A_27 = arith.subf %add3A_21, %sub3A : vector<10000x256xf32>
    %integer_pow3A = arith.mulf %sub3A_27, %sub3A_27 : vector<10000x256xf32>
    %reduce_sum3A_28 = arith.constant dense<0.000000e+00> : vector<256xf32>
    %reduce_sum3A_29 = vector.multi_reduction <add>, %integer_pow3A, %reduce_sum3A_28 [0] : vector<10000x256xf32> to vector<256xf32>
    %broadcast_in_dim3A_30 = vector.shape_cast %reduce_sum3A_29 : vector<256xf32> to vector<1x256xf32>
    %div3A_31 = arith.constant 1.000000e+04 : f32
    %div3A_32 = vector.broadcast %div3A_31 : f32 to vector<1x256xf32>
    %div3A_33 = arith.divf %broadcast_in_dim3A_30, %div3A_32 : vector<1x256xf32>
    %sub3A_34 = vector.broadcast %div3A_26 : vector<1x256xf32> to vector<10000x256xf32>
    %sub3A_35 = arith.subf %add3A_21, %sub3A_34 : vector<10000x256xf32>
    %add3A_36 = arith.constant 9.99999974E-6 : f32
    %add3A_37 = vector.broadcast %add3A_36 : f32 to vector<1x256xf32>
    %add3A_38 = arith.addf %div3A_33, %add3A_37 : vector<1x256xf32>
    %rsqrt3A = math.rsqrt %add3A_38 : vector<1x256xf32>
    %mul3A = vector.broadcast %rsqrt3A : vector<1x256xf32> to vector<10000x256xf32>
    %mul3A_39 = arith.mulf %sub3A_35, %mul3A : vector<10000x256xf32>
    %get3A_40 = arith.constant 0 : index
    %get3A_41 = vector.load %arg4[%get3A_40] : memref<256xf32, #tpu.memory_space<vmem>>, vector<256xf32>
    %broadcast_in_dim3A_42 = vector.shape_cast %get3A_41 : vector<256xf32> to vector<1x256xf32>
    %mul3A_43 = vector.broadcast %broadcast_in_dim3A_42 : vector<1x256xf32> to vector<10000x256xf32>
    %mul3A_44 = arith.mulf %mul3A_39, %mul3A_43 : vector<10000x256xf32>
    %get3A_45 = arith.constant 0 : index
    %get3A_46 = vector.load %arg5[%get3A_45] : memref<256xf32, #tpu.memory_space<vmem>>, vector<256xf32>
    %broadcast_in_dim3A_47 = vector.shape_cast %get3A_46 : vector<256xf32> to vector<1x256xf32>
    %add3A_48 = vector.broadcast %broadcast_in_dim3A_47 : vector<1x256xf32> to vector<10000x256xf32>
    %add3A_49 = arith.addf %mul3A_44, %add3A_48 : vector<10000x256xf32>
    %max3A_50 = arith.constant 0.000000e+00 : f32
    %max3A_51 = vector.broadcast %max3A_50 : f32 to vector<10000x256xf32>
    %max3A_52 = arith.maximumf %add3A_49, %max3A_51 : vector<10000x256xf32>
    %get3A_53 = arith.constant 0 : index
    %get3A_54 = vector.load %arg6[%get3A_53] : memref<10000xi32, #tpu.memory_space<vmem>>, vector<10000xi32>
    %iota3A = tpu.iota {dimensions = array<i32: 0>} : vector<64x10000xi32>
    %broadcast_in_dim3A_55 = vector.shape_cast %get3A_54 : vector<10000xi32> to vector<1x10000xi32>
    %eq3A = vector.broadcast %broadcast_in_dim3A_55 : vector<1x10000xi32> to vector<64x10000xi32>
    %eq3A_56 = arith.cmpi eq, %eq3A, %iota3A : vector<64x10000xi32>
    %convert_element_type3A = arith.extui %eq3A_56 : vector<64x10000xi1> to vector<64x10000xi32>
    %convert_element_type3A_57 = arith.sitofp %convert_element_type3A : vector<64x10000xi32> to vector<64x10000xf32>
    %dot_general3A = arith.constant dense<0.000000e+00> : vector<64x256xf32>
    %dot_general3A_58 = tpu.matmul %convert_element_type3A_57, %max3A_52, %dot_general3A {dimension_numbers = #tpu.dot_dimension_numbers<[1], [0], [0], [1], [0, 0, 1, 1], [], []>, transpose_lhs_hint = false} : vector<64x10000xf32>, vector<10000x256xf32>, vector<64x256xf32> -> vector<64x256xf32>
    %reduce_sum3A_59 = arith.constant dense<0.000000e+00> : vector<64xf32>
    %reduce_sum3A_60 = vector.multi_reduction <add>, %convert_element_type3A_57, %reduce_sum3A_59 [1] : vector<64x10000xf32> to vector<64xf32>
    %broadcast_in_dim3A_61 = vector.shape_cast %reduce_sum3A_60 : vector<64xf32> to vector<64x1xf32>
    %max3A_62 = arith.constant 1.000000e+00 : f32
    %max3A_63 = vector.broadcast %max3A_62 : f32 to vector<64x1xf32>
    %max3A_64 = arith.maximumf %broadcast_in_dim3A_61, %max3A_63 : vector<64x1xf32>
    %div3A_65 = vector.broadcast %max3A_64 : vector<64x1xf32> to vector<64x256xf32>
    %div3A_66 = arith.divf %dot_general3A_58, %div3A_65 : vector<64x256xf32>
    %get3A_67 = arith.constant 0 : index
    %get3A_68 = arith.constant 0 : index
    %get3A_69 = vector.load %arg7[%get3A_67, %get3A_68] : memref<256x128xf32, #tpu.memory_space<vmem>>, vector<256x128xf32>
    %dot_general3A_70 = arith.constant dense<0.000000e+00> : vector<64x128xf32>
    %dot_general3A_71 = tpu.matmul %div3A_66, %get3A_69, %dot_general3A_70 {dimension_numbers = #tpu.dot_dimension_numbers<[1], [0], [0], [1], [0, 0, 1, 1], [], []>, transpose_lhs_hint = false} : vector<64x256xf32>, vector<256x128xf32>, vector<64x128xf32> -> vector<64x128xf32>
    %get3A_72 = arith.constant 0 : index
    %get3A_73 = vector.load %arg8[%get3A_72] : memref<128xf32, #tpu.memory_space<vmem>>, vector<128xf32>
    %broadcast_in_dim3A_74 = vector.shape_cast %get3A_73 : vector<128xf32> to vector<1x128xf32>
    %add3A_75 = vector.broadcast %broadcast_in_dim3A_74 : vector<1x128xf32> to vector<64x128xf32>
    %add3A_76 = arith.addf %dot_general3A_71, %add3A_75 : vector<64x128xf32>
    %swap3A = arith.constant 0 : index
    %swap3A_77 = arith.constant 0 : index
    %swap3A_78 = vector.load %arg9[%swap3A, %swap3A_77] : memref<64x128xf32, #tpu.memory_space<vmem>>, vector<64x128xf32>
    tpu.vector_store %arg9[%swap3A, %swap3A_77], %add3A_76 {strides = array<i32>} : memref<64x128xf32, #tpu.memory_space<vmem>>, vector<64x128xf32>,
    return
  }
}

</mosaic_0001>

<sc_bundles>
// kernel: kernel.10.cloned.1.call-start
scs
__scs_entry_jumppad:
0x0: {  	(pc) =	sbr.rel $0x88, $3  }
0x1: {  	(tag) =	ssettag $0x0;
	lr =	simm.s32 $0x1  }
0x2: {  	[smem:$0x3F8D] =	sst lr;
	_ =	strace $0xD0000000  }
0x3: {  	_ = 	snop  }
0x4: {  	_ = 	snop  }
0x5: {  	_ = 	snop  }
0x6: {  	_ = 	snop  }
0x7: {  	_ = 	snop  }
__scs_overlays_trampoline_lowered:
0x8: {  	[smem:$0x3F9C] =	sst s0  }
0x9: {  	[smem:$0x3F9D] =	sst s1  }
0xa: {  	[smem:$0x3F9E] =	sst s2  }
0xb: {  	[smem:$0x3F9F] =	sst s3  }
0xc: {  	[smem:$0x3FA0] =	sst s4  }
0xd: {  	[smem:$0x3FA1] =	sst s5  }
0xe: {  	[smem:$0x3FA2] =	sst s6  }
0xf: {  	[smem:$0x3FA3] =	sst s7  }
0x10: {  	[smem:$0x3FA4] =	sst s8  }
0x11: {  	[smem:$0x3FA5] =	sst s9;
	s0 =	simm.s32 @!p0 $0x0  }
0x12: {  	s1 =	sld [smem:$0x3F8B];
	s0 =	simm.s32 @p0 $0x1  }
0x13: {  	[smem:$0x3FA6] =	sst s0;
	s0 =	simm.s32 @!p1 $0x0  }
0x14: {  	s2 =	sld [smem:$0x3F8A];
	s0 =	simm.s32 @p1 $0x1  }
0x15: {  	[smem:$0x3FA7] =	sst s0;
	s0 =	simm.s32 @!p2 $0x0  }
0x16: {  	s3 =	sld [smem:$0x3FDB];
	s0 =	simm.s32 @p2 $0x1  }
0x17: {  	s4 =	simm.s32 $0x1BF5;
	[smem:$0x3FA9] =	sst s0  }
0x18: {  	s0 =	sld [smem:$0x3F8C];
	_ =	swait.ge [sflag:s4], $0x0  }
0x19: {  	s7 =	sld [smem:$0x3F8D]  }
0x1a: {  	s8 =	sadd.s32 $0xFFFFE003, lr  }
0x1b: {  	s9 =	sadd.s32 $0xFFFFFEF7, lr;
	s5 =	simm.s32 $0xFFFFFFFF;
	p2 =	slt.u32 s8, $0xFFFFF086  }
0x1c: {  	p1 =	slt.u32 s9, $0xF7A;
	s5 =	simm.s32 @!p2 $0x0  }
0x1d: {  	s5 =	simm.s32 @p1 $0x1;
	p0 =	seq.s32 s7, s2  }
0x1e: {  	s7 =	smul.u32 @!p0 $0xF7A, s2;
	p2 =	seq.s32 @!p0 s5, $0x0  }
0x1f: {  	s9 =	smul.u32 $0xF7A, s1;
	s8 =	simm.s32 @!p0 $0x1BF5;
	p2 =	por !p2, p0  }
0x20: {  	[sflag:s8] =	ssyncset.s32 @!p0 $0xFFFFF086;
	s6 =	sadd.s32 @!p0 s3, s7;
	s7 =	simm.s32 @!p0 $0x108  }
0x21: {  	s3 =	sadd.s32 s3, s9;
	s6 =	sadd.s32 @!p0 $0x88, s6;
	s7 =	simm.s32 @p2 $0x1082  }
0x22: {  	[simem:s7], [sflag:s8] =	dma.local @!p0 [hbm:s6], $0xF7A  }
0x23: {  	s9 =	sor.u32 $0xD0000000, s2;
	s6 =	simm.s32 $0x108;
	_ =	swait.ge @!p0 [sflag:s8], $0x0  }
0x24: {  	s3 =	sadd.s32 $0x88, s3;
	s6 =	simm.s32 @!p1 $0x1082;
	[sflag:s4] =	ssyncset.s32 $0xFFFFF086  }
0x25: {  	[simem:s6], [sflag:s4] =	dma.local [hbm:s3], $0xF7A  }
0x26: {  	[smem:$0x3F8D] =	sst s1;
	(tag) =	ssettag s2;
	_ =	strace s9  }
0x27: {  	s1 =	sld [smem:$0x3F9D]  }
0x28: {  	s2 =	sld [smem:$0x3F9E]  }
0x29: {  	s4 =	sld [smem:$0x3FA0]  }
0x2a: {  	p0 =	seq.s32 s5, $0x0;
	s5 =	sld [smem:$0x3FA1]  }
0x2b: {  	s6 =	sld [smem:$0x3FA2]  }
0x2c: {  	s7 =	sld [smem:$0x3FA3]  }
0x2d: {  	s3 =	simm.s32 $0x108;
	s8 =	sld [smem:$0x3FA4]  }
0x2e: {  	s3 =	simm.s32 @!p0 $0x1082;
	s9 =	sld [smem:$0x3FA5]  }
0x2f: {  	lr =	sadd.s32 s0, s3;
	s0 =	sld [smem:$0x3F9C]  }
0x30: {  	s3 =	sld [smem:$0x3F9F]  }
0x31: {  	[smem:$0x3FA8] =	sst s10  }
0x32: {  	s10 =	sld [smem:$0x3FA6];
	_ =	sdelay $0x3  }
0x33: {  	p0 =	seq.s32 s10, $0x1;
	s10 =	sld [smem:$0x3FA8];
	_ =	sdelay $0x3  }
0x34: {  	[smem:$0x3FA8] =	sst s10  }
0x35: {  	s10 =	sld [smem:$0x3FA7];
	_ =	sdelay $0x3  }
0x36: {  	p1 =	seq.s32 s10, $0x1;
	s10 =	sld [smem:$0x3FA8];
	_ =	sdelay $0x3  }
0x37: {  	[smem:$0x3FA8] =	sst s10  }
0x38: {  	s10 =	sld [smem:$0x3FA9]  }
0x39: {  	_ = 	snop;
	(pc) =	sbr.ind lr, $3  }
0x3a: {  	_ = 	snop  }
0x3b: {  	_ = 	snop  }
0x3c: {  	p2 =	seq.s32 s10, $0x1;
	s10 =	sld [smem:$0x3FA8]  }
0x3d: {  	_ =	shalt  }
0x3e: {  	_ =	shalt  }
0x3f: {  	_ =	shalt  }
0x40: {  	_ =	shalt  }
0x41: {  	_ =	shalt  }
0x42: {  	_ =	shalt  }
0x43: {  	_ =	shalt  }
0x44: {  	_ =	shalt  }
0x45: {  	_ =	shalt  }
0x46: {  	_ =	shalt  }
0x47: {  	_ =	shalt  }
0x48: {  	_ =	shalt  }
0x49: {  	_ =	shalt  }
0x4a: {  	_ =	shalt  }
0x4b: {  	_ =	shalt  }
0x4c: {  	_ =	shalt  }
0x4d: {  	_ =	shalt  }
0x4e: {  	_ =	shalt  }
0x4f: {  	_ =	shalt  }
0x50: {  	_ =	shalt  }
0x51: {  	_ =	shalt  }
0x52: {  	_ =	shalt  }
0x53: {  	_ =	shalt  }
0x54: {  	_ =	shalt  }
0x55: {  	_ =	shalt  }
0x56: {  	_ =	shalt  }
0x57: {  	_ =	shalt  }
0x58: {  	_ =	shalt  }
0x59: {  	_ =	shalt  }
0x5a: {  	_ =	shalt  }
0x5b: {  	_ =	shalt  }
0x5c: {  	_ =	shalt  }
0x5d: {  	_ =	shalt  }
0x5e: {  	_ =	shalt  }
0x5f: {  	_ =	shalt  }
0x60: {  	_ =	shalt  }
0x61: {  	_ =	shalt  }
0x62: {  	_ =	shalt  }
0x63: {  	_ =	shalt  }
0x64: {  	_ =	shalt  }
0x65: {  	_ =	shalt  }
0x66: {  	_ =	shalt  }
0x67: {  	_ =	shalt  }
0x68: {  	_ =	shalt  }
0x69: {  	_ =	shalt  }
0x6a: {  	_ =	shalt  }
0x6b: {  	_ =	shalt  }
0x6c: {  	_ =	shalt  }
0x6d: {  	_ =	shalt  }
0x6e: {  	_ =	shalt  }
0x6f: {  	_ =	shalt  }
0x70: {  	_ =	shalt  }
0x71: {  	_ =	shalt  }
0x72: {  	_ =	shalt  }
0x73: {  	_ =	shalt  }
0x74: {  	_ =	shalt  }
0x75: {  	_ =	shalt  }
0x76: {  	_ =	shalt  }
0x77: {  	_ =	shalt  }
0x78: {  	_ =	shalt  }
0x79: {  	_ =	shalt  }
0x7a: {  	_ =	shalt  }
0x7b: {  	_ =	shalt  }
0x7c: {  	_ =	shalt  }
0x7d: {  	_ =	shalt  }
0x7e: {  	_ =	shalt  }
0x7f: {  	_ =	shalt  }
0x80: {  	_ =	shalt  }
0x81: {  	_ =	shalt  }
0x82: {  	_ =	shalt  }
0x83: {  	_ =	shalt  }
0x84: {  	_ =	shalt  }
0x85: {  	_ =	shalt  }
0x86: {  	_ =	shalt  }
0x87: {  	_ =	shalt  }
.Lfunc_end0:
.L_simem_size_0:
called_computation_lowered:
.L_overlay_start_0:
0x88: {  	s2 =	sld [smem:$0x3FD9]  }
0x89: {  	s3 =	sld [smem:$0x3FFE];
	_ =	sdelay $0x1  }
0x8a: {  	s1 =	srdreg.scid  }
0x8b: {  	s0 =	sand.u32 $0x1, s1  }
0x8c: {  	s17 =	sshll.u32 s0, $0xA;
	s2 =	sadd.s32 s3, s2  }
0x8d: {  	s2 =	sadd.s32 s2, s17  }
0x8e: {  	[smem:$0x3FB4] =	sst s2  }
0x8f: {  	_ = 	snop  }
0x90: {  	(tm) =	ssettm $0x1  }
0x91: {  	s18 =	sld [smem:$0x3FFB];
	_ =	sdelay $0x3  }
0x92: {  	_ =	strace s18  }
0x93: {  	s2 =	sld [smem:$0x3FFC];
	_ =	sdelay $0x3  }
0x94: {  	_ =	strace s2  }
0x95: {  	s2 =	sld [smem:$0x3FFD];
	_ =	sdelay $0x3  }
0x96: {  	_ =	strace s2  }
0x97: {  	_ =	strace $0x8FFFFFFF  }
0x98: {  	s19 =	sld [smem:$0x3FDB];
	_ =	sdelay $0x1  }
0x99: {  	s20 =	simm.s32 $_scs_section_size  }
0x9a: {  	s4 =	simm.s32 $_size__tile_overlayer_lowered;
	s5 =	simm.s32 $_tile_overlayer_lowered  }
0x9b: {  	s6 =	simm.s32 $0x1BFF;
	s21 =	sshll.u32 s5, $0x1;
	s3 =	sadd.s32 s20, s19  }
0x9c: {  	s22 =	simm.s32 $0x0;
	s4 =	sshll.u32 s4, $0x1;
	s5 =	sadd.s32 s21, s3  }
0x9d: {  	[timem:s22], [sflag:s6] =	dma.local [hbm:s5], s4  }
0x9e: {  	_ =	swait.ge [sflag:s6], s4  }
0x9f: {  	s4 =	ssub.s32 $0x0, s4;
	[sflag:s6] =	ssyncset.done $0x0  }
0xa0: {  	[sflag:s6] =	ssyncadd.s32 s4;
	_ =	sdelay $0x1  }
0xa1: {  	s23 =	simm.s32 $0x1B8B  }
0xa2: {  	_ =	swait.ge [sflag:s23], $0x1  }
0xa3: {  	[sflag:s23] =	ssyncset.done $0x0  }
0xa4: {  	[sflag:s23] =	ssyncadd.s32 $0xFFFFFFFF  }
0xa5: {  	s4 =	sld [smem:$0x0]  }
0xa6: {  	s5 =	sand.u32 $0xFFFFFFFE, s1  }
0xa7: {  	p0 =	sne.s32 s1, s5  }
0xa8: {  	s5 =	sshll.u32 @p0 s5, $0xE  }
0xa9: {  	s5 =	sadd.s32 @p0 $0x11B8D, s5;
	s6 =	sshll.u32 @p0 s4, $0x11  }
0xaa: {  	s5 =	sor.u32 @p0 s6, s5  }
0xab: {  	[sflag:s5] =	ssyncadd.remote.s32 @p0 $0x1;
	_ =	sdelay $0x1  }
0xac: {  	s5 =	simm.s32 @p0 $0x1B8D  }
0xad: {  	_ =	swait.eq @p0 [sflag:s5], $0x1  }
0xae: {  	[sflag:s5] =	ssyncadd.s32 @p0 $0xFFFFFFFF  }
0xaf: {  	s6 =	sshll.u32 @!p0 s1, $0xE  }
0xb0: {  	s6 =	sor.u32 @!p0 $0x4000, s6;
	s5 =	simm.s32 @!p0 $0x1B8D  }
0xb1: {  	s4 =	sshll.u32 @!p0 s4, $0x11;
	s6 =	sadd.s32 @!p0 $0x11B8D, s6;
	_ =	swait.eq @!p0 [sflag:s5], $0x1  }
0xb2: {  	s4 =	sor.u32 @!p0 s4, s6;
	[sflag:s5] =	ssyncadd.s32 @!p0 $0xFFFFFFFF  }
0xb3: {  	s25 =	simm.s32 $0x1B8E;
	s24 =	sld [smem:$0x3FFE];
	[sflag:s4] =	ssyncadd.remote.s32 @!p0 $0x1  }
0xb4: {  	s26 =	simm.s32 $execute0_lowered;
	[smem:$0x3FD2] =	sst s25  }
0xb5: {  	s5 =	sshll.u32 s26, $0x1;
	_ =	strace $0x80000049;
	[dreg:$0x1] =	wrdreg $0xFFFFFFFF  }
0xb6: {  	s28 =	simm.s32 $_size_execute0_lowered;
	s3 =	sadd.s32 s3, s5;
	[dreg:$0x0] =	wrdreg $0x0  }
0xb7: {  	s5 =	sshll.u32 s28, $0x1;
	[dreg:$0x2] =	wrdreg s3  }
0xb8: {  	[dreg:$0x3] =	wrdreg s5  }
0xb9: {  	[dreg:$0x4] =	wrdreg $0xC0  }
0xba: {  	_ =	task [dreg:s22], $0x5FFFF  }
0xbb: {  	[dreg:$0x1] =	wrdreg $0xFFFFFFFF  }
0xbc: {  	[dreg:$0x0] =	wrdreg $0x60  }
0xbd: {  	[dreg:$0x2] =	wrdreg s24  }
0xbe: {  	[dreg:$0x3] =	wrdreg $0x0  }
0xbf: {  	[dreg:$0x4] =	wrdreg $0x9  }
0xc0: {  	_ =	task.clear_ibuf [dreg:s22], $0x5FFFF;
	_ =	strace $0x90000049  }
0xc1: {  	s29 =	simm.s32 $0x9;
	_ =	strace $0x8000004B  }
0xc2: {  	_ =	swait.ge [sflag:s29], $0x1  }
0xc3: {  	[sflag:s29] =	ssyncadd.s32 $0xFFFFFFFF  }
0xc4: {  	_ =	strace $0x9000004B  }
0xc5: {  	_ =	sfence  }
0xc6: {  	s30 =	sld [smem:$0x0];
	_ =	sdelay $0x2  }
0xc7: {  	s31 =	sshll.u32 s1, $0xD;
	s1 =	sshrl.u32 s1, $0x2  }
0xc8: {  	s4 =	sand.u32 $0x4000, s31;
	s1 =	sadd.s32 s1, s30  }
0xc9: {  	s0 =	sor.u32 s4, s0;
	s1 =	sshll.u32 s1, $0x11  }
0xca: {  	s0 =	sor.u32 s1, s0  }
0xcb: {  	s0 =	sadd.s32 $0x8F2B, s0  }
0xcc: {  	[sflag:s0] =	ssyncadd.remote.s32 $0x1  }
0xcd: {  	_ =	sfence.sel $0xFFFF  }
0xce: {  	[dreg:$0x0] =	wrdreg $0xFFFFFFFF;
	(pc) =	sbr.abs _section_cstart, $3  }
0xcf: {  	[dreg:$0x1] =	wrdreg $0xFFFFFFFF  }
0xd0: {  	_ =	task.clear_ibuf [dreg:s22], $0x2FFFF;
	_ =	strace $0x9FFFFFFF  }
0xd1: {  	(tm) =	ssettm $0x7FFFFFFF  }
tec
execute0_lowered:
.L_overlay_start_1:
0x0: {  	(tag) =	ssettag $0x1  }
0x1: {  	s5 =	rddreg [dreg:$0x0]  }
0x2: {  	s0 =	srdreg.scid;
	s2 =	rddreg [dreg:$0x1];
	s3 =	simm.s32 $0x0  }
0x3: {  	s13 =	simm.s32 $0x13C00;
	s4 =	sand.u32 $0x1, s0;
	s0 =	stileid.u32  }
0x4: {  	s14 =	simm.s32 $0x80;
	s15 =	simm.s32 $0x0;
	s7 =	smul.u32 $0x2780, s0  }
0x5: {  	[smem:$0x7FF] =	sst s3;
	s1 =	sshll.u32 s4, $0x4;
	s8 =	smul.u32 $0x27800, s4  }
0x6: {  	s28 =	ssub.s32 $0x2, s4;
	s10 =	smul.u32 $0x4F000, s0;
	s4 =	sadd.s32 $0x122800, s5  }
0x7: {  	s31 =	sshll.u32 s0, $0x6;
	s1 =	sor.u32 s0, s1;
	s29 =	sshrl.u32 s28, $0x1  }
0x8: {  	s6 =	smul.u32 $0x280, s1;
	s1 =	rddreg [dreg:$0x2];
	_ =	strace $0x8000004A  }
0x9: {  	s26 =	sadd.s32 s7, s5;
	s7 =	sadd.s32 s7, s8;
	s30 =	sshrl.u32 s10, $0x2  }
0xa: {  	s12 =	ssub.s32 s28, s29;
	s11 =	sadd.s32 s7, s5;
	s10 =	sadd.s32 s30, s2  }
0xb: {  	s9 =	sadd.s32 s6, s5;
	s5 =	sadd.s32 $0xAC000, s26;
	s6 =	sor.u32 $0x1C01, s31  }
0xc: {  	s8 =	sadd.s32 $0x123000, s11;
	s10 =	sshrl.u32 s10, $0x3;
	s11 =	simm.s32 $0x1  }
0xd: {  	s7 =	sadd.s32 $0xAC00, s9;
	s9 =	smax.u32 s12, $0x1;
	s12 =	simm.s32 $0x15000  }
.LBB2_1:
0xe: {  	[spmem:s10], [sflag:s6] =	dma.local [hbm:s5], $0x2780  }
0xf: {  	_ =	swait.ge [sflag:s11], $0x2780  }
0x10: {  	[sflag:s11] =	ssyncset.done $0x0  }
0x11: {  	[sflag:s11] =	ssyncadd.s32 $0xFFFFD880  }
0x12: {  	[tilespmem:s12], [sflag:$0x1] =	stream.linear.gather [hbm4b:s4+s3], $0x4000, $0x38;
	[tilespmem:$0x19000] =	vst v63  }
0x13: {  	_ =	swait.ge [sflag:s11], $0x4000  }
0x14: {  	[sflag:s11] =	ssyncset.done $0x0  }
0x15: {  	[sflag:s11] =	ssyncadd.s32 $0xFFFFC000  }
0x16: {  	[tilespmem:s13], [sflag:$0x1] =	stream.linear.gather [hbm4b:s7+s3], $0x1400, $0x38;
	[tilespmem:$0x19000] =	vst v63  }
0x17: {  	_ =	swait.ge [sflag:s11], $0x1400  }
0x18: {  	[sflag:s11] =	ssyncset.done $0x0  }
0x19: {  	[sflag:s11] =	ssyncadd.s32 $0xFFFFEC00  }
0x1a: {  	s16 =	simm.s32 $0x13C00;
	[bflag:$0x0] =	sbarrier.arrive $0xFFFF  }
0x1b: {  	[spmem:s2] =	stream.indirect.scatter.add.f32 [tilespmem:s12], [sflag:$0x1], $0x80, s16, s14, $0xb8;
	[tilespmem:$0x19000] =	vst v63  }
0x1c: {  	s16 =	simm.s32 $0x200;
	_ =	swait.ge [sflag:s11], $0x4000  }
.LBB2_2:
0x1d: {  	s17 =	sshra.s32 s16, $0x2;
	[sflag:s11] =	ssyncset.done $0x0;
	p0 =	sne.s32 s16, $0x4E00  }
.Ltmp0:
0x1e: {  	s17 =	sadd.s32 $0x13C00, s17;
	[sflag:s11] =	ssyncadd.s32 $0xFFFFC000;
	(pc) =	sbr.rel @p0 .LBB2_2-.Ltmp0, $3  }
0x1f: {  	[spmem:s2] =	stream.indirect.scatter.add.f32 [tilespmem:s12], [sflag:$0x1], $0x80, s17, s14, $0xb8;
	[tilespmem:$0x19000] =	vst v63  }
0x20: {  	s16 =	sadd.s32 $0x200, s16;
	_ =	sdelay $0x1  }
0x21: {  	_ =	swait.ge [sflag:s11], $0x4000  }
0x22: {  	[sflag:s11] =	ssyncset.done $0x0;
	s15 =	sadd.s32 $0x1, s15  }
0x23: {  	[sflag:s11] =	ssyncadd.s32 $0xFFFFC000;
	p0 =	sne.s32 s15, s9  }
.Ltmp1:
0x24: {  	[bflag:$0x0] =	sbarrier.arrive $0xFFFF;
	(pc) =	sbr.rel @p0 .LBB2_1-.Ltmp1, $4  }
0x25: {  	[hbm:s8], [sflag:s6] =	dma.local [spmem:s10], $0x2780  }
0x26: {  	_ =	swait.ge [sflag:s11], $0x2780  }
0x27: {  	[sflag:s11] =	ssyncset.done $0x0  }
0x28: {  	[sflag:s11] =	ssyncadd.s32 $0xFFFFD880  }
0x29: {  	_ =	sfence.sel $0x180000  }
0x2a: {  	[bflag:$0x0] =	sbarrier.arrive $0xFFFF  }
0x2b: {  	p0 =	sne.s32 s0, $0x0;
	_ =	strace $0x9000004A  }
0x2c: {  	s0 =	sadd.s32 @!p0 $0x100000, s1;
	[bflag:$0x2] =	sbarrier.arrive $0xFFFF  }
0x2d: {  	[sflag:s0] =	ssyncadd.tile.s32 @!p0 $0x1;
	_ =	shalt  }
.Lfunc_end2:
_tile_overlayer_lowered:
.L_overlay_start_2:
0x2e: {  	(tag) =	ssettag $0x2  }
0x2f: {  	s0 =	rddreg [dreg:$0x0];
	s2 =	stileid.u32  }
0x30: {  	s1 =	rddreg [dreg:$0x1];
	p0 =	sne.s32 s2, $0x0  }
0x31: {  	s3 =	rddreg [dreg:$0x2];
	[bflag:$0x3] =	sbarrier.arrive $0xFFFF;
	s2 =	simm.s32 @!p0 $0x1C01  }
0x32: {  	[timem:s3], [sflag:s2] =	dma.local @!p0 [hbm:s0], s1  }
0x33: {  	s0 =	simm.s32 @!p0 $0x1  }
0x34: {  	_ =	swait.ge @!p0 [sflag:s0], s1  }
0x35: {  	s1 =	ssub.s32 @!p0 $0x0, s1;
	[sflag:s0] =	ssyncset.done @!p0 $0x0  }
0x36: {  	[sflag:s0] =	ssyncadd.s32 @!p0 s1  }
0x37: {  	[bflag:$0x3] =	sbarrier.arrive $0xFFFF  }
0x38: {  	_ =	shalt  }

// kernel: kernel.13.cloned.1.call-start
scs
__scs_entry_jumppad:
0x0: {  	(pc) =	sbr.rel $0x88, $3  }
0x1: {  	(tag) =	ssettag $0x0;
	lr =	simm.s32 $0x1  }
0x2: {  	[smem:$0x3F8D] =	sst lr;
	_ =	strace $0xD0000000  }
0x3: {  	_ = 	snop  }
0x4: {  	_ = 	snop  }
0x5: {  	_ = 	snop  }
0x6: {  	_ = 	snop  }
0x7: {  	_ = 	snop  }
__scs_overlays_trampoline_lowered:
0x8: {  	[smem:$0x3F9C] =	sst s0  }
0x9: {  	[smem:$0x3F9D] =	sst s1  }
0xa: {  	[smem:$0x3F9E] =	sst s2  }
0xb: {  	[smem:$0x3F9F] =	sst s3  }
0xc: {  	[smem:$0x3FA0] =	sst s4  }
0xd: {  	[smem:$0x3FA1] =	sst s5  }
0xe: {  	[smem:$0x3FA2] =	sst s6  }
0xf: {  	[smem:$0x3FA3] =	sst s7  }
0x10: {  	[smem:$0x3FA4] =	sst s8  }
0x11: {  	[smem:$0x3FA5] =	sst s9;
	s0 =	simm.s32 @!p0 $0x0  }
0x12: {  	s1 =	sld [smem:$0x3F8B];
	s0 =	simm.s32 @p0 $0x1  }
0x13: {  	[smem:$0x3FA6] =	sst s0;
	s0 =	simm.s32 @!p1 $0x0  }
0x14: {  	s2 =	sld [smem:$0x3F8A];
	s0 =	simm.s32 @p1 $0x1  }
0x15: {  	[smem:$0x3FA7] =	sst s0;
	s0 =	simm.s32 @!p2 $0x0  }
0x16: {  	s3 =	sld [smem:$0x3FDB];
	s0 =	simm.s32 @p2 $0x1  }
0x17: {  	s4 =	simm.s32 $0x1BF5;
	[smem:$0x3FA9] =	sst s0  }
0x18: {  	s0 =	sld [smem:$0x3F8C];
	_ =	swait.ge [sflag:s4], $0x0  }
0x19: {  	s7 =	sld [smem:$0x3F8D]  }
0x1a: {  	s8 =	sadd.s32 $0xFFFFE003, lr  }
0x1b: {  	s9 =	sadd.s32 $0xFFFFFEF7, lr;
	s5 =	simm.s32 $0xFFFFFFFF;
	p2 =	slt.u32 s8, $0xFFFFF086  }
0x1c: {  	p1 =	slt.u32 s9, $0xF7A;
	s5 =	simm.s32 @!p2 $0x0  }
0x1d: {  	s5 =	simm.s32 @p1 $0x1;
	p0 =	seq.s32 s7, s2  }
0x1e: {  	s7 =	smul.u32 @!p0 $0xF7A, s2;
	p2 =	seq.s32 @!p0 s5, $0x0  }
0x1f: {  	s9 =	smul.u32 $0xF7A, s1;
	s8 =	simm.s32 @!p0 $0x1BF5;
	p2 =	por !p2, p0  }
0x20: {  	[sflag:s8] =	ssyncset.s32 @!p0 $0xFFFFF086;
	s6 =	sadd.s32 @!p0 s3, s7;
	s7 =	simm.s32 @!p0 $0x108  }
0x21: {  	s3 =	sadd.s32 s3, s9;
	s6 =	sadd.s32 @!p0 $0x88, s6;
	s7 =	simm.s32 @p2 $0x1082  }
0x22: {  	[simem:s7], [sflag:s8] =	dma.local @!p0 [hbm:s6], $0xF7A  }
0x23: {  	s9 =	sor.u32 $0xD0000000, s2;
	s6 =	simm.s32 $0x108;
	_ =	swait.ge @!p0 [sflag:s8], $0x0  }
0x24: {  	s3 =	sadd.s32 $0x88, s3;
	s6 =	simm.s32 @!p1 $0x1082;
	[sflag:s4] =	ssyncset.s32 $0xFFFFF086  }
0x25: {  	[simem:s6], [sflag:s4] =	dma.local [hbm:s3], $0xF7A  }
0x26: {  	[smem:$0x3F8D] =	sst s1;
	(tag) =	ssettag s2;
	_ =	strace s9  }
0x27: {  	s1 =	sld [smem:$0x3F9D]  }
0x28: {  	s2 =	sld [smem:$0x3F9E]  }
0x29: {  	s4 =	sld [smem:$0x3FA0]  }
0x2a: {  	p0 =	seq.s32 s5, $0x0;
	s5 =	sld [smem:$0x3FA1]  }
0x2b: {  	s6 =	sld [smem:$0x3FA2]  }
0x2c: {  	s7 =	sld [smem:$0x3FA3]  }
0x2d: {  	s3 =	simm.s32 $0x108;
	s8 =	sld [smem:$0x3FA4]  }
0x2e: {  	s3 =	simm.s32 @!p0 $0x1082;
	s9 =	sld [smem:$0x3FA5]  }
0x2f: {  	lr =	sadd.s32 s0, s3;
	s0 =	sld [smem:$0x3F9C]  }
0x30: {  	s3 =	sld [smem:$0x3F9F]  }
0x31: {  	[smem:$0x3FA8] =	sst s10  }
0x32: {  	s10 =	sld [smem:$0x3FA6];
	_ =	sdelay $0x3  }
0x33: {  	p0 =	seq.s32 s10, $0x1;
	s10 =	sld [smem:$0x3FA8];
	_ =	sdelay $0x3  }
0x34: {  	[smem:$0x3FA8] =	sst s10  }
0x35: {  	s10 =	sld [smem:$0x3FA7];
	_ =	sdelay $0x3  }
0x36: {  	p1 =	seq.s32 s10, $0x1;
	s10 =	sld [smem:$0x3FA8];
	_ =	sdelay $0x3  }
0x37: {  	[smem:$0x3FA8] =	sst s10  }
0x38: {  	s10 =	sld [smem:$0x3FA9]  }
0x39: {  	_ = 	snop;
	(pc) =	sbr.ind lr, $3  }
0x3a: {  	_ = 	snop  }
0x3b: {  	_ = 	snop  }
0x3c: {  	p2 =	seq.s32 s10, $0x1;
	s10 =	sld [smem:$0x3FA8]  }
0x3d: {  	_ =	shalt  }
0x3e: {  	_ =	shalt  }
0x3f: {  	_ =	shalt  }
0x40: {  	_ =	shalt  }
0x41: {  	_ =	shalt  }
0x42: {  	_ =	shalt  }
0x43: {  	_ =	shalt  }
0x44: {  	_ =	shalt  }
0x45: {  	_ =	shalt  }
0x46: {  	_ =	shalt  }
0x47: {  	_ =	shalt  }
0x48: {  	_ =	shalt  }
0x49: {  	_ =	shalt  }
0x4a: {  	_ =	shalt  }
0x4b: {  	_ =	shalt  }
0x4c: {  	_ =	shalt  }
0x4d: {  	_ =	shalt  }
0x4e: {  	_ =	shalt  }
0x4f: {  	_ =	shalt  }
0x50: {  	_ =	shalt  }
0x51: {  	_ =	shalt  }
0x52: {  	_ =	shalt  }
0x53: {  	_ =	shalt  }
0x54: {  	_ =	shalt  }
0x55: {  	_ =	shalt  }
0x56: {  	_ =	shalt  }
0x57: {  	_ =	shalt  }
0x58: {  	_ =	shalt  }
0x59: {  	_ =	shalt  }
0x5a: {  	_ =	shalt  }
0x5b: {  	_ =	shalt  }
0x5c: {  	_ =	shalt  }
0x5d: {  	_ =	shalt  }
0x5e: {  	_ =	shalt  }
0x5f: {  	_ =	shalt  }
0x60: {  	_ =	shalt  }
0x61: {  	_ =	shalt  }
0x62: {  	_ =	shalt  }
0x63: {  	_ =	shalt  }
0x64: {  	_ =	shalt  }
0x65: {  	_ =	shalt  }
0x66: {  	_ =	shalt  }
0x67: {  	_ =	shalt  }
0x68: {  	_ =	shalt  }
0x69: {  	_ =	shalt  }
0x6a: {  	_ =	shalt  }
0x6b: {  	_ =	shalt  }
0x6c: {  	_ =	shalt  }
0x6d: {  	_ =	shalt  }
0x6e: {  	_ =	shalt  }
0x6f: {  	_ =	shalt  }
0x70: {  	_ =	shalt  }
0x71: {  	_ =	shalt  }
0x72: {  	_ =	shalt  }
0x73: {  	_ =	shalt  }
0x74: {  	_ =	shalt  }
0x75: {  	_ =	shalt  }
0x76: {  	_ =	shalt  }
0x77: {  	_ =	shalt  }
0x78: {  	_ =	shalt  }
0x79: {  	_ =	shalt  }
0x7a: {  	_ =	shalt  }
0x7b: {  	_ =	shalt  }
0x7c: {  	_ =	shalt  }
0x7d: {  	_ =	shalt  }
0x7e: {  	_ =	shalt  }
0x7f: {  	_ =	shalt  }
0x80: {  	_ =	shalt  }
0x81: {  	_ =	shalt  }
0x82: {  	_ =	shalt  }
0x83: {  	_ =	shalt  }
0x84: {  	_ =	shalt  }
0x85: {  	_ =	shalt  }
0x86: {  	_ =	shalt  }
0x87: {  	_ =	shalt  }
.Lfunc_end0:
.L_simem_size_0:
called_computation.1_lowered:
.L_overlay_start_0:
0x88: {  	s2 =	sld [smem:$0x3FD9]  }
0x89: {  	s3 =	sld [smem:$0x3FFE];
	_ =	sdelay $0x1  }
0x8a: {  	s1 =	srdreg.scid  }
0x8b: {  	s0 =	sand.u32 $0x1, s1  }
0x8c: {  	s16 =	sshll.u32 s0, $0xA;
	s2 =	sadd.s32 s3, s2  }
0x8d: {  	s2 =	sadd.s32 s2, s16  }
0x8e: {  	[smem:$0x3FB4] =	sst s2  }
0x8f: {  	_ = 	snop  }
0x90: {  	(tm) =	ssettm $0x1  }
0x91: {  	s17 =	sld [smem:$0x3FFB];
	_ =	sdelay $0x3  }
0x92: {  	_ =	strace s17  }
0x93: {  	s2 =	sld [smem:$0x3FFC];
	_ =	sdelay $0x3  }
0x94: {  	_ =	strace s2  }
0x95: {  	s2 =	sld [smem:$0x3FFD];
	_ =	sdelay $0x3  }
0x96: {  	_ =	strace s2  }
0x97: {  	_ =	strace $0x8FFFFFFF  }
0x98: {  	s18 =	sld [smem:$0x3FDB];
	_ =	sdelay $0x1  }
0x99: {  	s19 =	simm.s32 $_scs_section_size  }
0x9a: {  	s4 =	simm.s32 $_size__tile_overlayer_lowered;
	s5 =	simm.s32 $_tile_overlayer_lowered  }
0x9b: {  	s22 =	simm.s32 $0x1BFF;
	s21 =	sshll.u32 s5, $0x1;
	s2 =	sadd.s32 s19, s18  }
0x9c: {  	s6 =	simm.s32 $0x0;
	s20 =	sshll.u32 s4, $0x1;
	s4 =	sadd.s32 s21, s2  }
0x9d: {  	[timem:s6], [sflag:s22] =	dma.local [hbm:s4], s20  }
0x9e: {  	_ =	swait.ge [sflag:s22], s20  }
0x9f: {  	s3 =	ssub.s32 $0x0, s20;
	[sflag:s22] =	ssyncset.done $0x0  }
0xa0: {  	[sflag:s22] =	ssyncadd.s32 s3;
	_ =	sdelay $0x1  }
0xa1: {  	s23 =	simm.s32 $0x1B8B  }
0xa2: {  	_ =	swait.ge [sflag:s23], $0x1  }
0xa3: {  	[sflag:s23] =	ssyncset.done $0x0  }
0xa4: {  	s25 =	simm.s32 $0x1B8E;
	s24 =	sld [smem:$0x3FFE];
	[sflag:s23] =	ssyncadd.s32 $0xFFFFFFFF  }
0xa5: {  	s26 =	simm.s32 $execute0_lowered;
	[smem:$0x3FD2] =	sst s25  }
0xa6: {  	s4 =	sshll.u32 s26, $0x1;
	_ =	strace $0x80000046;
	[dreg:$0x1] =	wrdreg $0xFFFFFFFF  }
0xa7: {  	s28 =	simm.s32 $_size_execute0_lowered;
	s2 =	sadd.s32 s2, s4;
	[dreg:$0x0] =	wrdreg $0x0  }
0xa8: {  	s4 =	sshll.u32 s28, $0x1;
	[dreg:$0x2] =	wrdreg s2  }
0xa9: {  	[dreg:$0x3] =	wrdreg s4  }
0xaa: {  	[dreg:$0x4] =	wrdreg $0xC0  }
0xab: {  	_ =	task [dreg:s6], $0x5FFFF  }
0xac: {  	[dreg:$0x1] =	wrdreg $0xFFFFFFFF  }
0xad: {  	[dreg:$0x0] =	wrdreg $0x60  }
0xae: {  	[dreg:$0x2] =	wrdreg s24  }
0xaf: {  	[dreg:$0x3] =	wrdreg $0x0  }
0xb0: {  	[dreg:$0x4] =	wrdreg $0xA  }
0xb1: {  	_ =	task.clear_ibuf [dreg:s6], $0x5FFFF;
	_ =	strace $0x90000046  }
0xb2: {  	s29 =	simm.s32 $0xA;
	_ =	strace $0x80000048  }
0xb3: {  	_ =	swait.ge [sflag:s29], $0x1  }
0xb4: {  	[sflag:s29] =	ssyncadd.s32 $0xFFFFFFFF  }
0xb5: {  	_ =	strace $0x90000048  }
0xb6: {  	_ =	sfence  }
0xb7: {  	s30 =	sld [smem:$0x0];
	_ =	sdelay $0x2  }
0xb8: {  	s31 =	sshll.u32 s1, $0xD;
	s1 =	sshrl.u32 s1, $0x2  }
0xb9: {  	s3 =	sand.u32 $0x4000, s31;
	s1 =	sadd.s32 s1, s30  }
0xba: {  	s0 =	sor.u32 s3, s0;
	s1 =	sshll.u32 s1, $0x11  }
0xbb: {  	s0 =	sor.u32 s1, s0  }
0xbc: {  	s0 =	sadd.s32 $0x8F2B, s0  }
0xbd: {  	[sflag:s0] =	ssyncadd.remote.s32 $0x1  }
0xbe: {  	_ =	sfence.sel $0xFFFF  }
0xbf: {  	[dreg:$0x0] =	wrdreg $0xFFFFFFFF;
	(pc) =	sbr.abs _section_cstart, $3  }
0xc0: {  	[dreg:$0x1] =	wrdreg $0xFFFFFFFF  }
0xc1: {  	_ =	task.clear_ibuf [dreg:s6], $0x2FFFF;
	_ =	strace $0x9FFFFFFF  }
0xc2: {  	(tm) =	ssettm $0x7FFFFFFF  }
0xc3: {  	_ =	shalt  }
tec
execute0_lowered:
.L_overlay_start_1:
0x0: {  	(tag) =	ssettag $0x1  }
0x1: {  	s0 =	rddreg [dreg:$0x0]  }
0x2: {  	s2 =	rddreg [dreg:$0x1];
	s16 =	stileid.u32  }
0x3: {  	s4 =	simm.s32 $0x0;
	s3 =	srdreg.scid;
	s18 =	simm.s32 $0x80  }
0x4: {  	s19 =	simm.s32 $0x400;
	s20 =	simm.s32 $0x16400;
	s21 =	simm.s32 $0x16500  }
0x5: {  	s22 =	simm.s32 $0x16600;
	s23 =	simm.s32 $0x16480;
	s1 =	smul.u32 $0x500, s16  }
0x6: {  	s24 =	simm.s32 $0x1A600;
	s28 =	simm.s32 $0x16580;
	s6 =	smul.u32 $0x2780, s16  }
0x7: {  	[smem:$0x7FF] =	sst s4;
	s3 =	sand.u32 $0x1, s3;
	s10 =	smul.u32 $0x4F000, s16  }
0x8: {  	s4 =	sadd.s32 $0xFC00, s0;
	s5 =	sadd.s32 $0xC00, s0;
	s7 =	smul.u32 $0x27800, s3  }
0x9: {  	s30 =	sshll.u32 s16, $0x6;
	_ =	strace $0x80000047;
	s14 =	smul.u32 $0x2800, s3  }
0xa: {  	s25 =	sshll.u32 s3, $0x4;
	s26 =	ssub.s32 $0x2, s3;
	s3 =	smul.u32 $0x5000, s3  }
0xb: {  	s9 =	sadd.s32 s1, s0;
	s8 =	sadd.s32 s6, s0;
	s11 =	sshrl.u32 s26, $0x1  }
0xc: {  	s10 =	sshrl.u32 s10, $0x2;
	s6 =	sadd.s32 s6, s7;
	s7 =	sor.u32 s16, s25  }
0xd: {  	s13 =	ssub.s32 s26, s11;
	s15 =	sadd.s32 s10, s2;
	s29 =	sadd.s32 $0xAC000, s8  }
0xe: {  	s16 =	smul.u32 $0x280, s16;
	s31 =	sadd.s32 $0xAC00, s9;
	s25 =	simm.s32 $0x1  }
0xf: {  	s26 =	simm.s32 $0x2;
	s12 =	smul.u32 $0x500, s7;
	[dreg:$0x3] =	wrdreg s29  }
0x10: {  	s0 =	sadd.s32 s6, s0;
	s7 =	sor.u32 $0x1C03, s30;
	[dreg:$0x4] =	wrdreg s31  }
0x11: {  	s15 =	sshrl.u32 s15, $0x3;
	s11 =	sadd.s32 $0xD3800, s0;
	s8 =	sadd.s32 s5, s12  }
0x12: {  	s12 =	smax.u32 s13, $0x1;
	s13 =	sadd.s32 s16, s14;
	s14 =	sadd.s32 s1, s3  }
0x13: {  	s16 =	simm.s32 $0x3;
	s1 =	simm.s32 $0x0;
	s10 =	sadd.s32 $0x10, s8  }
.LBB2_1:
0x14: {  	s0 =	rddreg [dreg:$0x3]  }
0x15: {  	[spmem:s15], [sflag:s7] =	dma.local [hbm:s0], $0x2780  }
0x16: {  	_ =	swait.ge [sflag:s16], $0x2780  }
0x17: {  	s30 =	simm.s32 $0x0;
	[sflag:s16] =	ssyncset.done $0x0  }
0x18: {  	s6 =	simm.s32 $0x13C00;
	s3 =	rddreg [dreg:$0x4];
	[sflag:s16] =	ssyncadd.s32 $0xFFFFD880  }
0x19: {  	[tilespmem:s6], [sflag:$0x3] =	stream.linear.gather [hbm4b:s3+s30], $0x2800, $0x38;
	[tilespmem:$0x1E600] =	vst v63  }
0x1a: {  	_ =	swait.ge [sflag:s16], $0x2800  }
0x1b: {  	[sflag:s16] =	ssyncset.done $0x0  }
0x1c: {  	[sflag:s16] =	ssyncadd.s32 $0xFFFFD800  }
0x1d: {  	[bflag:$0x0] =	sbarrier.arrive $0xFFFF  }
0x1e: {  	[tilespmem:s20], [sflag:$0x3] =	stream.strided.gather [hbm4b:s8+s18], $0x100, s19, s18, $0x38;
	[tilespmem:$0x1E600] =	vst v63  }
0x1f: {  	_ =	swait.ge [sflag:s16], $0x100  }
0x20: {  	[sflag:s16] =	ssyncset.done $0x0  }
0x21: {  	[sflag:s16] =	ssyncadd.s32 $0xFFFFFF00  }
0x22: {  	[tilespmem:s21], [sflag:$0x3] =	stream.strided.gather [hbm4b:s10+s18], $0x100, s19, s18, $0x38;
	[tilespmem:$0x1E600] =	vst v63  }
0x23: {  	_ =	swait.ge [sflag:s16], $0x100  }
0x24: {  	[sflag:s16] =	ssyncset.done $0x0  }
0x25: {  	[sflag:s16] =	ssyncadd.s32 $0xFFFFFF00  }
0x26: {  	[tilespmem:s22], [sflag:$0x1] =	stream.indirect.gather [hbm4b:s4+s18], $0x80, s20, s18, $0xb8;
	[tilespmem:$0x1E600] =	vst v63  }
0x27: {  	_ = 	snop  }
0x28: {  	[tilespmem:s24], [sflag:$0x2] =	stream.indirect.gather [hbm4b:s4+s18], $0x80, s23, s18, $0xb8;
	[tilespmem:$0x1E600] =	vst v63  }
0x29: {  	_ =	swait.ge [sflag:s25], $0x4000  }
0x2a: {  	[sflag:s25] =	ssyncset.done $0x0  }
0x2b: {  	s31 =	simm.s32 $0x13C00;
	[sflag:s25] =	ssyncadd.s32 $0xFFFFC000  }
0x2c: {  	[spmem:s2] =	stream.indirect.scatter.add.f32 [tilespmem:s22], [sflag:$0x3], $0x80, s31, s18, $0xb8;
	[tilespmem:$0x1E600] =	vst v63  }
0x2d: {  	_ =	swait.ge [sflag:s16], $0x4000  }
0x2e: {  	[sflag:s16] =	ssyncset.done $0x0  }
0x2f: {  	[sflag:s16] =	ssyncadd.s32 $0xFFFFC000  }
0x30: {  	[tilespmem:s22], [sflag:$0x1] =	stream.indirect.gather [hbm4b:s4+s18], $0x80, s21, s18, $0xb8;
	[tilespmem:$0x1E600] =	vst v63  }
0x31: {  	_ =	swait.ge [sflag:s26], $0x4000  }
0x32: {  	[sflag:s26] =	ssyncset.done $0x0  }
0x33: {  	s3 =	simm.s32 $0x13C80;
	[sflag:s26] =	ssyncadd.s32 $0xFFFFC000  }
0x34: {  	[spmem:s2] =	stream.indirect.scatter.add.f32 [tilespmem:s24], [sflag:$0x3], $0x80, s3, s18, $0xb8;
	[tilespmem:$0x1E600] =	vst v63  }
0x35: {  	s3 =	sadd.s32 $0x20, s13;
	_ =	swait.ge [sflag:s16], $0x4000  }
0x36: {  	s17 =	sadd.s32 $0x40, s14;
	s6 =	sand.u32 $0x60, s3;
	[sflag:s16] =	ssyncset.done $0x0  }
0x37: {  	s29 =	sand.u32 $0xFFFFF00, s17;
	s0 =	sadd.s32 s5, s6;
	[sflag:s16] =	ssyncadd.s32 $0xFFFFC000  }
0x38: {  	[tilespmem:s24], [sflag:$0x2] =	stream.indirect.gather [hbm4b:s4+s18], $0x80, s28, s18, $0xb8;
	[tilespmem:$0x1E600] =	vst v63  }
0x39: {  	s0 =	sadd.s32 s29, s0  }
0x3a: {  	[tilespmem:s20], [sflag:$0x3] =	stream.strided.gather [hbm4b:s0+s18], $0x100, s19, s18, $0x38;
	[tilespmem:$0x1E600] =	vst v63  }
0x3b: {  	_ =	swait.ge [sflag:s16], $0x100  }
0x3c: {  	[sflag:s16] =	ssyncset.done $0x0  }
0x3d: {  	[sflag:s16] =	ssyncadd.s32 $0xFFFFFF00  }
0x3e: {  	_ =	swait.ge [sflag:s25], $0x4000  }
0x3f: {  	[sflag:s25] =	ssyncset.done $0x0  }
0x40: {  	s9 =	simm.s32 $0x13D00;
	[sflag:s25] =	ssyncadd.s32 $0xFFFFC000  }
0x41: {  	[spmem:s2] =	stream.indirect.scatter.add.f32 [tilespmem:s22], [sflag:$0x3], $0x80, s9, s18, $0xb8;
	[tilespmem:$0x1E600] =	vst v63  }
0x42: {  	_ =	swait.ge [sflag:s16], $0x4000  }
0x43: {  	[sflag:s16] =	ssyncset.done $0x0  }
0x44: {  	[sflag:s16] =	ssyncadd.s32 $0xFFFFC000  }
0x45: {  	[tilespmem:s22], [sflag:$0x1] =	stream.indirect.gather [hbm4b:s4+s18], $0x80, s20, s18, $0xb8;
	[tilespmem:$0x1E600] =	vst v63  }
0x46: {  	_ =	swait.ge [sflag:s26], $0x4000  }
0x47: {  	[sflag:s26] =	ssyncset.done $0x0  }
0x48: {  	s30 =	simm.s32 $0x13D80;
	s31 =	sadd.s32 $0x30, s13;
	[sflag:s26] =	ssyncadd.s32 $0xFFFFC000  }
0x49: {  	[spmem:s2] =	stream.indirect.scatter.add.f32 [tilespmem:s24], [sflag:$0x3], $0x80, s30, s18, $0xb8;
	[tilespmem:$0x1E600] =	vst v63  }
0x4a: {  	s29 =	sadd.s32 $0x60, s14;
	s0 =	sand.u32 $0x70, s31;
	_ =	swait.ge [sflag:s16], $0x4000  }
0x4b: {  	s29 =	sand.u32 $0xFFFFF00, s29;
	s0 =	sadd.s32 s5, s0;
	[sflag:s16] =	ssyncset.done $0x0  }
0x4c: {  	s0 =	sadd.s32 s29, s0;
	s29 =	simm.s32 $0x800;
	[sflag:s16] =	ssyncadd.s32 $0xFFFFC000  }
0x4d: {  	[tilespmem:s24], [sflag:$0x2] =	stream.indirect.gather [hbm4b:s4+s18], $0x80, s23, s18, $0xb8;
	[tilespmem:$0x1E600] =	vst v63  }
.LBB2_2:
0x4e: {  	p0 =	sne.s32 s29, $0x9000;
	s31 =	smov.u32 s29;
	s29 =	sadd.s32 $0x800, s29  }
0x4f: {  	[tilespmem:s21], [sflag:$0x3] =	stream.strided.gather [hbm4b:s0+s18], $0x100, s19, s18, $0x38;
	[tilespmem:$0x1E600] =	vst v63  }
0x50: {  	s30 =	smov.u32 s3;
	s0 =	smov.u32 s17;
	_ =	swait.ge [sflag:s16], $0x100  }
0x51: {  	s31 =	sshra.s32 s31, $0x2;
	[sflag:s16] =	ssyncset.done $0x0  }
0x52: {  	s6 =	sadd.s32 $0x13C00, s31;
	[sflag:s16] =	ssyncadd.s32 $0xFFFFFF00  }
0x53: {  	_ =	swait.ge [sflag:s25], $0x4000  }
0x54: {  	[sflag:s25] =	ssyncset.done $0x0  }
0x55: {  	[sflag:s25] =	ssyncadd.s32 $0xFFFFC000  }
0x56: {  	[spmem:s2] =	stream.indirect.scatter.add.f32 [tilespmem:s22], [sflag:$0x3], $0x80, s6, s18, $0xb8;
	[tilespmem:$0x1E600] =	vst v63  }
0x57: {  	_ =	swait.ge [sflag:s16], $0x4000  }
0x58: {  	[sflag:s16] =	ssyncset.done $0x0  }
0x59: {  	[sflag:s16] =	ssyncadd.s32 $0xFFFFC000  }
0x5a: {  	[tilespmem:s22], [sflag:$0x1] =	stream.indirect.gather [hbm4b:s4+s18], $0x80, s21, s18, $0xb8;
	[tilespmem:$0x1E600] =	vst v63  }
0x5b: {  	_ =	swait.ge [sflag:s26], $0x4000  }
0x5c: {  	[sflag:s26] =	ssyncset.done $0x0  }
0x5d: {  	s3 =	sadd.s32 $0x20, s3;
	s6 =	sadd.s32 $0x13C80, s31;
	[sflag:s26] =	ssyncadd.s32 $0xFFFFC000  }
0x5e: {  	s17 =	sadd.s32 $0x40, s17;
	s9 =	sand.u32 $0x60, s3  }
0x5f: {  	[spmem:s2] =	stream.indirect.scatter.add.f32 [tilespmem:s24], [sflag:$0x3], $0x80, s6, s18, $0xb8;
	[tilespmem:$0x1E600] =	vst v63  }
0x60: {  	s9 =	sadd.s32 s5, s9;
	s6 =	sand.u32 $0xFFFFF00, s17;
	_ =	swait.ge [sflag:s16], $0x4000  }
0x61: {  	s6 =	sadd.s32 s6, s9;
	[sflag:s16] =	ssyncset.done $0x0  }
0x62: {  	[sflag:s16] =	ssyncadd.s32 $0xFFFFC000  }
0x63: {  	[tilespmem:s24], [sflag:$0x2] =	stream.indirect.gather [hbm4b:s4+s18], $0x80, s28, s18, $0xb8;
	[tilespmem:$0x1E600] =	vst v63  }
0x64: {  	_ = 	snop  }
0x65: {  	[tilespmem:s20], [sflag:$0x3] =	stream.strided.gather [hbm4b:s6+s18], $0x100, s19, s18, $0x38;
	[tilespmem:$0x1E600] =	vst v63  }
0x66: {  	_ =	swait.ge [sflag:s16], $0x100  }
0x67: {  	s6 =	sadd.s32 $0x13D00, s31;
	[sflag:s16] =	ssyncset.done $0x0  }
0x68: {  	[sflag:s16] =	ssyncadd.s32 $0xFFFFFF00  }
0x69: {  	_ =	swait.ge [sflag:s25], $0x4000  }
0x6a: {  	[sflag:s25] =	ssyncset.done $0x0  }
0x6b: {  	[sflag:s25] =	ssyncadd.s32 $0xFFFFC000  }
0x6c: {  	[spmem:s2] =	stream.indirect.scatter.add.f32 [tilespmem:s22], [sflag:$0x3], $0x80, s6, s18, $0xb8;
	[tilespmem:$0x1E600] =	vst v63  }
0x6d: {  	_ =	swait.ge [sflag:s16], $0x4000  }
0x6e: {  	[sflag:s16] =	ssyncset.done $0x0  }
0x6f: {  	[sflag:s16] =	ssyncadd.s32 $0xFFFFC000  }
0x70: {  	[tilespmem:s22], [sflag:$0x1] =	stream.indirect.gather [hbm4b:s4+s18], $0x80, s20, s18, $0xb8;
	[tilespmem:$0x1E600] =	vst v63  }
0x71: {  	_ =	swait.ge [sflag:s26], $0x4000  }
0x72: {  	s0 =	sadd.s32 $0x60, s0;
	s6 =	sadd.s32 $0x30, s30;
	[sflag:s26] =	ssyncset.done $0x0  }
0x73: {  	s9 =	sadd.s32 $0x13D80, s31;
	s6 =	sand.u32 $0x70, s6;
	[sflag:s26] =	ssyncadd.s32 $0xFFFFC000  }
0x74: {  	[spmem:s2] =	stream.indirect.scatter.add.f32 [tilespmem:s24], [sflag:$0x3], $0x80, s9, s18, $0xb8;
	[tilespmem:$0x1E600] =	vst v63  }
.Ltmp0:
0x75: {  	_ = 	snop;
	(pc) =	sbr.rel @p0 .LBB2_2-.Ltmp0, $4  }
0x76: {  	s0 =	sand.u32 $0xFFFFF00, s0;
	s6 =	sadd.s32 s5, s6;
	_ =	swait.ge [sflag:s16], $0x4000  }
0x77: {  	s0 =	sadd.s32 s0, s6;
	[sflag:s16] =	ssyncset.done $0x0  }
0x78: {  	[sflag:s16] =	ssyncadd.s32 $0xFFFFC000  }
0x79: {  	[tilespmem:s24], [sflag:$0x2] =	stream.indirect.gather [hbm4b:s4+s18], $0x80, s23, s18, $0xb8;
	[tilespmem:$0x1E600] =	vst v63  }
0x7a: {  	[tilespmem:s21], [sflag:$0x3] =	stream.strided.gather [hbm4b:s0+s18], $0x100, s19, s18, $0x38;
	[tilespmem:$0x1E600] =	vst v63  }
0x7b: {  	_ =	swait.ge [sflag:s16], $0x100  }
0x7c: {  	[sflag:s16] =	ssyncset.done $0x0  }
0x7d: {  	[sflag:s16] =	ssyncadd.s32 $0xFFFFFF00  }
0x7e: {  	_ =	swait.ge [sflag:s25], $0x4000  }
0x7f: {  	[sflag:s25] =	ssyncset.done $0x0  }
0x80: {  	s17 =	simm.s32 $0x16200;
	[sflag:s25] =	ssyncadd.s32 $0xFFFFC000  }
0x81: {  	[spmem:s2] =	stream.indirect.scatter.add.f32 [tilespmem:s22], [sflag:$0x3], $0x80, s17, s18, $0xb8;
	[tilespmem:$0x1E600] =	vst v63  }
0x82: {  	_ =	swait.ge [sflag:s16], $0x4000  }
0x83: {  	[sflag:s16] =	ssyncset.done $0x0  }
0x84: {  	[sflag:s16] =	ssyncadd.s32 $0xFFFFC000  }
0x85: {  	[tilespmem:s22], [sflag:$0x1] =	stream.indirect.gather [hbm4b:s4+s18], $0x80, s21, s18, $0xb8;
	[tilespmem:$0x1E600] =	vst v63  }
0x86: {  	_ =	swait.ge [sflag:s26], $0x4000  }
0x87: {  	[sflag:s26] =	ssyncset.done $0x0  }
0x88: {  	s29 =	simm.s32 $0x16280;
	[sflag:s26] =	ssyncadd.s32 $0xFFFFC000  }
0x89: {  	[spmem:s2] =	stream.indirect.scatter.add.f32 [tilespmem:s24], [sflag:$0x3], $0x80, s29, s18, $0xb8;
	[tilespmem:$0x1E600] =	vst v63  }
0x8a: {  	_ =	swait.ge [sflag:s16], $0x4000  }
0x8b: {  	[sflag:s16] =	ssyncset.done $0x0  }
0x8c: {  	[sflag:s16] =	ssyncadd.s32 $0xFFFFC000  }
0x8d: {  	[tilespmem:s24], [sflag:$0x2] =	stream.indirect.gather [hbm4b:s4+s18], $0x80, s28, s18, $0xb8;
	[tilespmem:$0x1E600] =	vst v63  }
0x8e: {  	_ =	swait.ge [sflag:s25], $0x4000  }
0x8f: {  	[sflag:s25] =	ssyncset.done $0x0  }
0x90: {  	s30 =	simm.s32 $0x16300;
	[sflag:s25] =	ssyncadd.s32 $0xFFFFC000  }
0x91: {  	[spmem:s2] =	stream.indirect.scatter.add.f32 [tilespmem:s22], [sflag:$0x3], $0x80, s30, s18, $0xb8;
	[tilespmem:$0x1E600] =	vst v63  }
0x92: {  	_ =	swait.ge [sflag:s16], $0x4000  }
0x93: {  	[sflag:s16] =	ssyncset.done $0x0  }
0x94: {  	[sflag:s16] =	ssyncadd.s32 $0xFFFFC000  }
0x95: {  	_ =	swait.ge [sflag:s26], $0x4000  }
0x96: {  	[sflag:s26] =	ssyncset.done $0x0  }
0x97: {  	s31 =	simm.s32 $0x16380;
	[sflag:s26] =	ssyncadd.s32 $0xFFFFC000  }
0x98: {  	[spmem:s2] =	stream.indirect.scatter.add.f32 [tilespmem:s24], [sflag:$0x3], $0x80, s31, s18, $0xb8;
	[tilespmem:$0x1E600] =	vst v63  }
0x99: {  	_ =	swait.ge [sflag:s16], $0x4000  }
0x9a: {  	s1 =	sadd.s32 $0x1, s1;
	[sflag:s16] =	ssyncset.done $0x0  }
0x9b: {  	p0 =	sne.s32 s1, s12;
	[sflag:s16] =	ssyncadd.s32 $0xFFFFC000  }
.Ltmp1:
0x9c: {  	[bflag:$0x0] =	sbarrier.arrive $0xFFFF;
	(pc) =	sbr.rel @p0 .LBB2_1-.Ltmp1, $4  }
0x9d: {  	[hbm:s11], [sflag:s7] =	dma.local [spmem:s15], $0x2780  }
0x9e: {  	_ =	swait.ge [sflag:s16], $0x2780  }
0x9f: {  	[sflag:s16] =	ssyncset.done $0x0  }
0xa0: {  	[sflag:s16] =	ssyncadd.s32 $0xFFFFD880  }
0xa1: {  	_ =	sfence.sel $0x180000  }
0xa2: {  	[bflag:$0x0] =	sbarrier.arrive $0xFFFF  }
0xa3: {  	_ =	strace $0x90000047  }
0xa4: {  	s0 =	stileid.u32;
	[bflag:$0x2] =	sbarrier.arrive $0xFFFF  }
0xa5: {  	p0 =	sne.s32 s0, $0x0;
	s0 =	rddreg [dreg:$0x2]  }
0xa6: {  	s0 =	sadd.s32 @!p0 $0x100000, s0  }
0xa7: {  	[sflag:s0] =	ssyncadd.tile.s32 @!p0 $0x1;
	_ =	shalt  }
.Lfunc_end2:
_tile_overlayer_lowered:
.L_overlay_start_2:
0xa8: {  	(tag) =	ssettag $0x2  }
0xa9: {  	s0 =	rddreg [dreg:$0x0];
	s2 =	stileid.u32  }
0xaa: {  	s1 =	rddreg [dreg:$0x1];
	p0 =	sne.s32 s2, $0x0  }
0xab: {  	s3 =	rddreg [dreg:$0x2];
	[bflag:$0x3] =	sbarrier.arrive $0xFFFF;
	s2 =	simm.s32 @!p0 $0x1C03  }
0xac: {  	[timem:s3], [sflag:s2] =	dma.local @!p0 [hbm:s0], s1  }
0xad: {  	s0 =	simm.s32 @!p0 $0x3  }
0xae: {  	_ =	swait.ge @!p0 [sflag:s0], s1  }
0xaf: {  	s1 =	ssub.s32 @!p0 $0x0, s1;
	[sflag:s0] =	ssyncset.done @!p0 $0x0  }
0xb0: {  	[sflag:s0] =	ssyncadd.s32 @!p0 s1  }
0xb1: {  	[bflag:$0x3] =	sbarrier.arrive $0xFFFF  }
0xb2: {  	_ =	shalt  }

// kernel: kernel.16.cloned.1.call-start
scs
__scs_entry_jumppad:
0x0: {  	(pc) =	sbr.rel $0x88, $3  }
0x1: {  	(tag) =	ssettag $0x0;
	lr =	simm.s32 $0x1  }
0x2: {  	[smem:$0x3F8D] =	sst lr;
	_ =	strace $0xD0000000  }
0x3: {  	_ = 	snop  }
0x4: {  	_ = 	snop  }
0x5: {  	_ = 	snop  }
0x6: {  	_ = 	snop  }
0x7: {  	_ = 	snop  }
__scs_overlays_trampoline_lowered:
0x8: {  	[smem:$0x3F9C] =	sst s0  }
0x9: {  	[smem:$0x3F9D] =	sst s1  }
0xa: {  	[smem:$0x3F9E] =	sst s2  }
0xb: {  	[smem:$0x3F9F] =	sst s3  }
0xc: {  	[smem:$0x3FA0] =	sst s4  }
0xd: {  	[smem:$0x3FA1] =	sst s5  }
0xe: {  	[smem:$0x3FA2] =	sst s6  }
0xf: {  	[smem:$0x3FA3] =	sst s7  }
0x10: {  	[smem:$0x3FA4] =	sst s8  }
0x11: {  	[smem:$0x3FA5] =	sst s9;
	s0 =	simm.s32 @!p0 $0x0  }
0x12: {  	s1 =	sld [smem:$0x3F8B];
	s0 =	simm.s32 @p0 $0x1  }
0x13: {  	[smem:$0x3FA6] =	sst s0;
	s0 =	simm.s32 @!p1 $0x0  }
0x14: {  	s2 =	sld [smem:$0x3F8A];
	s0 =	simm.s32 @p1 $0x1  }
0x15: {  	[smem:$0x3FA7] =	sst s0;
	s0 =	simm.s32 @!p2 $0x0  }
0x16: {  	s3 =	sld [smem:$0x3FDB];
	s0 =	simm.s32 @p2 $0x1  }
0x17: {  	s4 =	simm.s32 $0x1BF5;
	[smem:$0x3FA9] =	sst s0  }
0x18: {  	s0 =	sld [smem:$0x3F8C];
	_ =	swait.ge [sflag:s4], $0x0  }
0x19: {  	s7 =	sld [smem:$0x3F8D]  }
0x1a: {  	s8 =	sadd.s32 $0xFFFFE003, lr  }
0x1b: {  	s9 =	sadd.s32 $0xFFFFFEF7, lr;
	s5 =	simm.s32 $0xFFFFFFFF;
	p2 =	slt.u32 s8, $0xFFFFF086  }
0x1c: {  	p1 =	slt.u32 s9, $0xF7A;
	s5 =	simm.s32 @!p2 $0x0  }
0x1d: {  	s5 =	simm.s32 @p1 $0x1;
	p0 =	seq.s32 s7, s2  }
0x1e: {  	s7 =	smul.u32 @!p0 $0xF7A, s2;
	p2 =	seq.s32 @!p0 s5, $0x0  }
0x1f: {  	s9 =	smul.u32 $0xF7A, s1;
	s8 =	simm.s32 @!p0 $0x1BF5;
	p2 =	por !p2, p0  }
0x20: {  	[sflag:s8] =	ssyncset.s32 @!p0 $0xFFFFF086;
	s6 =	sadd.s32 @!p0 s3, s7;
	s7 =	simm.s32 @!p0 $0x108  }
0x21: {  	s3 =	sadd.s32 s3, s9;
	s6 =	sadd.s32 @!p0 $0x88, s6;
	s7 =	simm.s32 @p2 $0x1082  }
0x22: {  	[simem:s7], [sflag:s8] =	dma.local @!p0 [hbm:s6], $0xF7A  }
0x23: {  	s9 =	sor.u32 $0xD0000000, s2;
	s6 =	simm.s32 $0x108;
	_ =	swait.ge @!p0 [sflag:s8], $0x0  }
0x24: {  	s3 =	sadd.s32 $0x88, s3;
	s6 =	simm.s32 @!p1 $0x1082;
	[sflag:s4] =	ssyncset.s32 $0xFFFFF086  }
0x25: {  	[simem:s6], [sflag:s4] =	dma.local [hbm:s3], $0xF7A  }
0x26: {  	[smem:$0x3F8D] =	sst s1;
	(tag) =	ssettag s2;
	_ =	strace s9  }
0x27: {  	s1 =	sld [smem:$0x3F9D]  }
0x28: {  	s2 =	sld [smem:$0x3F9E]  }
0x29: {  	s4 =	sld [smem:$0x3FA0]  }
0x2a: {  	p0 =	seq.s32 s5, $0x0;
	s5 =	sld [smem:$0x3FA1]  }
0x2b: {  	s6 =	sld [smem:$0x3FA2]  }
0x2c: {  	s7 =	sld [smem:$0x3FA3]  }
0x2d: {  	s3 =	simm.s32 $0x108;
	s8 =	sld [smem:$0x3FA4]  }
0x2e: {  	s3 =	simm.s32 @!p0 $0x1082;
	s9 =	sld [smem:$0x3FA5]  }
0x2f: {  	lr =	sadd.s32 s0, s3;
	s0 =	sld [smem:$0x3F9C]  }
0x30: {  	s3 =	sld [smem:$0x3F9F]  }
0x31: {  	[smem:$0x3FA8] =	sst s10  }
0x32: {  	s10 =	sld [smem:$0x3FA6];
	_ =	sdelay $0x3  }
0x33: {  	p0 =	seq.s32 s10, $0x1;
	s10 =	sld [smem:$0x3FA8];
	_ =	sdelay $0x3  }
0x34: {  	[smem:$0x3FA8] =	sst s10  }
0x35: {  	s10 =	sld [smem:$0x3FA7];
	_ =	sdelay $0x3  }
0x36: {  	p1 =	seq.s32 s10, $0x1;
	s10 =	sld [smem:$0x3FA8];
	_ =	sdelay $0x3  }
0x37: {  	[smem:$0x3FA8] =	sst s10  }
0x38: {  	s10 =	sld [smem:$0x3FA9]  }
0x39: {  	_ = 	snop;
	(pc) =	sbr.ind lr, $3  }
0x3a: {  	_ = 	snop  }
0x3b: {  	_ = 	snop  }
0x3c: {  	p2 =	seq.s32 s10, $0x1;
	s10 =	sld [smem:$0x3FA8]  }
0x3d: {  	_ =	shalt  }
0x3e: {  	_ =	shalt  }
0x3f: {  	_ =	shalt  }
0x40: {  	_ =	shalt  }
0x41: {  	_ =	shalt  }
0x42: {  	_ =	shalt  }
0x43: {  	_ =	shalt  }
0x44: {  	_ =	shalt  }
0x45: {  	_ =	shalt  }
0x46: {  	_ =	shalt  }
0x47: {  	_ =	shalt  }
0x48: {  	_ =	shalt  }
0x49: {  	_ =	shalt  }
0x4a: {  	_ =	shalt  }
0x4b: {  	_ =	shalt  }
0x4c: {  	_ =	shalt  }
0x4d: {  	_ =	shalt  }
0x4e: {  	_ =	shalt  }
0x4f: {  	_ =	shalt  }
0x50: {  	_ =	shalt  }
0x51: {  	_ =	shalt  }
0x52: {  	_ =	shalt  }
0x53: {  	_ =	shalt  }
0x54: {  	_ =	shalt  }
0x55: {  	_ =	shalt  }
0x56: {  	_ =	shalt  }
0x57: {  	_ =	shalt  }
0x58: {  	_ =	shalt  }
0x59: {  	_ =	shalt  }
0x5a: {  	_ =	shalt  }
0x5b: {  	_ =	shalt  }
0x5c: {  	_ =	shalt  }
0x5d: {  	_ =	shalt  }
0x5e: {  	_ =	shalt  }
0x5f: {  	_ =	shalt  }
0x60: {  	_ =	shalt  }
0x61: {  	_ =	shalt  }
0x62: {  	_ =	shalt  }
0x63: {  	_ =	shalt  }
0x64: {  	_ =	shalt  }
0x65: {  	_ =	shalt  }
0x66: {  	_ =	shalt  }
0x67: {  	_ =	shalt  }
0x68: {  	_ =	shalt  }
0x69: {  	_ =	shalt  }
0x6a: {  	_ =	shalt  }
0x6b: {  	_ =	shalt  }
0x6c: {  	_ =	shalt  }
0x6d: {  	_ =	shalt  }
0x6e: {  	_ =	shalt  }
0x6f: {  	_ =	shalt  }
0x70: {  	_ =	shalt  }
0x71: {  	_ =	shalt  }
0x72: {  	_ =	shalt  }
0x73: {  	_ =	shalt  }
0x74: {  	_ =	shalt  }
0x75: {  	_ =	shalt  }
0x76: {  	_ =	shalt  }
0x77: {  	_ =	shalt  }
0x78: {  	_ =	shalt  }
0x79: {  	_ =	shalt  }
0x7a: {  	_ =	shalt  }
0x7b: {  	_ =	shalt  }
0x7c: {  	_ =	shalt  }
0x7d: {  	_ =	shalt  }
0x7e: {  	_ =	shalt  }
0x7f: {  	_ =	shalt  }
0x80: {  	_ =	shalt  }
0x81: {  	_ =	shalt  }
0x82: {  	_ =	shalt  }
0x83: {  	_ =	shalt  }
0x84: {  	_ =	shalt  }
0x85: {  	_ =	shalt  }
0x86: {  	_ =	shalt  }
0x87: {  	_ =	shalt  }
.Lfunc_end0:
.L_simem_size_0:
called_computation.2_lowered:
.L_overlay_start_0:
0x88: {  	s2 =	sld [smem:$0x3FD9]  }
0x89: {  	s3 =	sld [smem:$0x3FFE];
	_ =	sdelay $0x1  }
0x8a: {  	s1 =	srdreg.scid  }
0x8b: {  	s0 =	sand.u32 $0x1, s1  }
0x8c: {  	s16 =	sshll.u32 s0, $0xA;
	s2 =	sadd.s32 s3, s2  }
0x8d: {  	s2 =	sadd.s32 s2, s16  }
0x8e: {  	[smem:$0x3FB4] =	sst s2  }
0x8f: {  	_ = 	snop  }
0x90: {  	(tm) =	ssettm $0x1  }
0x91: {  	s17 =	sld [smem:$0x3FFB];
	_ =	sdelay $0x3  }
0x92: {  	_ =	strace s17  }
0x93: {  	s2 =	sld [smem:$0x3FFC];
	_ =	sdelay $0x3  }
0x94: {  	_ =	strace s2  }
0x95: {  	s2 =	sld [smem:$0x3FFD];
	_ =	sdelay $0x3  }
0x96: {  	_ =	strace s2  }
0x97: {  	_ =	strace $0x8FFFFFFF  }
0x98: {  	s18 =	sld [smem:$0x3FDB];
	_ =	sdelay $0x1  }
0x99: {  	s19 =	simm.s32 $_scs_section_size  }
0x9a: {  	s4 =	simm.s32 $_size__tile_overlayer_lowered;
	s5 =	simm.s32 $_tile_overlayer_lowered  }
0x9b: {  	s22 =	simm.s32 $0x1BFF;
	s21 =	sshll.u32 s5, $0x1;
	s2 =	sadd.s32 s19, s18  }
0x9c: {  	s6 =	simm.s32 $0x0;
	s20 =	sshll.u32 s4, $0x1;
	s4 =	sadd.s32 s21, s2  }
0x9d: {  	[timem:s6], [sflag:s22] =	dma.local [hbm:s4], s20  }
0x9e: {  	_ =	swait.ge [sflag:s22], s20  }
0x9f: {  	s3 =	ssub.s32 $0x0, s20;
	[sflag:s22] =	ssyncset.done $0x0  }
0xa0: {  	[sflag:s22] =	ssyncadd.s32 s3;
	_ =	sdelay $0x1  }
0xa1: {  	s23 =	simm.s32 $0x1B8B  }
0xa2: {  	_ =	swait.ge [sflag:s23], $0x1  }
0xa3: {  	[sflag:s23] =	ssyncset.done $0x0  }
0xa4: {  	s25 =	simm.s32 $0x1B8E;
	s24 =	sld [smem:$0x3FFE];
	[sflag:s23] =	ssyncadd.s32 $0xFFFFFFFF  }
0xa5: {  	s26 =	simm.s32 $execute0_lowered;
	[smem:$0x3FD2] =	sst s25  }
0xa6: {  	s4 =	sshll.u32 s26, $0x1;
	_ =	strace $0x8000004C;
	[dreg:$0x1] =	wrdreg $0xFFFFFFFF  }
0xa7: {  	s28 =	simm.s32 $_size_execute0_lowered;
	s2 =	sadd.s32 s2, s4;
	[dreg:$0x0] =	wrdreg $0x0  }
0xa8: {  	s4 =	sshll.u32 s28, $0x1;
	[dreg:$0x2] =	wrdreg s2  }
0xa9: {  	[dreg:$0x3] =	wrdreg s4  }
0xaa: {  	[dreg:$0x4] =	wrdreg $0xC0  }
0xab: {  	_ =	task [dreg:s6], $0x5FFFF  }
0xac: {  	[dreg:$0x1] =	wrdreg $0xFFFFFFFF  }
0xad: {  	[dreg:$0x0] =	wrdreg $0x60  }
0xae: {  	[dreg:$0x2] =	wrdreg s24  }
0xaf: {  	[dreg:$0x3] =	wrdreg $0x0  }
0xb0: {  	[dreg:$0x4] =	wrdreg $0x9  }
0xb1: {  	_ =	task.clear_ibuf [dreg:s6], $0x5FFFF;
	_ =	strace $0x9000004C  }
0xb2: {  	s29 =	simm.s32 $0x9;
	_ =	strace $0x8000004E  }
0xb3: {  	_ =	swait.ge [sflag:s29], $0x1  }
0xb4: {  	[sflag:s29] =	ssyncadd.s32 $0xFFFFFFFF  }
0xb5: {  	_ =	strace $0x9000004E  }
0xb6: {  	_ =	sfence  }
0xb7: {  	s30 =	sld [smem:$0x0];
	_ =	sdelay $0x2  }
0xb8: {  	s31 =	sshll.u32 s1, $0xD;
	s1 =	sshrl.u32 s1, $0x2  }
0xb9: {  	s3 =	sand.u32 $0x4000, s31;
	s1 =	sadd.s32 s1, s30  }
0xba: {  	s0 =	sor.u32 s3, s0;
	s1 =	sshll.u32 s1, $0x11  }
0xbb: {  	s0 =	sor.u32 s1, s0  }
0xbc: {  	s0 =	sadd.s32 $0x8F2B, s0  }
0xbd: {  	[sflag:s0] =	ssyncadd.remote.s32 $0x1  }
0xbe: {  	_ =	sfence.sel $0xFFFF  }
0xbf: {  	[dreg:$0x0] =	wrdreg $0xFFFFFFFF;
	(pc) =	sbr.abs _section_cstart, $3  }
0xc0: {  	[dreg:$0x1] =	wrdreg $0xFFFFFFFF  }
0xc1: {  	_ =	task.clear_ibuf [dreg:s6], $0x2FFFF;
	_ =	strace $0x9FFFFFFF  }
0xc2: {  	(tm) =	ssettm $0x7FFFFFFF  }
0xc3: {  	_ =	shalt  }
tec
execute0_lowered:
.L_overlay_start_1:
0x0: {  	(tag) =	ssettag $0x1  }
0x1: {  	s0 =	rddreg [dreg:$0x0]  }
0x2: {  	s2 =	rddreg [dreg:$0x1];
	s16 =	stileid.u32  }
0x3: {  	s4 =	simm.s32 $0x0;
	s3 =	srdreg.scid;
	s18 =	simm.s32 $0x80  }
0x4: {  	s19 =	simm.s32 $0x400;
	s20 =	simm.s32 $0x16400;
	s21 =	simm.s32 $0x16500  }
0x5: {  	s22 =	simm.s32 $0x16600;
	s23 =	simm.s32 $0x16480;
	s1 =	smul.u32 $0x500, s16  }
0x6: {  	s24 =	simm.s32 $0x1A600;
	s28 =	simm.s32 $0x16580;
	s6 =	smul.u32 $0x2780, s16  }
0x7: {  	[smem:$0x7FF] =	sst s4;
	s3 =	sand.u32 $0x1, s3;
	s10 =	smul.u32 $0x4F000, s16  }
0x8: {  	s4 =	sadd.s32 $0xFC00, s0;
	s5 =	sadd.s32 $0xC00, s0;
	s7 =	smul.u32 $0x27800, s3  }
0x9: {  	s30 =	sshll.u32 s16, $0x6;
	_ =	strace $0x8000004D;
	s14 =	smul.u32 $0x2800, s3  }
0xa: {  	s25 =	sshll.u32 s3, $0x4;
	s26 =	ssub.s32 $0x2, s3;
	s3 =	smul.u32 $0x5000, s3  }
0xb: {  	s9 =	sadd.s32 s1, s0;
	s8 =	sadd.s32 s6, s0;
	s11 =	sshrl.u32 s26, $0x1  }
0xc: {  	s10 =	sshrl.u32 s10, $0x2;
	s6 =	sadd.s32 s6, s7;
	s7 =	sor.u32 s16, s25  }
0xd: {  	s13 =	ssub.s32 s26, s11;
	s15 =	sadd.s32 s10, s2;
	s29 =	sadd.s32 $0xAC000, s8  }
0xe: {  	s16 =	smul.u32 $0x280, s16;
	s31 =	sadd.s32 $0xAC00, s9;
	s25 =	simm.s32 $0x1  }
0xf: {  	s26 =	simm.s32 $0x2;
	s12 =	smul.u32 $0x500, s7;
	[dreg:$0x3] =	wrdreg s29  }
0x10: {  	s0 =	sadd.s32 s6, s0;
	s7 =	sor.u32 $0x1C03, s30;
	[dreg:$0x4] =	wrdreg s31  }
0x11: {  	s15 =	sshrl.u32 s15, $0x3;
	s11 =	sadd.s32 $0xD3800, s0;
	s8 =	sadd.s32 s5, s12  }
0x12: {  	s12 =	smax.u32 s13, $0x1;
	s13 =	sadd.s32 s16, s14;
	s14 =	sadd.s32 s1, s3  }
0x13: {  	s16 =	simm.s32 $0x3;
	s1 =	simm.s32 $0x0;
	s10 =	sadd.s32 $0x10, s8  }
.LBB2_1:
0x14: {  	s0 =	rddreg [dreg:$0x3]  }
0x15: {  	[spmem:s15], [sflag:s7] =	dma.local [hbm:s0], $0x2780  }
0x16: {  	_ =	swait.ge [sflag:s16], $0x2780  }
0x17: {  	s30 =	simm.s32 $0x0;
	[sflag:s16] =	ssyncset.done $0x0  }
0x18: {  	s6 =	simm.s32 $0x13C00;
	s3 =	rddreg [dreg:$0x4];
	[sflag:s16] =	ssyncadd.s32 $0xFFFFD880  }
0x19: {  	[tilespmem:s6], [sflag:$0x3] =	stream.linear.gather [hbm4b:s3+s30], $0x2800, $0x38;
	[tilespmem:$0x1E600] =	vst v63  }
0x1a: {  	_ =	swait.ge [sflag:s16], $0x2800  }
0x1b: {  	[sflag:s16] =	ssyncset.done $0x0  }
0x1c: {  	[sflag:s16] =	ssyncadd.s32 $0xFFFFD800  }
0x1d: {  	[bflag:$0x0] =	sbarrier.arrive $0xFFFF  }
0x1e: {  	[tilespmem:s20], [sflag:$0x3] =	stream.strided.gather [hbm4b:s8+s18], $0x100, s19, s18, $0x38;
	[tilespmem:$0x1E600] =	vst v63  }
0x1f: {  	_ =	swait.ge [sflag:s16], $0x100  }
0x20: {  	[sflag:s16] =	ssyncset.done $0x0  }
0x21: {  	[sflag:s16] =	ssyncadd.s32 $0xFFFFFF00  }
0x22: {  	[tilespmem:s21], [sflag:$0x3] =	stream.strided.gather [hbm4b:s10+s18], $0x100, s19, s18, $0x38;
	[tilespmem:$0x1E600] =	vst v63  }
0x23: {  	_ =	swait.ge [sflag:s16], $0x100  }
0x24: {  	[sflag:s16] =	ssyncset.done $0x0  }
0x25: {  	[sflag:s16] =	ssyncadd.s32 $0xFFFFFF00  }
0x26: {  	[tilespmem:s22], [sflag:$0x1] =	stream.indirect.gather [hbm4b:s4+s18], $0x80, s20, s18, $0xb8;
	[tilespmem:$0x1E600] =	vst v63  }
0x27: {  	_ = 	snop  }
0x28: {  	[tilespmem:s24], [sflag:$0x2] =	stream.indirect.gather [hbm4b:s4+s18], $0x80, s23, s18, $0xb8;
	[tilespmem:$0x1E600] =	vst v63  }
0x29: {  	_ =	swait.ge [sflag:s25], $0x4000  }
0x2a: {  	[sflag:s25] =	ssyncset.done $0x0  }
0x2b: {  	s31 =	simm.s32 $0x13C00;
	[sflag:s25] =	ssyncadd.s32 $0xFFFFC000  }
0x2c: {  	[spmem:s2] =	stream.indirect.scatter.add.f32 [tilespmem:s22], [sflag:$0x3], $0x80, s31, s18, $0xb8;
	[tilespmem:$0x1E600] =	vst v63  }
0x2d: {  	_ =	swait.ge [sflag:s16], $0x4000  }
0x2e: {  	[sflag:s16] =	ssyncset.done $0x0  }
0x2f: {  	[sflag:s16] =	ssyncadd.s32 $0xFFFFC000  }
0x30: {  	[tilespmem:s22], [sflag:$0x1] =	stream.indirect.gather [hbm4b:s4+s18], $0x80, s21, s18, $0xb8;
	[tilespmem:$0x1E600] =	vst v63  }
0x31: {  	_ =	swait.ge [sflag:s26], $0x4000  }
0x32: {  	[sflag:s26] =	ssyncset.done $0x0  }
0x33: {  	s3 =	simm.s32 $0x13C80;
	[sflag:s26] =	ssyncadd.s32 $0xFFFFC000  }
0x34: {  	[spmem:s2] =	stream.indirect.scatter.add.f32 [tilespmem:s24], [sflag:$0x3], $0x80, s3, s18, $0xb8;
	[tilespmem:$0x1E600] =	vst v63  }
0x35: {  	s3 =	sadd.s32 $0x20, s13;
	_ =	swait.ge [sflag:s16], $0x4000  }
0x36: {  	s17 =	sadd.s32 $0x40, s14;
	s6 =	sand.u32 $0x60, s3;
	[sflag:s16] =	ssyncset.done $0x0  }
0x37: {  	s29 =	sand.u32 $0xFFFFF00, s17;
	s0 =	sadd.s32 s5, s6;
	[sflag:s16] =	ssyncadd.s32 $0xFFFFC000  }
0x38: {  	[tilespmem:s24], [sflag:$0x2] =	stream.indirect.gather [hbm4b:s4+s18], $0x80, s28, s18, $0xb8;
	[tilespmem:$0x1E600] =	vst v63  }
0x39: {  	s0 =	sadd.s32 s29, s0  }
0x3a: {  	[tilespmem:s20], [sflag:$0x3] =	stream.strided.gather [hbm4b:s0+s18], $0x100, s19, s18, $0x38;
	[tilespmem:$0x1E600] =	vst v63  }
0x3b: {  	_ =	swait.ge [sflag:s16], $0x100  }
0x3c: {  	[sflag:s16] =	ssyncset.done $0x0  }
0x3d: {  	[sflag:s16] =	ssyncadd.s32 $0xFFFFFF00  }
0x3e: {  	_ =	swait.ge [sflag:s25], $0x4000  }
0x3f: {  	[sflag:s25] =	ssyncset.done $0x0  }
0x40: {  	s9 =	simm.s32 $0x13D00;
	[sflag:s25] =	ssyncadd.s32 $0xFFFFC000  }
0x41: {  	[spmem:s2] =	stream.indirect.scatter.add.f32 [tilespmem:s22], [sflag:$0x3], $0x80, s9, s18, $0xb8;
	[tilespmem:$0x1E600] =	vst v63  }
0x42: {  	_ =	swait.ge [sflag:s16], $0x4000  }
0x43: {  	[sflag:s16] =	ssyncset.done $0x0  }
0x44: {  	[sflag:s16] =	ssyncadd.s32 $0xFFFFC000  }
0x45: {  	[tilespmem:s22], [sflag:$0x1] =	stream.indirect.gather [hbm4b:s4+s18], $0x80, s20, s18, $0xb8;
	[tilespmem:$0x1E600] =	vst v63  }
0x46: {  	_ =	swait.ge [sflag:s26], $0x4000  }
0x47: {  	[sflag:s26] =	ssyncset.done $0x0  }
0x48: {  	s30 =	simm.s32 $0x13D80;
	s31 =	sadd.s32 $0x30, s13;
	[sflag:s26] =	ssyncadd.s32 $0xFFFFC000  }
0x49: {  	[spmem:s2] =	stream.indirect.scatter.add.f32 [tilespmem:s24], [sflag:$0x3], $0x80, s30, s18, $0xb8;
	[tilespmem:$0x1E600] =	vst v63  }
0x4a: {  	s29 =	sadd.s32 $0x60, s14;
	s0 =	sand.u32 $0x70, s31;
	_ =	swait.ge [sflag:s16], $0x4000  }
0x4b: {  	s29 =	sand.u32 $0xFFFFF00, s29;
	s0 =	sadd.s32 s5, s0;
	[sflag:s16] =	ssyncset.done $0x0  }
0x4c: {  	s0 =	sadd.s32 s29, s0;
	s29 =	simm.s32 $0x800;
	[sflag:s16] =	ssyncadd.s32 $0xFFFFC000  }
0x4d: {  	[tilespmem:s24], [sflag:$0x2] =	stream.indirect.gather [hbm4b:s4+s18], $0x80, s23, s18, $0xb8;
	[tilespmem:$0x1E600] =	vst v63  }
.LBB2_2:
0x4e: {  	p0 =	sne.s32 s29, $0x9000;
	s31 =	smov.u32 s29;
	s29 =	sadd.s32 $0x800, s29  }
0x4f: {  	[tilespmem:s21], [sflag:$0x3] =	stream.strided.gather [hbm4b:s0+s18], $0x100, s19, s18, $0x38;
	[tilespmem:$0x1E600] =	vst v63  }
0x50: {  	s30 =	smov.u32 s3;
	s0 =	smov.u32 s17;
	_ =	swait.ge [sflag:s16], $0x100  }
0x51: {  	s31 =	sshra.s32 s31, $0x2;
	[sflag:s16] =	ssyncset.done $0x0  }
0x52: {  	s6 =	sadd.s32 $0x13C00, s31;
	[sflag:s16] =	ssyncadd.s32 $0xFFFFFF00  }
0x53: {  	_ =	swait.ge [sflag:s25], $0x4000  }
0x54: {  	[sflag:s25] =	ssyncset.done $0x0  }
0x55: {  	[sflag:s25] =	ssyncadd.s32 $0xFFFFC000  }
0x56: {  	[spmem:s2] =	stream.indirect.scatter.add.f32 [tilespmem:s22], [sflag:$0x3], $0x80, s6, s18, $0xb8;
	[tilespmem:$0x1E600] =	vst v63  }
0x57: {  	_ =	swait.ge [sflag:s16], $0x4000  }
0x58: {  	[sflag:s16] =	ssyncset.done $0x0  }
0x59: {  	[sflag:s16] =	ssyncadd.s32 $0xFFFFC000  }
0x5a: {  	[tilespmem:s22], [sflag:$0x1] =	stream.indirect.gather [hbm4b:s4+s18], $0x80, s21, s18, $0xb8;
	[tilespmem:$0x1E600] =	vst v63  }
0x5b: {  	_ =	swait.ge [sflag:s26], $0x4000  }
0x5c: {  	[sflag:s26] =	ssyncset.done $0x0  }
0x5d: {  	s3 =	sadd.s32 $0x20, s3;
	s6 =	sadd.s32 $0x13C80, s31;
	[sflag:s26] =	ssyncadd.s32 $0xFFFFC000  }
0x5e: {  	s17 =	sadd.s32 $0x40, s17;
	s9 =	sand.u32 $0x60, s3  }
0x5f: {  	[spmem:s2] =	stream.indirect.scatter.add.f32 [tilespmem:s24], [sflag:$0x3], $0x80, s6, s18, $0xb8;
	[tilespmem:$0x1E600] =	vst v63  }
0x60: {  	s9 =	sadd.s32 s5, s9;
	s6 =	sand.u32 $0xFFFFF00, s17;
	_ =	swait.ge [sflag:s16], $0x4000  }
0x61: {  	s6 =	sadd.s32 s6, s9;
	[sflag:s16] =	ssyncset.done $0x0  }
0x62: {  	[sflag:s16] =	ssyncadd.s32 $0xFFFFC000  }
0x63: {  	[tilespmem:s24], [sflag:$0x2] =	stream.indirect.gather [hbm4b:s4+s18], $0x80, s28, s18, $0xb8;
	[tilespmem:$0x1E600] =	vst v63  }
0x64: {  	_ = 	snop  }
0x65: {  	[tilespmem:s20], [sflag:$0x3] =	stream.strided.gather [hbm4b:s6+s18], $0x100, s19, s18, $0x38;
	[tilespmem:$0x1E600] =	vst v63  }
0x66: {  	_ =	swait.ge [sflag:s16], $0x100  }
0x67: {  	s6 =	sadd.s32 $0x13D00, s31;
	[sflag:s16] =	ssyncset.done $0x0  }
0x68: {  	[sflag:s16] =	ssyncadd.s32 $0xFFFFFF00  }
0x69: {  	_ =	swait.ge [sflag:s25], $0x4000  }
0x6a: {  	[sflag:s25] =	ssyncset.done $0x0  }
0x6b: {  	[sflag:s25] =	ssyncadd.s32 $0xFFFFC000  }
0x6c: {  	[spmem:s2] =	stream.indirect.scatter.add.f32 [tilespmem:s22], [sflag:$0x3], $0x80, s6, s18, $0xb8;
	[tilespmem:$0x1E600] =	vst v63  }
0x6d: {  	_ =	swait.ge [sflag:s16], $0x4000  }
0x6e: {  	[sflag:s16] =	ssyncset.done $0x0  }
0x6f: {  	[sflag:s16] =	ssyncadd.s32 $0xFFFFC000  }
0x70: {  	[tilespmem:s22], [sflag:$0x1] =	stream.indirect.gather [hbm4b:s4+s18], $0x80, s20, s18, $0xb8;
	[tilespmem:$0x1E600] =	vst v63  }
0x71: {  	_ =	swait.ge [sflag:s26], $0x4000  }
0x72: {  	s0 =	sadd.s32 $0x60, s0;
	s6 =	sadd.s32 $0x30, s30;
	[sflag:s26] =	ssyncset.done $0x0  }
0x73: {  	s9 =	sadd.s32 $0x13D80, s31;
	s6 =	sand.u32 $0x70, s6;
	[sflag:s26] =	ssyncadd.s32 $0xFFFFC000  }
0x74: {  	[spmem:s2] =	stream.indirect.scatter.add.f32 [tilespmem:s24], [sflag:$0x3], $0x80, s9, s18, $0xb8;
	[tilespmem:$0x1E600] =	vst v63  }
.Ltmp0:
0x75: {  	_ = 	snop;
	(pc) =	sbr.rel @p0 .LBB2_2-.Ltmp0, $4  }
0x76: {  	s0 =	sand.u32 $0xFFFFF00, s0;
	s6 =	sadd.s32 s5, s6;
	_ =	swait.ge [sflag:s16], $0x4000  }
0x77: {  	s0 =	sadd.s32 s0, s6;
	[sflag:s16] =	ssyncset.done $0x0  }
0x78: {  	[sflag:s16] =	ssyncadd.s32 $0xFFFFC000  }
0x79: {  	[tilespmem:s24], [sflag:$0x2] =	stream.indirect.gather [hbm4b:s4+s18], $0x80, s23, s18, $0xb8;
	[tilespmem:$0x1E600] =	vst v63  }
0x7a: {  	[tilespmem:s21], [sflag:$0x3] =	stream.strided.gather [hbm4b:s0+s18], $0x100, s19, s18, $0x38;
	[tilespmem:$0x1E600] =	vst v63  }
0x7b: {  	_ =	swait.ge [sflag:s16], $0x100  }
0x7c: {  	[sflag:s16] =	ssyncset.done $0x0  }
0x7d: {  	[sflag:s16] =	ssyncadd.s32 $0xFFFFFF00  }
0x7e: {  	_ =	swait.ge [sflag:s25], $0x4000  }
0x7f: {  	[sflag:s25] =	ssyncset.done $0x0  }
0x80: {  	s17 =	simm.s32 $0x16200;
	[sflag:s25] =	ssyncadd.s32 $0xFFFFC000  }
0x81: {  	[spmem:s2] =	stream.indirect.scatter.add.f32 [tilespmem:s22], [sflag:$0x3], $0x80, s17, s18, $0xb8;
	[tilespmem:$0x1E600] =	vst v63  }
0x82: {  	_ =	swait.ge [sflag:s16], $0x4000  }
0x83: {  	[sflag:s16] =	ssyncset.done $0x0  }
0x84: {  	[sflag:s16] =	ssyncadd.s32 $0xFFFFC000  }
0x85: {  	[tilespmem:s22], [sflag:$0x1] =	stream.indirect.gather [hbm4b:s4+s18], $0x80, s21, s18, $0xb8;
	[tilespmem:$0x1E600] =	vst v63  }
0x86: {  	_ =	swait.ge [sflag:s26], $0x4000  }
0x87: {  	[sflag:s26] =	ssyncset.done $0x0  }
0x88: {  	s29 =	simm.s32 $0x16280;
	[sflag:s26] =	ssyncadd.s32 $0xFFFFC000  }
0x89: {  	[spmem:s2] =	stream.indirect.scatter.add.f32 [tilespmem:s24], [sflag:$0x3], $0x80, s29, s18, $0xb8;
	[tilespmem:$0x1E600] =	vst v63  }
0x8a: {  	_ =	swait.ge [sflag:s16], $0x4000  }
0x8b: {  	[sflag:s16] =	ssyncset.done $0x0  }
0x8c: {  	[sflag:s16] =	ssyncadd.s32 $0xFFFFC000  }
0x8d: {  	[tilespmem:s24], [sflag:$0x2] =	stream.indirect.gather [hbm4b:s4+s18], $0x80, s28, s18, $0xb8;
	[tilespmem:$0x1E600] =	vst v63  }
0x8e: {  	_ =	swait.ge [sflag:s25], $0x4000  }
0x8f: {  	[sflag:s25] =	ssyncset.done $0x0  }
0x90: {  	s30 =	simm.s32 $0x16300;
	[sflag:s25] =	ssyncadd.s32 $0xFFFFC000  }
0x91: {  	[spmem:s2] =	stream.indirect.scatter.add.f32 [tilespmem:s22], [sflag:$0x3], $0x80, s30, s18, $0xb8;
	[tilespmem:$0x1E600] =	vst v63  }
0x92: {  	_ =	swait.ge [sflag:s16], $0x4000  }
0x93: {  	[sflag:s16] =	ssyncset.done $0x0  }
0x94: {  	[sflag:s16] =	ssyncadd.s32 $0xFFFFC000  }
0x95: {  	_ =	swait.ge [sflag:s26], $0x4000  }
0x96: {  	[sflag:s26] =	ssyncset.done $0x0  }
0x97: {  	s31 =	simm.s32 $0x16380;
	[sflag:s26] =	ssyncadd.s32 $0xFFFFC000  }
0x98: {  	[spmem:s2] =	stream.indirect.scatter.add.f32 [tilespmem:s24], [sflag:$0x3], $0x80, s31, s18, $0xb8;
	[tilespmem:$0x1E600] =	vst v63  }
0x99: {  	_ =	swait.ge [sflag:s16], $0x4000  }
0x9a: {  	s1 =	sadd.s32 $0x1, s1;
	[sflag:s16] =	ssyncset.done $0x0  }
0x9b: {  	p0 =	sne.s32 s1, s12;
	[sflag:s16] =	ssyncadd.s32 $0xFFFFC000  }
.Ltmp1:
0x9c: {  	[bflag:$0x0] =	sbarrier.arrive $0xFFFF;
	(pc) =	sbr.rel @p0 .LBB2_1-.Ltmp1, $4  }
0x9d: {  	[hbm:s11], [sflag:s7] =	dma.local [spmem:s15], $0x2780  }
0x9e: {  	_ =	swait.ge [sflag:s16], $0x2780  }
0x9f: {  	[sflag:s16] =	ssyncset.done $0x0  }
0xa0: {  	[sflag:s16] =	ssyncadd.s32 $0xFFFFD880  }
0xa1: {  	_ =	sfence.sel $0x180000  }
0xa2: {  	[bflag:$0x0] =	sbarrier.arrive $0xFFFF  }
0xa3: {  	_ =	strace $0x9000004D  }
0xa4: {  	s0 =	stileid.u32;
	[bflag:$0x2] =	sbarrier.arrive $0xFFFF  }
0xa5: {  	p0 =	sne.s32 s0, $0x0;
	s0 =	rddreg [dreg:$0x2]  }
0xa6: {  	s0 =	sadd.s32 @!p0 $0x100000, s0  }
0xa7: {  	[sflag:s0] =	ssyncadd.tile.s32 @!p0 $0x1;
	_ =	shalt  }
.Lfunc_end2:
_tile_overlayer_lowered:
.L_overlay_start_2:
0xa8: {  	(tag) =	ssettag $0x2  }
0xa9: {  	s0 =	rddreg [dreg:$0x0];
	s2 =	stileid.u32  }
0xaa: {  	s1 =	rddreg [dreg:$0x1];
	p0 =	sne.s32 s2, $0x0  }
0xab: {  	s3 =	rddreg [dreg:$0x2];
	[bflag:$0x3] =	sbarrier.arrive $0xFFFF;
	s2 =	simm.s32 @!p0 $0x1C03  }
0xac: {  	[timem:s3], [sflag:s2] =	dma.local @!p0 [hbm:s0], s1  }
0xad: {  	s0 =	simm.s32 @!p0 $0x3  }
0xae: {  	_ =	swait.ge @!p0 [sflag:s0], s1  }
0xaf: {  	s1 =	ssub.s32 @!p0 $0x0, s1;
	[sflag:s0] =	ssyncset.done @!p0 $0x0  }
0xb0: {  	[sflag:s0] =	ssyncadd.s32 @!p0 s1  }
0xb1: {  	[bflag:$0x3] =	sbarrier.arrive $0xFFFF  }
0xb2: {  	_ =	shalt  }

// kernel: kernel.19.cloned.1.call-start
scs
__scs_entry_jumppad:
0x0: {  	(pc) =	sbr.rel $0x88, $3  }
0x1: {  	(tag) =	ssettag $0x0;
	lr =	simm.s32 $0x1  }
0x2: {  	[smem:$0x3F8D] =	sst lr;
	_ =	strace $0xD0000000  }
0x3: {  	_ = 	snop  }
0x4: {  	_ = 	snop  }
0x5: {  	_ = 	snop  }
0x6: {  	_ = 	snop  }
0x7: {  	_ = 	snop  }
__scs_overlays_trampoline_lowered:
0x8: {  	[smem:$0x3F9C] =	sst s0  }
0x9: {  	[smem:$0x3F9D] =	sst s1  }
0xa: {  	[smem:$0x3F9E] =	sst s2  }
0xb: {  	[smem:$0x3F9F] =	sst s3  }
0xc: {  	[smem:$0x3FA0] =	sst s4  }
0xd: {  	[smem:$0x3FA1] =	sst s5  }
0xe: {  	[smem:$0x3FA2] =	sst s6  }
0xf: {  	[smem:$0x3FA3] =	sst s7  }
0x10: {  	[smem:$0x3FA4] =	sst s8  }
0x11: {  	[smem:$0x3FA5] =	sst s9;
	s0 =	simm.s32 @!p0 $0x0  }
0x12: {  	s1 =	sld [smem:$0x3F8B];
	s0 =	simm.s32 @p0 $0x1  }
0x13: {  	[smem:$0x3FA6] =	sst s0;
	s0 =	simm.s32 @!p1 $0x0  }
0x14: {  	s2 =	sld [smem:$0x3F8A];
	s0 =	simm.s32 @p1 $0x1  }
0x15: {  	[smem:$0x3FA7] =	sst s0;
	s0 =	simm.s32 @!p2 $0x0  }
0x16: {  	s3 =	sld [smem:$0x3FDB];
	s0 =	simm.s32 @p2 $0x1  }
0x17: {  	s4 =	simm.s32 $0x1BF5;
	[smem:$0x3FA9] =	sst s0  }
0x18: {  	s0 =	sld [smem:$0x3F8C];
	_ =	swait.ge [sflag:s4], $0x0  }
0x19: {  	s7 =	sld [smem:$0x3F8D]  }
0x1a: {  	s8 =	sadd.s32 $0xFFFFE003, lr  }
0x1b: {  	s9 =	sadd.s32 $0xFFFFFEF7, lr;
	s5 =	simm.s32 $0xFFFFFFFF;
	p2 =	slt.u32 s8, $0xFFFFF086  }
0x1c: {  	p1 =	slt.u32 s9, $0xF7A;
	s5 =	simm.s32 @!p2 $0x0  }
0x1d: {  	s5 =	simm.s32 @p1 $0x1;
	p0 =	seq.s32 s7, s2  }
0x1e: {  	s7 =	smul.u32 @!p0 $0xF7A, s2;
	p2 =	seq.s32 @!p0 s5, $0x0  }
0x1f: {  	s9 =	smul.u32 $0xF7A, s1;
	s8 =	simm.s32 @!p0 $0x1BF5;
	p2 =	por !p2, p0  }
0x20: {  	[sflag:s8] =	ssyncset.s32 @!p0 $0xFFFFF086;
	s6 =	sadd.s32 @!p0 s3, s7;
	s7 =	simm.s32 @!p0 $0x108  }
0x21: {  	s3 =	sadd.s32 s3, s9;
	s6 =	sadd.s32 @!p0 $0x88, s6;
	s7 =	simm.s32 @p2 $0x1082  }
0x22: {  	[simem:s7], [sflag:s8] =	dma.local @!p0 [hbm:s6], $0xF7A  }
0x23: {  	s9 =	sor.u32 $0xD0000000, s2;
	s6 =	simm.s32 $0x108;
	_ =	swait.ge @!p0 [sflag:s8], $0x0  }
0x24: {  	s3 =	sadd.s32 $0x88, s3;
	s6 =	simm.s32 @!p1 $0x1082;
	[sflag:s4] =	ssyncset.s32 $0xFFFFF086  }
0x25: {  	[simem:s6], [sflag:s4] =	dma.local [hbm:s3], $0xF7A  }
0x26: {  	[smem:$0x3F8D] =	sst s1;
	(tag) =	ssettag s2;
	_ =	strace s9  }
0x27: {  	s1 =	sld [smem:$0x3F9D]  }
0x28: {  	s2 =	sld [smem:$0x3F9E]  }
0x29: {  	s4 =	sld [smem:$0x3FA0]  }
0x2a: {  	p0 =	seq.s32 s5, $0x0;
	s5 =	sld [smem:$0x3FA1]  }
0x2b: {  	s6 =	sld [smem:$0x3FA2]  }
0x2c: {  	s7 =	sld [smem:$0x3FA3]  }
0x2d: {  	s3 =	simm.s32 $0x108;
	s8 =	sld [smem:$0x3FA4]  }
0x2e: {  	s3 =	simm.s32 @!p0 $0x1082;
	s9 =	sld [smem:$0x3FA5]  }
0x2f: {  	lr =	sadd.s32 s0, s3;
	s0 =	sld [smem:$0x3F9C]  }
0x30: {  	s3 =	sld [smem:$0x3F9F]  }
0x31: {  	[smem:$0x3FA8] =	sst s10  }
0x32: {  	s10 =	sld [smem:$0x3FA6];
	_ =	sdelay $0x3  }
0x33: {  	p0 =	seq.s32 s10, $0x1;
	s10 =	sld [smem:$0x3FA8];
	_ =	sdelay $0x3  }
0x34: {  	[smem:$0x3FA8] =	sst s10  }
0x35: {  	s10 =	sld [smem:$0x3FA7];
	_ =	sdelay $0x3  }
0x36: {  	p1 =	seq.s32 s10, $0x1;
	s10 =	sld [smem:$0x3FA8];
	_ =	sdelay $0x3  }
0x37: {  	[smem:$0x3FA8] =	sst s10  }
0x38: {  	s10 =	sld [smem:$0x3FA9]  }
0x39: {  	_ = 	snop;
	(pc) =	sbr.ind lr, $3  }
0x3a: {  	_ = 	snop  }
0x3b: {  	_ = 	snop  }
0x3c: {  	p2 =	seq.s32 s10, $0x1;
	s10 =	sld [smem:$0x3FA8]  }
0x3d: {  	_ =	shalt  }
0x3e: {  	_ =	shalt  }
0x3f: {  	_ =	shalt  }
0x40: {  	_ =	shalt  }
0x41: {  	_ =	shalt  }
0x42: {  	_ =	shalt  }
0x43: {  	_ =	shalt  }
0x44: {  	_ =	shalt  }
0x45: {  	_ =	shalt  }
0x46: {  	_ =	shalt  }
0x47: {  	_ =	shalt  }
0x48: {  	_ =	shalt  }
0x49: {  	_ =	shalt  }
0x4a: {  	_ =	shalt  }
0x4b: {  	_ =	shalt  }
0x4c: {  	_ =	shalt  }
0x4d: {  	_ =	shalt  }
0x4e: {  	_ =	shalt  }
0x4f: {  	_ =	shalt  }
0x50: {  	_ =	shalt  }
0x51: {  	_ =	shalt  }
0x52: {  	_ =	shalt  }
0x53: {  	_ =	shalt  }
0x54: {  	_ =	shalt  }
0x55: {  	_ =	shalt  }
0x56: {  	_ =	shalt  }
0x57: {  	_ =	shalt  }
0x58: {  	_ =	shalt  }
0x59: {  	_ =	shalt  }
0x5a: {  	_ =	shalt  }
0x5b: {  	_ =	shalt  }
0x5c: {  	_ =	shalt  }
0x5d: {  	_ =	shalt  }
0x5e: {  	_ =	shalt  }
0x5f: {  	_ =	shalt  }
0x60: {  	_ =	shalt  }
0x61: {  	_ =	shalt  }
0x62: {  	_ =	shalt  }
0x63: {  	_ =	shalt  }
0x64: {  	_ =	shalt  }
0x65: {  	_ =	shalt  }
0x66: {  	_ =	shalt  }
0x67: {  	_ =	shalt  }
0x68: {  	_ =	shalt  }
0x69: {  	_ =	shalt  }
0x6a: {  	_ =	shalt  }
0x6b: {  	_ =	shalt  }
0x6c: {  	_ =	shalt  }
0x6d: {  	_ =	shalt  }
0x6e: {  	_ =	shalt  }
0x6f: {  	_ =	shalt  }
0x70: {  	_ =	shalt  }
0x71: {  	_ =	shalt  }
0x72: {  	_ =	shalt  }
0x73: {  	_ =	shalt  }
0x74: {  	_ =	shalt  }
0x75: {  	_ =	shalt  }
0x76: {  	_ =	shalt  }
0x77: {  	_ =	shalt  }
0x78: {  	_ =	shalt  }
0x79: {  	_ =	shalt  }
0x7a: {  	_ =	shalt  }
0x7b: {  	_ =	shalt  }
0x7c: {  	_ =	shalt  }
0x7d: {  	_ =	shalt  }
0x7e: {  	_ =	shalt  }
0x7f: {  	_ =	shalt  }
0x80: {  	_ =	shalt  }
0x81: {  	_ =	shalt  }
0x82: {  	_ =	shalt  }
0x83: {  	_ =	shalt  }
0x84: {  	_ =	shalt  }
0x85: {  	_ =	shalt  }
0x86: {  	_ =	shalt  }
0x87: {  	_ =	shalt  }
.Lfunc_end0:
.L_simem_size_0:
called_computation.3_lowered:
.L_overlay_start_0:
0x88: {  	s2 =	sld [smem:$0x3FD9]  }
0x89: {  	s3 =	sld [smem:$0x3FFE];
	_ =	sdelay $0x1  }
0x8a: {  	s1 =	srdreg.scid  }
0x8b: {  	s0 =	sand.u32 $0x1, s1  }
0x8c: {  	s16 =	sshll.u32 s0, $0xA;
	s2 =	sadd.s32 s3, s2  }
0x8d: {  	s2 =	sadd.s32 s2, s16  }
0x8e: {  	[smem:$0x3FB4] =	sst s2  }
0x8f: {  	_ = 	snop  }
0x90: {  	(tm) =	ssettm $0x1  }
0x91: {  	s17 =	sld [smem:$0x3FFB];
	_ =	sdelay $0x3  }
0x92: {  	_ =	strace s17  }
0x93: {  	s2 =	sld [smem:$0x3FFC];
	_ =	sdelay $0x3  }
0x94: {  	_ =	strace s2  }
0x95: {  	s2 =	sld [smem:$0x3FFD];
	_ =	sdelay $0x3  }
0x96: {  	_ =	strace s2  }
0x97: {  	_ =	strace $0x8FFFFFFF  }
0x98: {  	s18 =	sld [smem:$0x3FDB];
	_ =	sdelay $0x1  }
0x99: {  	s19 =	simm.s32 $_scs_section_size  }
0x9a: {  	s4 =	simm.s32 $_size__tile_overlayer_lowered;
	s5 =	simm.s32 $_tile_overlayer_lowered  }
0x9b: {  	s22 =	simm.s32 $0x1BFF;
	s21 =	sshll.u32 s5, $0x1;
	s2 =	sadd.s32 s19, s18  }
0x9c: {  	s6 =	simm.s32 $0x0;
	s20 =	sshll.u32 s4, $0x1;
	s4 =	sadd.s32 s21, s2  }
0x9d: {  	[timem:s6], [sflag:s22] =	dma.local [hbm:s4], s20  }
0x9e: {  	_ =	swait.ge [sflag:s22], s20  }
0x9f: {  	s3 =	ssub.s32 $0x0, s20;
	[sflag:s22] =	ssyncset.done $0x0  }
0xa0: {  	[sflag:s22] =	ssyncadd.s32 s3;
	_ =	sdelay $0x1  }
0xa1: {  	s23 =	simm.s32 $0x1B8B  }
0xa2: {  	_ =	swait.ge [sflag:s23], $0x1  }
0xa3: {  	[sflag:s23] =	ssyncset.done $0x0  }
0xa4: {  	s25 =	simm.s32 $0x1B8E;
	s24 =	sld [smem:$0x3FFE];
	[sflag:s23] =	ssyncadd.s32 $0xFFFFFFFF  }
0xa5: {  	s26 =	simm.s32 $execute0_lowered;
	[smem:$0x3FD2] =	sst s25  }
0xa6: {  	s4 =	sshll.u32 s26, $0x1;
	_ =	strace $0x8000004F;
	[dreg:$0x1] =	wrdreg $0xFFFFFFFF  }
0xa7: {  	s28 =	simm.s32 $_size_execute0_lowered;
	s2 =	sadd.s32 s2, s4;
	[dreg:$0x0] =	wrdreg $0x0  }
0xa8: {  	s4 =	sshll.u32 s28, $0x1;
	[dreg:$0x2] =	wrdreg s2  }
0xa9: {  	[dreg:$0x3] =	wrdreg s4  }
0xaa: {  	[dreg:$0x4] =	wrdreg $0xC0  }
0xab: {  	_ =	task [dreg:s6], $0x5FFFF  }
0xac: {  	[dreg:$0x1] =	wrdreg $0xFFFFFFFF  }
0xad: {  	[dreg:$0x0] =	wrdreg $0x60  }
0xae: {  	[dreg:$0x2] =	wrdreg s24  }
0xaf: {  	[dreg:$0x3] =	wrdreg $0x0  }
0xb0: {  	[dreg:$0x4] =	wrdreg $0x9  }
0xb1: {  	_ =	task.clear_ibuf [dreg:s6], $0x5FFFF;
	_ =	strace $0x9000004F  }
0xb2: {  	s29 =	simm.s32 $0x9;
	_ =	strace $0x80000051  }
0xb3: {  	_ =	swait.ge [sflag:s29], $0x1  }
0xb4: {  	[sflag:s29] =	ssyncadd.s32 $0xFFFFFFFF  }
0xb5: {  	_ =	strace $0x90000051  }
0xb6: {  	_ =	sfence  }
0xb7: {  	s30 =	sld [smem:$0x0];
	_ =	sdelay $0x2  }
0xb8: {  	s31 =	sshll.u32 s1, $0xD;
	s1 =	sshrl.u32 s1, $0x2  }
0xb9: {  	s3 =	sand.u32 $0x4000, s31;
	s1 =	sadd.s32 s1, s30  }
0xba: {  	s0 =	sor.u32 s3, s0;
	s1 =	sshll.u32 s1, $0x11  }
0xbb: {  	s0 =	sor.u32 s1, s0  }
0xbc: {  	s0 =	sadd.s32 $0x8F2B, s0  }
0xbd: {  	[sflag:s0] =	ssyncadd.remote.s32 $0x1  }
0xbe: {  	_ =	sfence.sel $0xFFFF  }
0xbf: {  	[dreg:$0x0] =	wrdreg $0xFFFFFFFF;
	(pc) =	sbr.abs _section_cstart, $3  }
0xc0: {  	[dreg:$0x1] =	wrdreg $0xFFFFFFFF  }
0xc1: {  	_ =	task.clear_ibuf [dreg:s6], $0x2FFFF;
	_ =	strace $0x9FFFFFFF  }
0xc2: {  	(tm) =	ssettm $0x7FFFFFFF  }
0xc3: {  	_ =	shalt  }
tec
execute0_lowered:
.L_overlay_start_1:
0x0: {  	(tag) =	ssettag $0x1  }
0x1: {  	s0 =	rddreg [dreg:$0x0]  }
0x2: {  	s2 =	rddreg [dreg:$0x1];
	s16 =	stileid.u32  }
0x3: {  	s4 =	simm.s32 $0x0;
	s3 =	srdreg.scid;
	s18 =	simm.s32 $0x80  }
0x4: {  	s19 =	simm.s32 $0x400;
	s20 =	simm.s32 $0x16400;
	s21 =	simm.s32 $0x16500  }
0x5: {  	s22 =	simm.s32 $0x16600;
	s23 =	simm.s32 $0x16480;
	s1 =	smul.u32 $0x500, s16  }
0x6: {  	s24 =	simm.s32 $0x1A600;
	s28 =	simm.s32 $0x16580;
	s6 =	smul.u32 $0x2780, s16  }
0x7: {  	[smem:$0x7FF] =	sst s4;
	s3 =	sand.u32 $0x1, s3;
	s10 =	smul.u32 $0x4F000, s16  }
0x8: {  	s4 =	sadd.s32 $0xFC00, s0;
	s5 =	sadd.s32 $0xC00, s0;
	s7 =	smul.u32 $0x27800, s3  }
0x9: {  	s30 =	sshll.u32 s16, $0x6;
	_ =	strace $0x80000050;
	s14 =	smul.u32 $0x2800, s3  }
0xa: {  	s25 =	sshll.u32 s3, $0x4;
	s26 =	ssub.s32 $0x2, s3;
	s3 =	smul.u32 $0x5000, s3  }
0xb: {  	s9 =	sadd.s32 s1, s0;
	s8 =	sadd.s32 s6, s0;
	s11 =	sshrl.u32 s26, $0x1  }
0xc: {  	s10 =	sshrl.u32 s10, $0x2;
	s6 =	sadd.s32 s6, s7;
	s7 =	sor.u32 s16, s25  }
0xd: {  	s13 =	ssub.s32 s26, s11;
	s15 =	sadd.s32 s10, s2;
	s29 =	sadd.s32 $0xAC000, s8  }
0xe: {  	s16 =	smul.u32 $0x280, s16;
	s31 =	sadd.s32 $0xAC00, s9;
	s25 =	simm.s32 $0x1  }
0xf: {  	s26 =	simm.s32 $0x2;
	s12 =	smul.u32 $0x500, s7;
	[dreg:$0x3] =	wrdreg s29  }
0x10: {  	s0 =	sadd.s32 s6, s0;
	s7 =	sor.u32 $0x1C03, s30;
	[dreg:$0x4] =	wrdreg s31  }
0x11: {  	s15 =	sshrl.u32 s15, $0x3;
	s11 =	sadd.s32 $0xD3800, s0;
	s8 =	sadd.s32 s5, s12  }
0x12: {  	s12 =	smax.u32 s13, $0x1;
	s13 =	sadd.s32 s16, s14;
	s14 =	sadd.s32 s1, s3  }
0x13: {  	s16 =	simm.s32 $0x3;
	s1 =	simm.s32 $0x0;
	s10 =	sadd.s32 $0x10, s8  }
.LBB2_1:
0x14: {  	s0 =	rddreg [dreg:$0x3]  }
0x15: {  	[spmem:s15], [sflag:s7] =	dma.local [hbm:s0], $0x2780  }
0x16: {  	_ =	swait.ge [sflag:s16], $0x2780  }
0x17: {  	s30 =	simm.s32 $0x0;
	[sflag:s16] =	ssyncset.done $0x0  }
0x18: {  	s6 =	simm.s32 $0x13C00;
	s3 =	rddreg [dreg:$0x4];
	[sflag:s16] =	ssyncadd.s32 $0xFFFFD880  }
0x19: {  	[tilespmem:s6], [sflag:$0x3] =	stream.linear.gather [hbm4b:s3+s30], $0x2800, $0x38;
	[tilespmem:$0x1E600] =	vst v63  }
0x1a: {  	_ =	swait.ge [sflag:s16], $0x2800  }
0x1b: {  	[sflag:s16] =	ssyncset.done $0x0  }
0x1c: {  	[sflag:s16] =	ssyncadd.s32 $0xFFFFD800  }
0x1d: {  	[bflag:$0x0] =	sbarrier.arrive $0xFFFF  }
0x1e: {  	[tilespmem:s20], [sflag:$0x3] =	stream.strided.gather [hbm4b:s8+s18], $0x100, s19, s18, $0x38;
	[tilespmem:$0x1E600] =	vst v63  }
0x1f: {  	_ =	swait.ge [sflag:s16], $0x100  }
0x20: {  	[sflag:s16] =	ssyncset.done $0x0  }
0x21: {  	[sflag:s16] =	ssyncadd.s32 $0xFFFFFF00  }
0x22: {  	[tilespmem:s21], [sflag:$0x3] =	stream.strided.gather [hbm4b:s10+s18], $0x100, s19, s18, $0x38;
	[tilespmem:$0x1E600] =	vst v63  }
0x23: {  	_ =	swait.ge [sflag:s16], $0x100  }
0x24: {  	[sflag:s16] =	ssyncset.done $0x0  }
0x25: {  	[sflag:s16] =	ssyncadd.s32 $0xFFFFFF00  }
0x26: {  	[tilespmem:s22], [sflag:$0x1] =	stream.indirect.gather [hbm4b:s4+s18], $0x80, s20, s18, $0xb8;
	[tilespmem:$0x1E600] =	vst v63  }
0x27: {  	_ = 	snop  }
0x28: {  	[tilespmem:s24], [sflag:$0x2] =	stream.indirect.gather [hbm4b:s4+s18], $0x80, s23, s18, $0xb8;
	[tilespmem:$0x1E600] =	vst v63  }
0x29: {  	_ =	swait.ge [sflag:s25], $0x4000  }
0x2a: {  	[sflag:s25] =	ssyncset.done $0x0  }
0x2b: {  	s31 =	simm.s32 $0x13C00;
	[sflag:s25] =	ssyncadd.s32 $0xFFFFC000  }
0x2c: {  	[spmem:s2] =	stream.indirect.scatter.add.f32 [tilespmem:s22], [sflag:$0x3], $0x80, s31, s18, $0xb8;
	[tilespmem:$0x1E600] =	vst v63  }
0x2d: {  	_ =	swait.ge [sflag:s16], $0x4000  }
0x2e: {  	[sflag:s16] =	ssyncset.done $0x0  }
0x2f: {  	[sflag:s16] =	ssyncadd.s32 $0xFFFFC000  }
0x30: {  	[tilespmem:s22], [sflag:$0x1] =	stream.indirect.gather [hbm4b:s4+s18], $0x80, s21, s18, $0xb8;
	[tilespmem:$0x1E600] =	vst v63  }
0x31: {  	_ =	swait.ge [sflag:s26], $0x4000  }
0x32: {  	[sflag:s26] =	ssyncset.done $0x0  }
0x33: {  	s3 =	simm.s32 $0x13C80;
	[sflag:s26] =	ssyncadd.s32 $0xFFFFC000  }
0x34: {  	[spmem:s2] =	stream.indirect.scatter.add.f32 [tilespmem:s24], [sflag:$0x3], $0x80, s3, s18, $0xb8;
	[tilespmem:$0x1E600] =	vst v63  }
0x35: {  	s3 =	sadd.s32 $0x20, s13;
	_ =	swait.ge [sflag:s16], $0x4000  }
0x36: {  	s17 =	sadd.s32 $0x40, s14;
	s6 =	sand.u32 $0x60, s3;
	[sflag:s16] =	ssyncset.done $0x0  }
0x37: {  	s29 =	sand.u32 $0xFFFFF00, s17;
	s0 =	sadd.s32 s5, s6;
	[sflag:s16] =	ssyncadd.s32 $0xFFFFC000  }
0x38: {  	[tilespmem:s24], [sflag:$0x2] =	stream.indirect.gather [hbm4b:s4+s18], $0x80, s28, s18, $0xb8;
	[tilespmem:$0x1E600] =	vst v63  }
0x39: {  	s0 =	sadd.s32 s29, s0  }
0x3a: {  	[tilespmem:s20], [sflag:$0x3] =	stream.strided.gather [hbm4b:s0+s18], $0x100, s19, s18, $0x38;
	[tilespmem:$0x1E600] =	vst v63  }
0x3b: {  	_ =	swait.ge [sflag:s16], $0x100  }
0x3c: {  	[sflag:s16] =	ssyncset.done $0x0  }
0x3d: {  	[sflag:s16] =	ssyncadd.s32 $0xFFFFFF00  }
0x3e: {  	_ =	swait.ge [sflag:s25], $0x4000  }
0x3f: {  	[sflag:s25] =	ssyncset.done $0x0  }
0x40: {  	s9 =	simm.s32 $0x13D00;
	[sflag:s25] =	ssyncadd.s32 $0xFFFFC000  }
0x41: {  	[spmem:s2] =	stream.indirect.scatter.add.f32 [tilespmem:s22], [sflag:$0x3], $0x80, s9, s18, $0xb8;
	[tilespmem:$0x1E600] =	vst v63  }
0x42: {  	_ =	swait.ge [sflag:s16], $0x4000  }
0x43: {  	[sflag:s16] =	ssyncset.done $0x0  }
0x44: {  	[sflag:s16] =	ssyncadd.s32 $0xFFFFC000  }
0x45: {  	[tilespmem:s22], [sflag:$0x1] =	stream.indirect.gather [hbm4b:s4+s18], $0x80, s20, s18, $0xb8;
	[tilespmem:$0x1E600] =	vst v63  }
0x46: {  	_ =	swait.ge [sflag:s26], $0x4000  }
0x47: {  	[sflag:s26] =	ssyncset.done $0x0  }
0x48: {  	s30 =	simm.s32 $0x13D80;
	s31 =	sadd.s32 $0x30, s13;
	[sflag:s26] =	ssyncadd.s32 $0xFFFFC000  }
0x49: {  	[spmem:s2] =	stream.indirect.scatter.add.f32 [tilespmem:s24], [sflag:$0x3], $0x80, s30, s18, $0xb8;
	[tilespmem:$0x1E600] =	vst v63  }
0x4a: {  	s29 =	sadd.s32 $0x60, s14;
	s0 =	sand.u32 $0x70, s31;
	_ =	swait.ge [sflag:s16], $0x4000  }
0x4b: {  	s29 =	sand.u32 $0xFFFFF00, s29;
	s0 =	sadd.s32 s5, s0;
	[sflag:s16] =	ssyncset.done $0x0  }
0x4c: {  	s0 =	sadd.s32 s29, s0;
	s29 =	simm.s32 $0x800;
	[sflag:s16] =	ssyncadd.s32 $0xFFFFC000  }
0x4d: {  	[tilespmem:s24], [sflag:$0x2] =	stream.indirect.gather [hbm4b:s4+s18], $0x80, s23, s18, $0xb8;
	[tilespmem:$0x1E600] =	vst v63  }
.LBB2_2:
0x4e: {  	p0 =	sne.s32 s29, $0x9000;
	s31 =	smov.u32 s29;
	s29 =	sadd.s32 $0x800, s29  }
0x4f: {  	[tilespmem:s21], [sflag:$0x3] =	stream.strided.gather [hbm4b:s0+s18], $0x100, s19, s18, $0x38;
	[tilespmem:$0x1E600] =	vst v63  }
0x50: {  	s30 =	smov.u32 s3;
	s0 =	smov.u32 s17;
	_ =	swait.ge [sflag:s16], $0x100  }
0x51: {  	s31 =	sshra.s32 s31, $0x2;
	[sflag:s16] =	ssyncset.done $0x0  }
0x52: {  	s6 =	sadd.s32 $0x13C00, s31;
	[sflag:s16] =	ssyncadd.s32 $0xFFFFFF00  }
0x53: {  	_ =	swait.ge [sflag:s25], $0x4000  }
0x54: {  	[sflag:s25] =	ssyncset.done $0x0  }
0x55: {  	[sflag:s25] =	ssyncadd.s32 $0xFFFFC000  }
0x56: {  	[spmem:s2] =	stream.indirect.scatter.add.f32 [tilespmem:s22], [sflag:$0x3], $0x80, s6, s18, $0xb8;
	[tilespmem:$0x1E600] =	vst v63  }
0x57: {  	_ =	swait.ge [sflag:s16], $0x4000  }
0x58: {  	[sflag:s16] =	ssyncset.done $0x0  }
0x59: {  	[sflag:s16] =	ssyncadd.s32 $0xFFFFC000  }
0x5a: {  	[tilespmem:s22], [sflag:$0x1] =	stream.indirect.gather [hbm4b:s4+s18], $0x80, s21, s18, $0xb8;
	[tilespmem:$0x1E600] =	vst v63  }
0x5b: {  	_ =	swait.ge [sflag:s26], $0x4000  }
0x5c: {  	[sflag:s26] =	ssyncset.done $0x0  }
0x5d: {  	s3 =	sadd.s32 $0x20, s3;
	s6 =	sadd.s32 $0x13C80, s31;
	[sflag:s26] =	ssyncadd.s32 $0xFFFFC000  }
0x5e: {  	s17 =	sadd.s32 $0x40, s17;
	s9 =	sand.u32 $0x60, s3  }
0x5f: {  	[spmem:s2] =	stream.indirect.scatter.add.f32 [tilespmem:s24], [sflag:$0x3], $0x80, s6, s18, $0xb8;
	[tilespmem:$0x1E600] =	vst v63  }
0x60: {  	s9 =	sadd.s32 s5, s9;
	s6 =	sand.u32 $0xFFFFF00, s17;
	_ =	swait.ge [sflag:s16], $0x4000  }
0x61: {  	s6 =	sadd.s32 s6, s9;
	[sflag:s16] =	ssyncset.done $0x0  }
0x62: {  	[sflag:s16] =	ssyncadd.s32 $0xFFFFC000  }
0x63: {  	[tilespmem:s24], [sflag:$0x2] =	stream.indirect.gather [hbm4b:s4+s18], $0x80, s28, s18, $0xb8;
	[tilespmem:$0x1E600] =	vst v63  }
0x64: {  	_ = 	snop  }
0x65: {  	[tilespmem:s20], [sflag:$0x3] =	stream.strided.gather [hbm4b:s6+s18], $0x100, s19, s18, $0x38;
	[tilespmem:$0x1E600] =	vst v63  }
0x66: {  	_ =	swait.ge [sflag:s16], $0x100  }
0x67: {  	s6 =	sadd.s32 $0x13D00, s31;
	[sflag:s16] =	ssyncset.done $0x0  }
0x68: {  	[sflag:s16] =	ssyncadd.s32 $0xFFFFFF00  }
0x69: {  	_ =	swait.ge [sflag:s25], $0x4000  }
0x6a: {  	[sflag:s25] =	ssyncset.done $0x0  }
0x6b: {  	[sflag:s25] =	ssyncadd.s32 $0xFFFFC000  }
0x6c: {  	[spmem:s2] =	stream.indirect.scatter.add.f32 [tilespmem:s22], [sflag:$0x3], $0x80, s6, s18, $0xb8;
	[tilespmem:$0x1E600] =	vst v63  }
0x6d: {  	_ =	swait.ge [sflag:s16], $0x4000  }
0x6e: {  	[sflag:s16] =	ssyncset.done $0x0  }
0x6f: {  	[sflag:s16] =	ssyncadd.s32 $0xFFFFC000  }
0x70: {  	[tilespmem:s22], [sflag:$0x1] =	stream.indirect.gather [hbm4b:s4+s18], $0x80, s20, s18, $0xb8;
	[tilespmem:$0x1E600] =	vst v63  }
0x71: {  	_ =	swait.ge [sflag:s26], $0x4000  }
0x72: {  	s0 =	sadd.s32 $0x60, s0;
	s6 =	sadd.s32 $0x30, s30;
	[sflag:s26] =	ssyncset.done $0x0  }
0x73: {  	s9 =	sadd.s32 $0x13D80, s31;
	s6 =	sand.u32 $0x70, s6;
	[sflag:s26] =	ssyncadd.s32 $0xFFFFC000  }
0x74: {  	[spmem:s2] =	stream.indirect.scatter.add.f32 [tilespmem:s24], [sflag:$0x3], $0x80, s9, s18, $0xb8;
	[tilespmem:$0x1E600] =	vst v63  }
.Ltmp0:
0x75: {  	_ = 	snop;
	(pc) =	sbr.rel @p0 .LBB2_2-.Ltmp0, $4  }
0x76: {  	s0 =	sand.u32 $0xFFFFF00, s0;
	s6 =	sadd.s32 s5, s6;
	_ =	swait.ge [sflag:s16], $0x4000  }
0x77: {  	s0 =	sadd.s32 s0, s6;
	[sflag:s16] =	ssyncset.done $0x0  }
0x78: {  	[sflag:s16] =	ssyncadd.s32 $0xFFFFC000  }
0x79: {  	[tilespmem:s24], [sflag:$0x2] =	stream.indirect.gather [hbm4b:s4+s18], $0x80, s23, s18, $0xb8;
	[tilespmem:$0x1E600] =	vst v63  }
0x7a: {  	[tilespmem:s21], [sflag:$0x3] =	stream.strided.gather [hbm4b:s0+s18], $0x100, s19, s18, $0x38;
	[tilespmem:$0x1E600] =	vst v63  }
0x7b: {  	_ =	swait.ge [sflag:s16], $0x100  }
0x7c: {  	[sflag:s16] =	ssyncset.done $0x0  }
0x7d: {  	[sflag:s16] =	ssyncadd.s32 $0xFFFFFF00  }
0x7e: {  	_ =	swait.ge [sflag:s25], $0x4000  }
0x7f: {  	[sflag:s25] =	ssyncset.done $0x0  }
0x80: {  	s17 =	simm.s32 $0x16200;
	[sflag:s25] =	ssyncadd.s32 $0xFFFFC000  }
0x81: {  	[spmem:s2] =	stream.indirect.scatter.add.f32 [tilespmem:s22], [sflag:$0x3], $0x80, s17, s18, $0xb8;
	[tilespmem:$0x1E600] =	vst v63  }
0x82: {  	_ =	swait.ge [sflag:s16], $0x4000  }
0x83: {  	[sflag:s16] =	ssyncset.done $0x0  }
0x84: {  	[sflag:s16] =	ssyncadd.s32 $0xFFFFC000  }
0x85: {  	[tilespmem:s22], [sflag:$0x1] =	stream.indirect.gather [hbm4b:s4+s18], $0x80, s21, s18, $0xb8;
	[tilespmem:$0x1E600] =	vst v63  }
0x86: {  	_ =	swait.ge [sflag:s26], $0x4000  }
0x87: {  	[sflag:s26] =	ssyncset.done $0x0  }
0x88: {  	s29 =	simm.s32 $0x16280;
	[sflag:s26] =	ssyncadd.s32 $0xFFFFC000  }
0x89: {  	[spmem:s2] =	stream.indirect.scatter.add.f32 [tilespmem:s24], [sflag:$0x3], $0x80, s29, s18, $0xb8;
	[tilespmem:$0x1E600] =	vst v63  }
0x8a: {  	_ =	swait.ge [sflag:s16], $0x4000  }
0x8b: {  	[sflag:s16] =	ssyncset.done $0x0  }
0x8c: {  	[sflag:s16] =	ssyncadd.s32 $0xFFFFC000  }
0x8d: {  	[tilespmem:s24], [sflag:$0x2] =	stream.indirect.gather [hbm4b:s4+s18], $0x80, s28, s18, $0xb8;
	[tilespmem:$0x1E600] =	vst v63  }
0x8e: {  	_ =	swait.ge [sflag:s25], $0x4000  }
0x8f: {  	[sflag:s25] =	ssyncset.done $0x0  }
0x90: {  	s30 =	simm.s32 $0x16300;
	[sflag:s25] =	ssyncadd.s32 $0xFFFFC000  }
0x91: {  	[spmem:s2] =	stream.indirect.scatter.add.f32 [tilespmem:s22], [sflag:$0x3], $0x80, s30, s18, $0xb8;
	[tilespmem:$0x1E600] =	vst v63  }
0x92: {  	_ =	swait.ge [sflag:s16], $0x4000  }
0x93: {  	[sflag:s16] =	ssyncset.done $0x0  }
0x94: {  	[sflag:s16] =	ssyncadd.s32 $0xFFFFC000  }
0x95: {  	_ =	swait.ge [sflag:s26], $0x4000  }
0x96: {  	[sflag:s26] =	ssyncset.done $0x0  }
0x97: {  	s31 =	simm.s32 $0x16380;
	[sflag:s26] =	ssyncadd.s32 $0xFFFFC000  }
0x98: {  	[spmem:s2] =	stream.indirect.scatter.add.f32 [tilespmem:s24], [sflag:$0x3], $0x80, s31, s18, $0xb8;
	[tilespmem:$0x1E600] =	vst v63  }
0x99: {  	_ =	swait.ge [sflag:s16], $0x4000  }
0x9a: {  	s1 =	sadd.s32 $0x1, s1;
	[sflag:s16] =	ssyncset.done $0x0  }
0x9b: {  	p0 =	sne.s32 s1, s12;
	[sflag:s16] =	ssyncadd.s32 $0xFFFFC000  }
.Ltmp1:
0x9c: {  	[bflag:$0x0] =	sbarrier.arrive $0xFFFF;
	(pc) =	sbr.rel @p0 .LBB2_1-.Ltmp1, $4  }
0x9d: {  	[hbm:s11], [sflag:s7] =	dma.local [spmem:s15], $0x2780  }
0x9e: {  	_ =	swait.ge [sflag:s16], $0x2780  }
0x9f: {  	[sflag:s16] =	ssyncset.done $0x0  }
0xa0: {  	[sflag:s16] =	ssyncadd.s32 $0xFFFFD880  }
0xa1: {  	_ =	sfence.sel $0x180000  }
0xa2: {  	[bflag:$0x0] =	sbarrier.arrive $0xFFFF  }
0xa3: {  	_ =	strace $0x90000050  }
0xa4: {  	s0 =	stileid.u32;
	[bflag:$0x2] =	sbarrier.arrive $0xFFFF  }
0xa5: {  	p0 =	sne.s32 s0, $0x0;
	s0 =	rddreg [dreg:$0x2]  }
0xa6: {  	s0 =	sadd.s32 @!p0 $0x100000, s0  }
0xa7: {  	[sflag:s0] =	ssyncadd.tile.s32 @!p0 $0x1;
	_ =	shalt  }
.Lfunc_end2:
_tile_overlayer_lowered:
.L_overlay_start_2:
0xa8: {  	(tag) =	ssettag $0x2  }
0xa9: {  	s0 =	rddreg [dreg:$0x0];
	s2 =	stileid.u32  }
0xaa: {  	s1 =	rddreg [dreg:$0x1];
	p0 =	sne.s32 s2, $0x0  }
0xab: {  	s3 =	rddreg [dreg:$0x2];
	[bflag:$0x3] =	sbarrier.arrive $0xFFFF;
	s2 =	simm.s32 @!p0 $0x1C03  }
0xac: {  	[timem:s3], [sflag:s2] =	dma.local @!p0 [hbm:s0], s1  }
0xad: {  	s0 =	simm.s32 @!p0 $0x3  }
0xae: {  	_ =	swait.ge @!p0 [sflag:s0], s1  }
0xaf: {  	s1 =	ssub.s32 @!p0 $0x0, s1;
	[sflag:s0] =	ssyncset.done @!p0 $0x0  }
0xb0: {  	[sflag:s0] =	ssyncadd.s32 @!p0 s1  }
0xb1: {  	[bflag:$0x3] =	sbarrier.arrive $0xFFFF  }
0xb2: {  	_ =	shalt  }

</sc_bundles>
